<compile_context>
chip_gen: v7x
topology: tpu7x:2x2x1
jax: 0.10.2.dev20260603
libtpu: 0.0.44.dev20260713+nightly
codegen_flags: <defaults>
</compile_context>

<pallas_src>
import functools

import jax
import jax.numpy as jnp
from jax import lax
from jax.experimental import pallas as pl
from jax.experimental.pallas import tpu as pltpu
from jax.experimental.pallas import tpu_sc as plsc

N = 10000
E = 320000
D = 128
DH = D // 2
DW = 16
G = 64

NC = 2
NS = 16
CHUNK = 128
CPT = 160
CPT_DEG = CPT // NC
E_PAD = NS * CPT * CHUNK
NBUF = 4
PAD_ROWS = 240
ACC_ROWS = N + PAD_ROWS
DEG_ROWS = 10240
ACC_PT = ACC_ROWS // NS
DEG_PT = DEG_ROWS // NS
OUT_TILES = 10
OUT_PT = N // OUT_TILES

ROWS_BLK = 2000
N_BLKS = N // ROWS_BLK

_mesh = plsc.VectorSubcoreMesh(core_axis_name="c", subcore_axis_name="s")
_sc_params = pltpu.CompilerParams(use_tc_tiling_on_sc=False)


@functools.partial(
    pl.kernel,
    out_type=jax.ShapeDtypeStruct((NC, N, DW), jnp.float32),
    mesh=_mesh,
    scratch_types=[
        pltpu.VMEM((CPT_DEG, CHUNK), jnp.int32),
        pltpu.VMEM((CHUNK, DW), jnp.float32),
        pltpu.VMEM_SHARED((DEG_ROWS, DW), jnp.float32),
    ],
    compiler_params=_sc_params,
)
def _sc_deg(dst_hbm, zeros_hbm, ones_hbm, out_hbm, dst_v, ones_v, deg_sp):
    c = lax.axis_index("c")
    s = lax.axis_index("s")
    pltpu.sync_copy(zeros_hbm.at[pl.ds(s * DEG_PT, DEG_PT)],
                    deg_sp.at[pl.ds(s * DEG_PT, DEG_PT)])
    pltpu.sync_copy(dst_hbm.at[s].at[pl.ds(c * CPT_DEG, CPT_DEG)], dst_v)
    pltpu.sync_copy(ones_hbm, ones_v)
    plsc.subcore_barrier()

    def body(j, carry):
        pltpu.sync_copy(ones_v, deg_sp.at[dst_v.at[j]], add=True)
        return carry

    lax.fori_loop(0, CPT_DEG, body, 0)
    plsc.subcore_barrier()

    @pl.when(s < OUT_TILES)
    def _():
        pltpu.sync_copy(deg_sp.at[pl.ds(s * OUT_PT, OUT_PT)],
                        out_hbm.at[c].at[pl.ds(s * OUT_PT, OUT_PT)])


@functools.partial(
    pl.kernel,
    out_type=jax.ShapeDtypeStruct((NC, N, DH), jnp.float32),
    mesh=_mesh,
    scratch_types=[
        pltpu.VMEM((CPT, CHUNK), jnp.int32),
        pltpu.VMEM((CPT, CHUNK), jnp.int32),
        pltpu.VMEM((NBUF, CHUNK, DH), jnp.float32),
        pltpu.VMEM_SHARED((ACC_ROWS, DH), jnp.float32),
    ] + [pltpu.SemaphoreType.DMA] * NBUF,
    compiler_params=_sc_params,
)
def _sc_spmm(u_hbm, src_hbm, dst_hbm, zeros_hbm, out_hbm,
             src_v, dst_v, rows_v, acc_sp, *gsems):
    c = lax.axis_index("c")
    s = lax.axis_index("s")
    u_c = u_hbm.at[c]
    pltpu.sync_copy(zeros_hbm.at[pl.ds(s * ACC_PT, ACC_PT)],
                    acc_sp.at[pl.ds(s * ACC_PT, ACC_PT)])
    pltpu.sync_copy(src_hbm.at[s], src_v)
    pltpu.sync_copy(dst_hbm.at[s], dst_v)
    plsc.subcore_barrier()

    for b in range(NBUF):
        pltpu.async_copy(u_c.at[src_v.at[b]], rows_v.at[b], gsems[b])

    def body(g, carry):
        j0 = g * NBUF
        for b in range(NBUF):
            j = j0 + b
            pltpu.make_async_copy(u_c.at[pl.ds(0, CHUNK)], rows_v.at[b],
                                  gsems[b]).wait()
            pltpu.sync_copy(rows_v.at[b], acc_sp.at[dst_v.at[j]], add=True)
            nj = j + NBUF

            @pl.when(nj < CPT)
            def _():
                pltpu.async_copy(u_c.at[src_v.at[nj]], rows_v.at[b],
                                 gsems[b])
        return carry

    lax.fori_loop(0, CPT // NBUF, body, 0)
    plsc.subcore_barrier()

    @pl.when(s < OUT_TILES)
    def _():
        pltpu.sync_copy(acc_sp.at[pl.ds(s * OUT_PT, OUT_PT)],
                        out_hbm.at[c].at[pl.ds(s * OUT_PT, OUT_PT)])


def _dinv_of(deg_blk):
    deg = deg_blk[0, :, :1] + deg_blk[1, :, :1] + 1.0
    return 1.0 / jnp.sqrt(deg)


def _tc_u1_body(x_ref, w1a_ref, w1b_ref, deg_ref, o_ref):
    dinv = _dinv_of(deg_ref[...])
    x = x_ref[...]
    o_ref[0] = jnp.dot(x, w1a_ref[...],
                       preferred_element_type=jnp.float32) * dinv
    o_ref[1] = jnp.dot(x, w1b_ref[...],
                       preferred_element_type=jnp.float32) * dinv


def _tc_u2_body(acc_ref, u1_ref, deg_ref, w2a_ref, w2b_ref, b1_ref, o_ref):
    dinv = _dinv_of(deg_ref[...])
    a = acc_ref[...]
    u1 = u1_ref[...]
    h1 = jnp.concatenate([a[0] + u1[0], a[1] + u1[1]], axis=1)
    z1 = jax.nn.relu(h1 * dinv + b1_ref[...])
    o_ref[0] = jnp.dot(z1, w2a_ref[...],
                       preferred_element_type=jnp.float32) * dinv
    o_ref[1] = jnp.dot(z1, w2b_ref[...],
                       preferred_element_type=jnp.float32) * dinv


def _tc_pool_body(acc_ref, u2_ref, deg_ref, b2_ref, batch_ref, o_ref,
                  sums_ref, cnts_ref):
    i = pl.program_id(0)

    @pl.when(i == 0)
    def _():
        sums_ref[...] = jnp.zeros_like(sums_ref)
        cnts_ref[...] = jnp.zeros_like(cnts_ref)

    dinv = _dinv_of(deg_ref[...])
    a = acc_ref[...]
    u2 = u2_ref[...]
    h2 = jnp.concatenate([a[0] + u2[0], a[1] + u2[1]], axis=1)
    z2 = h2 * dinv + b2_ref[...]
    gids = lax.broadcasted_iota(jnp.int32, (ROWS_BLK, G), 1)
    onehot = (batch_ref[...] == gids).astype(jnp.float32)
    dn = (((0,), (0,)), ((), ()))
    sums_ref[...] += lax.dot_general(onehot, z2, dn,
                                     preferred_element_type=jnp.float32)
    cnts_ref[...] += lax.dot_general(onehot, jnp.ones_like(z2), dn,
                                     preferred_element_type=jnp.float32)

    @pl.when(i == N_BLKS - 1)
    def _():
        o_ref[...] = sums_ref[...] / jnp.maximum(cnts_ref[...], 1.0)


_row_spec = pl.BlockSpec((ROWS_BLK, D), lambda i: (i, 0))
_deg_spec = pl.BlockSpec((NC, ROWS_BLK, DW), lambda i: (0, i, 0))
_u_spec = pl.BlockSpec((NC, ROWS_BLK, DH), lambda i: (0, i, 0))
_wh_spec = pl.BlockSpec((D, DH), lambda i: (0, 0))
_b_spec = pl.BlockSpec((1, D), lambda i: (0, 0))

_tc_u1 = pl.pallas_call(
    _tc_u1_body,
    grid=(N_BLKS,),
    in_specs=[_row_spec, _wh_spec, _wh_spec, _deg_spec],
    out_specs=_u_spec,
    out_shape=jax.ShapeDtypeStruct((NC, N, DH), jnp.float32),
)

_tc_u2 = pl.pallas_call(
    _tc_u2_body,
    grid=(N_BLKS,),
    in_specs=[_u_spec, _u_spec, _deg_spec, _wh_spec, _wh_spec, _b_spec],
    out_specs=_u_spec,
    out_shape=jax.ShapeDtypeStruct((NC, N, DH), jnp.float32),
)

_tc_pool = pl.pallas_call(
    _tc_pool_body,
    grid=(N_BLKS,),
    in_specs=[_u_spec, _u_spec, _deg_spec, _b_spec,
              pl.BlockSpec((ROWS_BLK, 1), lambda i: (i, 0))],
    out_specs=pl.BlockSpec((G, D), lambda i: (0, 0)),
    out_shape=jax.ShapeDtypeStruct((G, D), jnp.float32),
    scratch_shapes=[pltpu.VMEM((G, D), jnp.float32),
                    pltpu.VMEM((G, D), jnp.float32)],
)


def kernel(x, edge_index, batch, W1, b1, W2, b2):
    src = edge_index[0]
    dst = edge_index[1]
    npad = E_PAD - E
    pad_i = jnp.arange(npad, dtype=jnp.int32)
    src_p = jnp.concatenate([src, pad_i % N]).reshape(NS, CPT, CHUNK)
    dst_p = jnp.concatenate([dst, N + (pad_i % PAD_ROWS)]).reshape(
        NS, CPT, CHUNK)

    zdeg = jnp.zeros((DEG_ROWS, DW), jnp.float32)
    ones = jnp.ones((CHUNK, DW), jnp.float32)
    zacc = jnp.zeros((ACC_ROWS, DH), jnp.float32)
    w1a, w1b = W1[:, :DH], W1[:, DH:]
    w2a, w2b = W2[:, :DH], W2[:, DH:]
    b1r = b1.reshape(1, D)
    b2r = b2.reshape(1, D)
    batch_c = batch.astype(jnp.int32).reshape(N, 1)

    deg = _sc_deg(dst_p, zdeg, ones)
    u1 = _tc_u1(x, w1a, w1b, deg)
    acc1 = _sc_spmm(u1, src_p, dst_p, zacc)
    u2 = _tc_u2(acc1, u1, deg, w2a, w2b, b1r)
    acc2 = _sc_spmm(u2, src_p, dst_p, zacc)
    return _tc_pool(acc2, u2, deg, b2r, batch_c)

# --- scband reference (transcript-rebuilt; emitter-appended) ---
"""Pipeline reference for scband-gcn-67774583930931 (READ-ONLY COPY).

The authoritative reference and input builder live on the scoring server;
editing this copy changes nothing except your own understanding.
"""

import jax, jax.numpy as jnp
import numpy as np

N_NODES = 10000
N_EDGES = 320000
D_IN = 128
D_HID = 128
D_OUT = 128
N_GRAPHS = 64


def setup_inputs(seed: int = 0) -> dict:
    key = jax.random.key(seed)
    ks = jax.random.split(key, 8)
    x = jax.random.normal(ks[0], (N_NODES, D_IN), dtype=jnp.float32)
    edge_index = jax.random.randint(ks[1], (2, N_EDGES), 0, N_NODES, dtype=jnp.int32)
    batch = jnp.sort(jax.random.randint(ks[2], (N_NODES,), 0, N_GRAPHS, dtype=jnp.int32))
    W1 = jax.random.normal(ks[3], (D_IN, D_HID), dtype=jnp.float32) * 0.05
    b1 = jnp.zeros((D_HID,), dtype=jnp.float32)
    W2 = jax.random.normal(ks[4], (D_HID, D_OUT), dtype=jnp.float32) * 0.05
    b2 = jnp.zeros((D_OUT,), dtype=jnp.float32)
    return {"x": x, "edge_index": edge_index, "batch": batch, "W1": W1, "b1": b1, "W2": W2, "b2": b2}


def _gcn_conv(x, edge_index, W, b):
    # GCNConv: D^{-1/2} (A + I) D^{-1/2} X W + b  (add self-loops, symmetric norm)
    n = x.shape[0]
    loop = jnp.arange(n, dtype=edge_index.dtype)
    src = jnp.concatenate([edge_index[0], loop])
    dst = jnp.concatenate([edge_index[1], loop])
    deg = jnp.zeros((n,), dtype=x.dtype).at[dst].add(1.0)
    deg_inv_sqrt = jnp.where(deg > 0, 1.0 / jnp.sqrt(deg), 0.0)
    norm = deg_inv_sqrt[src] * deg_inv_sqrt[dst]
    h = x @ W
    msg = h[src] * norm[:, None]
    out = jnp.zeros((n, W.shape[1]), dtype=x.dtype).at[dst].add(msg)
    return out + b


def reference(x, edge_index, batch, W1, b1, W2, b2):
    h = jax.nn.relu(_gcn_conv(x, edge_index, W1, b1))
    h = _gcn_conv(h, edge_index, W2, b2)
    sums = jax.ops.segment_sum(h, batch, num_segments=N_GRAPHS)
    counts = jax.ops.segment_sum(jnp.ones((h.shape[0],), dtype=h.dtype), batch, num_segments=N_GRAPHS)
    pooled = sums / jnp.clip(counts, 1.0)[:, None]
    # dropout in eval mode is identity
    return pooled

if __name__ == "__main__":
    import jax
    _d = setup_inputs()
    print(jax.jit(kernel)(*tuple(_d.values())))

</pallas_src>

<mosaic_0001>
#map = affine_map<(d0, d1) -> (0, 0, 0)>
#map1 = affine_map<(d0, d1) -> (0, 0)>
module attributes {stable_mosaic.version = 14 : i64} {
  func.func @_sc_deg(%arg0: i32, %arg1: i32, %arg2: memref<16x160x128xi32, #tpu.memory_space<hbm>>, %arg3: memref<10240x16xf32, #tpu.memory_space<hbm>>, %arg4: memref<128x16xf32, #tpu.memory_space<hbm>>, %arg5: memref<2x10000x16xf32, #tpu.memory_space<hbm>>, %arg6: memref<80x128xi32, #tpu.memory_space<vmem>>, %arg7: memref<128x16xf32, #tpu.memory_space<vmem>>, %arg8: memref<10240x16xf32, #tpu.memory_space<vmem_shared>>) attributes {dimension_semantics = [#tpu.dimension_semantics<core_parallel>, #tpu.dimension_semantics<subcore_parallel>], iteration_bounds = array<i64: 2, 16>, scalar_prefetch = 0 : i64, scratch_operands = 3 : i64, tpu.core_type = #tpu.core_type<sc_vector_subcore>, window_params = [{transform_indices = #map}, {transform_indices = #map1}, {transform_indices = #map1}, {transform_indices = #map}]} {
    %mul3A = arith.constant 640 : i32
    %mul3A_0 = arith.muli %arg1, %mul3A : i32
    %mul3A_1 = arith.constant 640 : i32
    %mul3A_2 = arith.muli %arg1, %mul3A_1 : i32
    "tpu.region"() ({
      %run_scoped3A = tpu.sem_alloc : memref<!tpu.dma_semaphore, #tpu.memory_space<semaphore_mem>>
      %dma_start3A = arith.constant 0 : i32
      %dma_start3A_13 = tpu.memref_slice %arg8[%mul3A_2, %dma_start3A] : memref<10240x16xf32, #tpu.memory_space<vmem_shared>> -> memref<640x16xf32, #tpu.memory_space<vmem_shared>>
      %dma_start3A_14 = arith.constant 0 : i32
      %dma_start3A_15 = tpu.memref_slice %arg3[%mul3A_0, %dma_start3A_14] : memref<10240x16xf32, #tpu.memory_space<hbm>> -> memref<640x16xf32, #tpu.memory_space<hbm>>
      tpu.enqueue_dma source(%dma_start3A_15 : memref<640x16xf32, #tpu.memory_space<hbm>>) target(%dma_start3A_13 : memref<640x16xf32, #tpu.memory_space<vmem_shared>>) target_semaphore(%run_scoped3A : memref<!tpu.dma_semaphore, #tpu.memory_space<semaphore_mem>>)
      %dma_wait3A = arith.constant 0 : i32
      %dma_wait3A_16 = tpu.memref_slice %arg8[%mul3A_2, %dma_wait3A] : memref<10240x16xf32, #tpu.memory_space<vmem_shared>> -> memref<640x16xf32, #tpu.memory_space<vmem_shared>>
      %dma_wait3A_17 = arith.constant 0 : i32
      %dma_wait3A_18 = tpu.memref_slice %arg3[%mul3A_0, %dma_wait3A_17] : memref<10240x16xf32, #tpu.memory_space<hbm>> -> memref<640x16xf32, #tpu.memory_space<hbm>>
      tpu.wait_dma2 semaphore(%run_scoped3A : memref<!tpu.dma_semaphore, #tpu.memory_space<semaphore_mem>>) src(%dma_wait3A_18 : memref<640x16xf32, #tpu.memory_space<hbm>>) dst(%dma_wait3A_16 : memref<640x16xf32, #tpu.memory_space<vmem_shared>>)
      tpu.yield
    }) : () -> ()
    %mul3A_3 = arith.constant 80 : i32
    %mul3A_4 = arith.muli %arg0, %mul3A_3 : i32
    "tpu.region"() ({
      %run_scoped3A = tpu.sem_alloc : memref<!tpu.dma_semaphore, #tpu.memory_space<semaphore_mem>>
      %dma_start3A = arith.constant 0 : i32
      %dma_start3A_13 = arith.constant 0 : i32
      %dma_start3A_14 = tpu.memref_slice %arg2[%arg1, %dma_start3A, %dma_start3A_13] : memref<16x160x128xi32, #tpu.memory_space<hbm>> -> memref<1x160x128xi32, #tpu.memory_space<hbm>>
      %dma_start3A_15 = tpu.memref_squeeze %dma_start3A_14 : memref<1x160x128xi32, #tpu.memory_space<hbm>> -> memref<160x128xi32, #tpu.memory_space<hbm>>
      %dma_start3A_16 = arith.constant 0 : i32
      %dma_start3A_17 = tpu.memref_slice %dma_start3A_15[%mul3A_4, %dma_start3A_16] : memref<160x128xi32, #tpu.memory_space<hbm>> -> memref<80x128xi32, #tpu.memory_space<hbm>>
      %dma_start3A_18 = arith.constant 0 : i32
      %dma_start3A_19 = arith.constant 0 : i32
      %dma_start3A_20 = tpu.memref_slice %arg2[%arg1, %dma_start3A_18, %dma_start3A_19] : memref<16x160x128xi32, #tpu.memory_space<hbm>> -> memref<1x160x128xi32, #tpu.memory_space<hbm>>
      %dma_start3A_21 = tpu.memref_squeeze %dma_start3A_20 : memref<1x160x128xi32, #tpu.memory_space<hbm>> -> memref<160x128xi32, #tpu.memory_space<hbm>>
      %dma_start3A_22 = arith.constant 0 : i32
      %dma_start3A_23 = tpu.memref_slice %dma_start3A_21[%mul3A_4, %dma_start3A_22] : memref<160x128xi32, #tpu.memory_space<hbm>> -> memref<80x128xi32, #tpu.memory_space<hbm>>
      tpu.enqueue_dma source(%dma_start3A_23 : memref<80x128xi32, #tpu.memory_space<hbm>>) target(%arg6 : memref<80x128xi32, #tpu.memory_space<vmem>>) target_semaphore(%run_scoped3A : memref<!tpu.dma_semaphore, #tpu.memory_space<semaphore_mem>>)
      %dma_wait3A = arith.constant 0 : i32
      %dma_wait3A_24 = arith.constant 0 : i32
      %dma_wait3A_25 = tpu.memref_slice %arg2[%arg1, %dma_wait3A, %dma_wait3A_24] : memref<16x160x128xi32, #tpu.memory_space<hbm>> -> memref<1x160x128xi32, #tpu.memory_space<hbm>>
      %dma_wait3A_26 = tpu.memref_squeeze %dma_wait3A_25 : memref<1x160x128xi32, #tpu.memory_space<hbm>> -> memref<160x128xi32, #tpu.memory_space<hbm>>
      %dma_wait3A_27 = arith.constant 0 : i32
      %dma_wait3A_28 = tpu.memref_slice %dma_wait3A_26[%mul3A_4, %dma_wait3A_27] : memref<160x128xi32, #tpu.memory_space<hbm>> -> memref<80x128xi32, #tpu.memory_space<hbm>>
      %dma_wait3A_29 = arith.constant 0 : i32
      %dma_wait3A_30 = arith.constant 0 : i32
      %dma_wait3A_31 = tpu.memref_slice %arg2[%arg1, %dma_wait3A_29, %dma_wait3A_30] : memref<16x160x128xi32, #tpu.memory_space<hbm>> -> memref<1x160x128xi32, #tpu.memory_space<hbm>>
      %dma_wait3A_32 = tpu.memref_squeeze %dma_wait3A_31 : memref<1x160x128xi32, #tpu.memory_space<hbm>> -> memref<160x128xi32, #tpu.memory_space<hbm>>
      %dma_wait3A_33 = arith.constant 0 : i32
      %dma_wait3A_34 = tpu.memref_slice %dma_wait3A_32[%mul3A_4, %dma_wait3A_33] : memref<160x128xi32, #tpu.memory_space<hbm>> -> memref<80x128xi32, #tpu.memory_space<hbm>>
      tpu.wait_dma2 semaphore(%run_scoped3A : memref<!tpu.dma_semaphore, #tpu.memory_space<semaphore_mem>>) src(%dma_wait3A_34 : memref<80x128xi32, #tpu.memory_space<hbm>>) dst(%arg6 : memref<80x128xi32, #tpu.memory_space<vmem>>)
      tpu.yield
    }) : () -> ()
    "tpu.region"() ({
      %run_scoped3A = tpu.sem_alloc : memref<!tpu.dma_semaphore, #tpu.memory_space<semaphore_mem>>
      tpu.enqueue_dma source(%arg4 : memref<128x16xf32, #tpu.memory_space<hbm>>) target(%arg7 : memref<128x16xf32, #tpu.memory_space<vmem>>) target_semaphore(%run_scoped3A : memref<!tpu.dma_semaphore, #tpu.memory_space<semaphore_mem>>)
      tpu.wait_dma2 semaphore(%run_scoped3A : memref<!tpu.dma_semaphore, #tpu.memory_space<semaphore_mem>>) src(%arg4 : memref<128x16xf32, #tpu.memory_space<hbm>>) dst(%arg7 : memref<128x16xf32, #tpu.memory_space<vmem>>)
      tpu.yield
    }) : () -> ()
    %barrier3A = arith.constant 0 : index
    tpu.barrier barrier_id(%barrier3A)
    %scan3A = arith.constant 0 : i32
    %scan3A_5 = arith.constant 0 : i32
    %scan3A_6 = arith.constant 80 : i32
    %scan3A_7 = arith.addi %scan3A_5, %scan3A_6 : i32
    %scan3A_8 = arith.constant 1 : i32
    scf.for %scan3A_13 = %scan3A_5 to %scan3A_7 step %scan3A_8  : i32 {
      "tpu.region"() ({
        %run_scoped3A = tpu.sem_alloc : memref<!tpu.dma_semaphore, #tpu.memory_space<semaphore_mem>>
        %dma_start3A = arith.constant 0 : i32
        %dma_start3A_14 = tpu.memref_slice %arg6[%scan3A_13, %dma_start3A] : memref<80x128xi32, #tpu.memory_space<vmem>> -> memref<1x128xi32, #tpu.memory_space<vmem>>
        %dma_start3A_15 = tpu.memref_squeeze %dma_start3A_14 : memref<1x128xi32, #tpu.memory_space<vmem>> -> memref<128xi32, #tpu.memory_space<vmem>>
        %dma_start3A_16 = arith.constant 0 : i32
        %dma_start3A_17 = arith.constant 0 : i32
        %dma_start3A_18 = tpu.memref_slice %arg8[%dma_start3A_16, %dma_start3A_17] : memref<10240x16xf32, #tpu.memory_space<vmem_shared>> -> memref<10240x16xf32, #tpu.memory_space<vmem_shared>>
        tpu.enqueue_indirect_dma source(%arg7 : memref<128x16xf32, #tpu.memory_space<vmem>>) target(%dma_start3A_18 : memref<10240x16xf32, #tpu.memory_space<vmem_shared>>) offsets(%dma_start3A_15 : memref<128xi32, #tpu.memory_space<vmem>>) semaphore(%run_scoped3A : memref<!tpu.dma_semaphore, #tpu.memory_space<semaphore_mem>>) {add = true}
        %dma_wait3A = arith.constant 0 : i32
        %dma_wait3A_19 = tpu.memref_slice %arg6[%scan3A_13, %dma_wait3A] : memref<80x128xi32, #tpu.memory_space<vmem>> -> memref<1x128xi32, #tpu.memory_space<vmem>>
        %dma_wait3A_20 = tpu.memref_squeeze %dma_wait3A_19 : memref<1x128xi32, #tpu.memory_space<vmem>> -> memref<128xi32, #tpu.memory_space<vmem>>
        %dma_wait3A_21 = arith.constant 0 : i32
        %dma_wait3A_22 = arith.constant 0 : i32
        %dma_wait3A_23 = tpu.memref_slice %arg8[%dma_wait3A_21, %dma_wait3A_22] : memref<10240x16xf32, #tpu.memory_space<vmem_shared>> -> memref<10240x16xf32, #tpu.memory_space<vmem_shared>>
        tpu.wait_indirect_dma semaphore(%run_scoped3A : memref<!tpu.dma_semaphore, #tpu.memory_space<semaphore_mem>>) src(%arg7 : memref<128x16xf32, #tpu.memory_space<vmem>>) dst(%dma_wait3A_23 : memref<10240x16xf32, #tpu.memory_space<vmem_shared>>)
        tpu.yield
      }) : () -> ()
    }
    %scan3A_9 = arith.constant 80 : i32
    %barrier3A_10 = arith.constant 0 : index
    tpu.barrier barrier_id(%barrier3A_10)
    %lt3A = arith.constant 10 : i32
    %lt3A_11 = arith.cmpi slt, %arg1, %lt3A : i32
    %convert_element_type3A = arith.extui %lt3A_11 : i1 to i32
    %cond3A = arith.constant 0 : i32
    %cond3A_12 = arith.cmpi ne, %convert_element_type3A, %cond3A : i32
    scf.if %cond3A_12 {
      %mul3A_13 = arith.constant 1000 : i32
      %mul3A_14 = arith.muli %arg1, %mul3A_13 : i32
      %mul3A_15 = arith.constant 1000 : i32
      %mul3A_16 = arith.muli %arg1, %mul3A_15 : i32
      "tpu.region"() ({
        %run_scoped3A = tpu.sem_alloc : memref<!tpu.dma_semaphore, #tpu.memory_space<semaphore_mem>>
        %dma_start3A = arith.constant 0 : i32
        %dma_start3A_17 = arith.constant 0 : i32
        %dma_start3A_18 = tpu.memref_slice %arg5[%arg0, %dma_start3A, %dma_start3A_17] : memref<2x10000x16xf32, #tpu.memory_space<hbm>> -> memref<1x10000x16xf32, #tpu.memory_space<hbm>>
        %dma_start3A_19 = tpu.memref_squeeze %dma_start3A_18 : memref<1x10000x16xf32, #tpu.memory_space<hbm>> -> memref<10000x16xf32, #tpu.memory_space<hbm>>
        %dma_start3A_20 = arith.constant 0 : i32
        %dma_start3A_21 = tpu.memref_slice %dma_start3A_19[%mul3A_16, %dma_start3A_20] : memref<10000x16xf32, #tpu.memory_space<hbm>> -> memref<1000x16xf32, #tpu.memory_space<hbm>>
        %dma_start3A_22 = arith.constant 0 : i32
        %dma_start3A_23 = tpu.memref_slice %arg8[%mul3A_14, %dma_start3A_22] : memref<10240x16xf32, #tpu.memory_space<vmem_shared>> -> memref<1000x16xf32, #tpu.memory_space<vmem_shared>>
        tpu.enqueue_dma source(%dma_start3A_23 : memref<1000x16xf32, #tpu.memory_space<vmem_shared>>) target(%dma_start3A_21 : memref<1000x16xf32, #tpu.memory_space<hbm>>) target_semaphore(%run_scoped3A : memref<!tpu.dma_semaphore, #tpu.memory_space<semaphore_mem>>)
        %dma_wait3A = arith.constant 0 : i32
        %dma_wait3A_24 = arith.constant 0 : i32
        %dma_wait3A_25 = tpu.memref_slice %arg5[%arg0, %dma_wait3A, %dma_wait3A_24] : memref<2x10000x16xf32, #tpu.memory_space<hbm>> -> memref<1x10000x16xf32, #tpu.memory_space<hbm>>
        %dma_wait3A_26 = tpu.memref_squeeze %dma_wait3A_25 : memref<1x10000x16xf32, #tpu.memory_space<hbm>> -> memref<10000x16xf32, #tpu.memory_space<hbm>>
        %dma_wait3A_27 = arith.constant 0 : i32
        %dma_wait3A_28 = tpu.memref_slice %dma_wait3A_26[%mul3A_16, %dma_wait3A_27] : memref<10000x16xf32, #tpu.memory_space<hbm>> -> memref<1000x16xf32, #tpu.memory_space<hbm>>
        %dma_wait3A_29 = arith.constant 0 : i32
        %dma_wait3A_30 = tpu.memref_slice %arg8[%mul3A_14, %dma_wait3A_29] : memref<10240x16xf32, #tpu.memory_space<vmem_shared>> -> memref<1000x16xf32, #tpu.memory_space<vmem_shared>>
        tpu.wait_dma2 semaphore(%run_scoped3A : memref<!tpu.dma_semaphore, #tpu.memory_space<semaphore_mem>>) src(%dma_wait3A_30 : memref<1000x16xf32, #tpu.memory_space<vmem_shared>>) dst(%dma_wait3A_28 : memref<1000x16xf32, #tpu.memory_space<hbm>>)
        tpu.yield
      }) : () -> ()
    } else {
    }
    return
  }
}

#map = affine_map<(d0, d1) -> (0, 0, 0)>
#map1 = affine_map<(d0, d1) -> (0, 0)>
module attributes {stable_mosaic.version = 14 : i64} {
  func.func @_sc_spmm(%arg0: i32, %arg1: i32, %arg2: memref<2x10000x64xf32, #tpu.memory_space<hbm>>, %arg3: memref<16x160x128xi32, #tpu.memory_space<hbm>>, %arg4: memref<16x160x128xi32, #tpu.memory_space<hbm>>, %arg5: memref<10240x64xf32, #tpu.memory_space<hbm>>, %arg6: memref<2x10000x64xf32, #tpu.memory_space<hbm>>, %arg7: memref<160x128xi32, #tpu.memory_space<vmem>>, %arg8: memref<160x128xi32, #tpu.memory_space<vmem>>, %arg9: memref<4x128x64xf32, #tpu.memory_space<vmem>>, %arg10: memref<10240x64xf32, #tpu.memory_space<vmem_shared>>, %arg11: memref<!tpu.dma_semaphore, #tpu.memory_space<semaphore_mem>>, %arg12: memref<!tpu.dma_semaphore, #tpu.memory_space<semaphore_mem>>, %arg13: memref<!tpu.dma_semaphore, #tpu.memory_space<semaphore_mem>>, %arg14: memref<!tpu.dma_semaphore, #tpu.memory_space<semaphore_mem>>) attributes {dimension_semantics = [#tpu.dimension_semantics<core_parallel>, #tpu.dimension_semantics<subcore_parallel>], iteration_bounds = array<i64: 2, 16>, scalar_prefetch = 0 : i64, scratch_operands = 8 : i64, tpu.core_type = #tpu.core_type<sc_vector_subcore>, window_params = [{transform_indices = #map}, {transform_indices = #map}, {transform_indices = #map}, {transform_indices = #map1}, {transform_indices = #map}]} {
    %mul3A = arith.constant 640 : i32
    %mul3A_0 = arith.muli %arg1, %mul3A : i32
    %mul3A_1 = arith.constant 640 : i32
    %mul3A_2 = arith.muli %arg1, %mul3A_1 : i32
    "tpu.region"() ({
      %run_scoped3A = tpu.sem_alloc : memref<!tpu.dma_semaphore, #tpu.memory_space<semaphore_mem>>
      %dma_start3A_74 = arith.constant 0 : i32
      %dma_start3A_75 = tpu.memref_slice %arg10[%mul3A_2, %dma_start3A_74] : memref<10240x64xf32, #tpu.memory_space<vmem_shared>> -> memref<640x64xf32, #tpu.memory_space<vmem_shared>>
      %dma_start3A_76 = arith.constant 0 : i32
      %dma_start3A_77 = tpu.memref_slice %arg5[%mul3A_0, %dma_start3A_76] : memref<10240x64xf32, #tpu.memory_space<hbm>> -> memref<640x64xf32, #tpu.memory_space<hbm>>
      tpu.enqueue_dma source(%dma_start3A_77 : memref<640x64xf32, #tpu.memory_space<hbm>>) target(%dma_start3A_75 : memref<640x64xf32, #tpu.memory_space<vmem_shared>>) target_semaphore(%run_scoped3A : memref<!tpu.dma_semaphore, #tpu.memory_space<semaphore_mem>>)
      %dma_wait3A = arith.constant 0 : i32
      %dma_wait3A_78 = tpu.memref_slice %arg10[%mul3A_2, %dma_wait3A] : memref<10240x64xf32, #tpu.memory_space<vmem_shared>> -> memref<640x64xf32, #tpu.memory_space<vmem_shared>>
      %dma_wait3A_79 = arith.constant 0 : i32
      %dma_wait3A_80 = tpu.memref_slice %arg5[%mul3A_0, %dma_wait3A_79] : memref<10240x64xf32, #tpu.memory_space<hbm>> -> memref<640x64xf32, #tpu.memory_space<hbm>>
      tpu.wait_dma2 semaphore(%run_scoped3A : memref<!tpu.dma_semaphore, #tpu.memory_space<semaphore_mem>>) src(%dma_wait3A_80 : memref<640x64xf32, #tpu.memory_space<hbm>>) dst(%dma_wait3A_78 : memref<640x64xf32, #tpu.memory_space<vmem_shared>>)
      tpu.yield
    }) : () -> ()
    "tpu.region"() ({
      %run_scoped3A = tpu.sem_alloc : memref<!tpu.dma_semaphore, #tpu.memory_space<semaphore_mem>>
      %dma_start3A_74 = arith.constant 0 : i32
      %dma_start3A_75 = arith.constant 0 : i32
      %dma_start3A_76 = tpu.memref_slice %arg3[%arg1, %dma_start3A_74, %dma_start3A_75] : memref<16x160x128xi32, #tpu.memory_space<hbm>> -> memref<1x160x128xi32, #tpu.memory_space<hbm>>
      %dma_start3A_77 = tpu.memref_squeeze %dma_start3A_76 : memref<1x160x128xi32, #tpu.memory_space<hbm>> -> memref<160x128xi32, #tpu.memory_space<hbm>>
      %dma_start3A_78 = arith.constant 0 : i32
      %dma_start3A_79 = arith.constant 0 : i32
      %dma_start3A_80 = tpu.memref_slice %arg3[%arg1, %dma_start3A_78, %dma_start3A_79] : memref<16x160x128xi32, #tpu.memory_space<hbm>> -> memref<1x160x128xi32, #tpu.memory_space<hbm>>
      %dma_start3A_81 = tpu.memref_squeeze %dma_start3A_80 : memref<1x160x128xi32, #tpu.memory_space<hbm>> -> memref<160x128xi32, #tpu.memory_space<hbm>>
      tpu.enqueue_dma source(%dma_start3A_81 : memref<160x128xi32, #tpu.memory_space<hbm>>) target(%arg7 : memref<160x128xi32, #tpu.memory_space<vmem>>) target_semaphore(%run_scoped3A : memref<!tpu.dma_semaphore, #tpu.memory_space<semaphore_mem>>)
      %dma_wait3A = arith.constant 0 : i32
      %dma_wait3A_82 = arith.constant 0 : i32
      %dma_wait3A_83 = tpu.memref_slice %arg3[%arg1, %dma_wait3A, %dma_wait3A_82] : memref<16x160x128xi32, #tpu.memory_space<hbm>> -> memref<1x160x128xi32, #tpu.memory_space<hbm>>
      %dma_wait3A_84 = tpu.memref_squeeze %dma_wait3A_83 : memref<1x160x128xi32, #tpu.memory_space<hbm>> -> memref<160x128xi32, #tpu.memory_space<hbm>>
      %dma_wait3A_85 = arith.constant 0 : i32
      %dma_wait3A_86 = arith.constant 0 : i32
      %dma_wait3A_87 = tpu.memref_slice %arg3[%arg1, %dma_wait3A_85, %dma_wait3A_86] : memref<16x160x128xi32, #tpu.memory_space<hbm>> -> memref<1x160x128xi32, #tpu.memory_space<hbm>>
      %dma_wait3A_88 = tpu.memref_squeeze %dma_wait3A_87 : memref<1x160x128xi32, #tpu.memory_space<hbm>> -> memref<160x128xi32, #tpu.memory_space<hbm>>
      tpu.wait_dma2 semaphore(%run_scoped3A : memref<!tpu.dma_semaphore, #tpu.memory_space<semaphore_mem>>) src(%dma_wait3A_88 : memref<160x128xi32, #tpu.memory_space<hbm>>) dst(%arg7 : memref<160x128xi32, #tpu.memory_space<vmem>>)
      tpu.yield
    }) : () -> ()
    "tpu.region"() ({
      %run_scoped3A = tpu.sem_alloc : memref<!tpu.dma_semaphore, #tpu.memory_space<semaphore_mem>>
      %dma_start3A_74 = arith.constant 0 : i32
      %dma_start3A_75 = arith.constant 0 : i32
      %dma_start3A_76 = tpu.memref_slice %arg4[%arg1, %dma_start3A_74, %dma_start3A_75] : memref<16x160x128xi32, #tpu.memory_space<hbm>> -> memref<1x160x128xi32, #tpu.memory_space<hbm>>
      %dma_start3A_77 = tpu.memref_squeeze %dma_start3A_76 : memref<1x160x128xi32, #tpu.memory_space<hbm>> -> memref<160x128xi32, #tpu.memory_space<hbm>>
      %dma_start3A_78 = arith.constant 0 : i32
      %dma_start3A_79 = arith.constant 0 : i32
      %dma_start3A_80 = tpu.memref_slice %arg4[%arg1, %dma_start3A_78, %dma_start3A_79] : memref<16x160x128xi32, #tpu.memory_space<hbm>> -> memref<1x160x128xi32, #tpu.memory_space<hbm>>
      %dma_start3A_81 = tpu.memref_squeeze %dma_start3A_80 : memref<1x160x128xi32, #tpu.memory_space<hbm>> -> memref<160x128xi32, #tpu.memory_space<hbm>>
      tpu.enqueue_dma source(%dma_start3A_81 : memref<160x128xi32, #tpu.memory_space<hbm>>) target(%arg8 : memref<160x128xi32, #tpu.memory_space<vmem>>) target_semaphore(%run_scoped3A : memref<!tpu.dma_semaphore, #tpu.memory_space<semaphore_mem>>)
      %dma_wait3A = arith.constant 0 : i32
      %dma_wait3A_82 = arith.constant 0 : i32
      %dma_wait3A_83 = tpu.memref_slice %arg4[%arg1, %dma_wait3A, %dma_wait3A_82] : memref<16x160x128xi32, #tpu.memory_space<hbm>> -> memref<1x160x128xi32, #tpu.memory_space<hbm>>
      %dma_wait3A_84 = tpu.memref_squeeze %dma_wait3A_83 : memref<1x160x128xi32, #tpu.memory_space<hbm>> -> memref<160x128xi32, #tpu.memory_space<hbm>>
      %dma_wait3A_85 = arith.constant 0 : i32
      %dma_wait3A_86 = arith.constant 0 : i32
      %dma_wait3A_87 = tpu.memref_slice %arg4[%arg1, %dma_wait3A_85, %dma_wait3A_86] : memref<16x160x128xi32, #tpu.memory_space<hbm>> -> memref<1x160x128xi32, #tpu.memory_space<hbm>>
      %dma_wait3A_88 = tpu.memref_squeeze %dma_wait3A_87 : memref<1x160x128xi32, #tpu.memory_space<hbm>> -> memref<160x128xi32, #tpu.memory_space<hbm>>
      tpu.wait_dma2 semaphore(%run_scoped3A : memref<!tpu.dma_semaphore, #tpu.memory_space<semaphore_mem>>) src(%dma_wait3A_88 : memref<160x128xi32, #tpu.memory_space<hbm>>) dst(%arg8 : memref<160x128xi32, #tpu.memory_space<vmem>>)
      tpu.yield
    }) : () -> ()
    %barrier3A = arith.constant 0 : index
    tpu.barrier barrier_id(%barrier3A)
    %dma_start3A = arith.constant 0 : i32
    %dma_start3A_3 = arith.constant 0 : i32
    %dma_start3A_4 = arith.constant 0 : i32
    %dma_start3A_5 = arith.constant 0 : i32
    %dma_start3A_6 = tpu.memref_slice %arg9[%dma_start3A_3, %dma_start3A_4, %dma_start3A_5] : memref<4x128x64xf32, #tpu.memory_space<vmem>> -> memref<1x128x64xf32, #tpu.memory_space<vmem>>
    %dma_start3A_7 = tpu.memref_squeeze %dma_start3A_6 : memref<1x128x64xf32, #tpu.memory_space<vmem>> -> memref<128x64xf32, #tpu.memory_space<vmem>>
    %dma_start3A_8 = arith.constant 0 : i32
    %dma_start3A_9 = tpu.memref_slice %arg7[%dma_start3A, %dma_start3A_8] : memref<160x128xi32, #tpu.memory_space<vmem>> -> memref<1x128xi32, #tpu.memory_space<vmem>>
    %dma_start3A_10 = tpu.memref_squeeze %dma_start3A_9 : memref<1x128xi32, #tpu.memory_space<vmem>> -> memref<128xi32, #tpu.memory_space<vmem>>
    %dma_start3A_11 = arith.constant 0 : i32
    %dma_start3A_12 = arith.constant 0 : i32
    %dma_start3A_13 = tpu.memref_slice %arg2[%arg0, %dma_start3A_11, %dma_start3A_12] : memref<2x10000x64xf32, #tpu.memory_space<hbm>> -> memref<1x10000x64xf32, #tpu.memory_space<hbm>>
    %dma_start3A_14 = tpu.memref_squeeze %dma_start3A_13 : memref<1x10000x64xf32, #tpu.memory_space<hbm>> -> memref<10000x64xf32, #tpu.memory_space<hbm>>
    %dma_start3A_15 = arith.constant 0 : i32
    %dma_start3A_16 = arith.constant 0 : i32
    %dma_start3A_17 = tpu.memref_slice %dma_start3A_14[%dma_start3A_15, %dma_start3A_16] : memref<10000x64xf32, #tpu.memory_space<hbm>> -> memref<10000x64xf32, #tpu.memory_space<hbm>>
    tpu.enqueue_indirect_dma source(%dma_start3A_17 : memref<10000x64xf32, #tpu.memory_space<hbm>>) target(%dma_start3A_7 : memref<128x64xf32, #tpu.memory_space<vmem>>) offsets(%dma_start3A_10 : memref<128xi32, #tpu.memory_space<vmem>>) semaphore(%arg11 : memref<!tpu.dma_semaphore, #tpu.memory_space<semaphore_mem>>)
    %dma_start3A_18 = arith.constant 1 : i32
    %dma_start3A_19 = arith.constant 1 : i32
    %dma_start3A_20 = arith.constant 0 : i32
    %dma_start3A_21 = arith.constant 0 : i32
    %dma_start3A_22 = tpu.memref_slice %arg9[%dma_start3A_19, %dma_start3A_20, %dma_start3A_21] : memref<4x128x64xf32, #tpu.memory_space<vmem>> -> memref<1x128x64xf32, #tpu.memory_space<vmem>>
    %dma_start3A_23 = tpu.memref_squeeze %dma_start3A_22 : memref<1x128x64xf32, #tpu.memory_space<vmem>> -> memref<128x64xf32, #tpu.memory_space<vmem>>
    %dma_start3A_24 = arith.constant 0 : i32
    %dma_start3A_25 = tpu.memref_slice %arg7[%dma_start3A_18, %dma_start3A_24] : memref<160x128xi32, #tpu.memory_space<vmem>> -> memref<1x128xi32, #tpu.memory_space<vmem>>
    %dma_start3A_26 = tpu.memref_squeeze %dma_start3A_25 : memref<1x128xi32, #tpu.memory_space<vmem>> -> memref<128xi32, #tpu.memory_space<vmem>>
    %dma_start3A_27 = arith.constant 0 : i32
    %dma_start3A_28 = arith.constant 0 : i32
    %dma_start3A_29 = tpu.memref_slice %arg2[%arg0, %dma_start3A_27, %dma_start3A_28] : memref<2x10000x64xf32, #tpu.memory_space<hbm>> -> memref<1x10000x64xf32, #tpu.memory_space<hbm>>
    %dma_start3A_30 = tpu.memref_squeeze %dma_start3A_29 : memref<1x10000x64xf32, #tpu.memory_space<hbm>> -> memref<10000x64xf32, #tpu.memory_space<hbm>>
    %dma_start3A_31 = arith.constant 0 : i32
    %dma_start3A_32 = arith.constant 0 : i32
    %dma_start3A_33 = tpu.memref_slice %dma_start3A_30[%dma_start3A_31, %dma_start3A_32] : memref<10000x64xf32, #tpu.memory_space<hbm>> -> memref<10000x64xf32, #tpu.memory_space<hbm>>
    tpu.enqueue_indirect_dma source(%dma_start3A_33 : memref<10000x64xf32, #tpu.memory_space<hbm>>) target(%dma_start3A_23 : memref<128x64xf32, #tpu.memory_space<vmem>>) offsets(%dma_start3A_26 : memref<128xi32, #tpu.memory_space<vmem>>) semaphore(%arg12 : memref<!tpu.dma_semaphore, #tpu.memory_space<semaphore_mem>>)
    %dma_start3A_34 = arith.constant 2 : i32
    %dma_start3A_35 = arith.constant 2 : i32
    %dma_start3A_36 = arith.constant 0 : i32
    %dma_start3A_37 = arith.constant 0 : i32
    %dma_start3A_38 = tpu.memref_slice %arg9[%dma_start3A_35, %dma_start3A_36, %dma_start3A_37] : memref<4x128x64xf32, #tpu.memory_space<vmem>> -> memref<1x128x64xf32, #tpu.memory_space<vmem>>
    %dma_start3A_39 = tpu.memref_squeeze %dma_start3A_38 : memref<1x128x64xf32, #tpu.memory_space<vmem>> -> memref<128x64xf32, #tpu.memory_space<vmem>>
    %dma_start3A_40 = arith.constant 0 : i32
    %dma_start3A_41 = tpu.memref_slice %arg7[%dma_start3A_34, %dma_start3A_40] : memref<160x128xi32, #tpu.memory_space<vmem>> -> memref<1x128xi32, #tpu.memory_space<vmem>>
    %dma_start3A_42 = tpu.memref_squeeze %dma_start3A_41 : memref<1x128xi32, #tpu.memory_space<vmem>> -> memref<128xi32, #tpu.memory_space<vmem>>
    %dma_start3A_43 = arith.constant 0 : i32
    %dma_start3A_44 = arith.constant 0 : i32
    %dma_start3A_45 = tpu.memref_slice %arg2[%arg0, %dma_start3A_43, %dma_start3A_44] : memref<2x10000x64xf32, #tpu.memory_space<hbm>> -> memref<1x10000x64xf32, #tpu.memory_space<hbm>>
    %dma_start3A_46 = tpu.memref_squeeze %dma_start3A_45 : memref<1x10000x64xf32, #tpu.memory_space<hbm>> -> memref<10000x64xf32, #tpu.memory_space<hbm>>
    %dma_start3A_47 = arith.constant 0 : i32
    %dma_start3A_48 = arith.constant 0 : i32
    %dma_start3A_49 = tpu.memref_slice %dma_start3A_46[%dma_start3A_47, %dma_start3A_48] : memref<10000x64xf32, #tpu.memory_space<hbm>> -> memref<10000x64xf32, #tpu.memory_space<hbm>>
    tpu.enqueue_indirect_dma source(%dma_start3A_49 : memref<10000x64xf32, #tpu.memory_space<hbm>>) target(%dma_start3A_39 : memref<128x64xf32, #tpu.memory_space<vmem>>) offsets(%dma_start3A_42 : memref<128xi32, #tpu.memory_space<vmem>>) semaphore(%arg13 : memref<!tpu.dma_semaphore, #tpu.memory_space<semaphore_mem>>)
    %dma_start3A_50 = arith.constant 3 : i32
    %dma_start3A_51 = arith.constant 3 : i32
    %dma_start3A_52 = arith.constant 0 : i32
    %dma_start3A_53 = arith.constant 0 : i32
    %dma_start3A_54 = tpu.memref_slice %arg9[%dma_start3A_51, %dma_start3A_52, %dma_start3A_53] : memref<4x128x64xf32, #tpu.memory_space<vmem>> -> memref<1x128x64xf32, #tpu.memory_space<vmem>>
    %dma_start3A_55 = tpu.memref_squeeze %dma_start3A_54 : memref<1x128x64xf32, #tpu.memory_space<vmem>> -> memref<128x64xf32, #tpu.memory_space<vmem>>
    %dma_start3A_56 = arith.constant 0 : i32
    %dma_start3A_57 = tpu.memref_slice %arg7[%dma_start3A_50, %dma_start3A_56] : memref<160x128xi32, #tpu.memory_space<vmem>> -> memref<1x128xi32, #tpu.memory_space<vmem>>
    %dma_start3A_58 = tpu.memref_squeeze %dma_start3A_57 : memref<1x128xi32, #tpu.memory_space<vmem>> -> memref<128xi32, #tpu.memory_space<vmem>>
    %dma_start3A_59 = arith.constant 0 : i32
    %dma_start3A_60 = arith.constant 0 : i32
    %dma_start3A_61 = tpu.memref_slice %arg2[%arg0, %dma_start3A_59, %dma_start3A_60] : memref<2x10000x64xf32, #tpu.memory_space<hbm>> -> memref<1x10000x64xf32, #tpu.memory_space<hbm>>
    %dma_start3A_62 = tpu.memref_squeeze %dma_start3A_61 : memref<1x10000x64xf32, #tpu.memory_space<hbm>> -> memref<10000x64xf32, #tpu.memory_space<hbm>>
    %dma_start3A_63 = arith.constant 0 : i32
    %dma_start3A_64 = arith.constant 0 : i32
    %dma_start3A_65 = tpu.memref_slice %dma_start3A_62[%dma_start3A_63, %dma_start3A_64] : memref<10000x64xf32, #tpu.memory_space<hbm>> -> memref<10000x64xf32, #tpu.memory_space<hbm>>
    tpu.enqueue_indirect_dma source(%dma_start3A_65 : memref<10000x64xf32, #tpu.memory_space<hbm>>) target(%dma_start3A_55 : memref<128x64xf32, #tpu.memory_space<vmem>>) offsets(%dma_start3A_58 : memref<128xi32, #tpu.memory_space<vmem>>) semaphore(%arg14 : memref<!tpu.dma_semaphore, #tpu.memory_space<semaphore_mem>>)
    %scan3A = arith.constant 0 : i32
    %scan3A_66 = arith.constant 0 : i32
    %scan3A_67 = arith.constant 40 : i32
    %scan3A_68 = arith.addi %scan3A_66, %scan3A_67 : i32
    %scan3A_69 = arith.constant 1 : i32
    scf.for %scan3A_74 = %scan3A_66 to %scan3A_68 step %scan3A_69  : i32 {
      %mul3A_75 = arith.constant 4 : i32
      %mul3A_76 = arith.muli %scan3A_74, %mul3A_75 : i32
      %add3A = arith.constant 0 : i32
      %add3A_77 = arith.addi %mul3A_76, %add3A : i32
      %dma_wait3A = arith.constant 0 : i32
      %dma_wait3A_78 = arith.constant 0 : i32
      %dma_wait3A_79 = arith.constant 0 : i32
      %dma_wait3A_80 = tpu.memref_slice %arg9[%dma_wait3A, %dma_wait3A_78, %dma_wait3A_79] : memref<4x128x64xf32, #tpu.memory_space<vmem>> -> memref<1x128x64xf32, #tpu.memory_space<vmem>>
      %dma_wait3A_81 = tpu.memref_squeeze %dma_wait3A_80 : memref<1x128x64xf32, #tpu.memory_space<vmem>> -> memref<128x64xf32, #tpu.memory_space<vmem>>
      %dma_wait3A_82 = arith.constant 0 : i32
      %dma_wait3A_83 = arith.constant 0 : i32
      %dma_wait3A_84 = tpu.memref_slice %arg2[%arg0, %dma_wait3A_82, %dma_wait3A_83] : memref<2x10000x64xf32, #tpu.memory_space<hbm>> -> memref<1x10000x64xf32, #tpu.memory_space<hbm>>
      %dma_wait3A_85 = tpu.memref_squeeze %dma_wait3A_84 : memref<1x10000x64xf32, #tpu.memory_space<hbm>> -> memref<10000x64xf32, #tpu.memory_space<hbm>>
      %dma_wait3A_86 = arith.constant 0 : i32
      %dma_wait3A_87 = arith.constant 0 : i32
      %dma_wait3A_88 = tpu.memref_slice %dma_wait3A_85[%dma_wait3A_86, %dma_wait3A_87] : memref<10000x64xf32, #tpu.memory_space<hbm>> -> memref<128x64xf32, #tpu.memory_space<hbm>>
      %dma_wait3A_89 = arith.constant 0 : i32
      %dma_wait3A_90 = arith.constant 0 : i32
      %dma_wait3A_91 = tpu.memref_slice %arg9[%dma_wait3A, %dma_wait3A_89, %dma_wait3A_90] : memref<4x128x64xf32, #tpu.memory_space<vmem>> -> memref<1x128x64xf32, #tpu.memory_space<vmem>>
      %dma_wait3A_92 = tpu.memref_squeeze %dma_wait3A_91 : memref<1x128x64xf32, #tpu.memory_space<vmem>> -> memref<128x64xf32, #tpu.memory_space<vmem>>
      %dma_wait3A_93 = arith.constant 0 : i32
      %dma_wait3A_94 = arith.constant 0 : i32
      %dma_wait3A_95 = tpu.memref_slice %arg2[%arg0, %dma_wait3A_93, %dma_wait3A_94] : memref<2x10000x64xf32, #tpu.memory_space<hbm>> -> memref<1x10000x64xf32, #tpu.memory_space<hbm>>
      %dma_wait3A_96 = tpu.memref_squeeze %dma_wait3A_95 : memref<1x10000x64xf32, #tpu.memory_space<hbm>> -> memref<10000x64xf32, #tpu.memory_space<hbm>>
      %dma_wait3A_97 = arith.constant 0 : i32
      %dma_wait3A_98 = arith.constant 0 : i32
      %dma_wait3A_99 = tpu.memref_slice %dma_wait3A_96[%dma_wait3A_97, %dma_wait3A_98] : memref<10000x64xf32, #tpu.memory_space<hbm>> -> memref<128x64xf32, #tpu.memory_space<hbm>>
      tpu.wait_dma2 semaphore(%arg11 : memref<!tpu.dma_semaphore, #tpu.memory_space<semaphore_mem>>) src(%dma_wait3A_99 : memref<128x64xf32, #tpu.memory_space<hbm>>) dst(%dma_wait3A_92 : memref<128x64xf32, #tpu.memory_space<vmem>>)
      %run_scoped3A = arith.constant 0 : i32
      "tpu.region"() ({
        %run_scoped3A_206 = tpu.sem_alloc : memref<!tpu.dma_semaphore, #tpu.memory_space<semaphore_mem>>
        %dma_start3A_207 = arith.constant 0 : i32
        %dma_start3A_208 = arith.constant 0 : i32
        %dma_start3A_209 = tpu.memref_slice %arg9[%run_scoped3A, %dma_start3A_207, %dma_start3A_208] : memref<4x128x64xf32, #tpu.memory_space<vmem>> -> memref<1x128x64xf32, #tpu.memory_space<vmem>>
        %dma_start3A_210 = tpu.memref_squeeze %dma_start3A_209 : memref<1x128x64xf32, #tpu.memory_space<vmem>> -> memref<128x64xf32, #tpu.memory_space<vmem>>
        %dma_start3A_211 = arith.constant 0 : i32
        %dma_start3A_212 = tpu.memref_slice %arg8[%add3A_77, %dma_start3A_211] : memref<160x128xi32, #tpu.memory_space<vmem>> -> memref<1x128xi32, #tpu.memory_space<vmem>>
        %dma_start3A_213 = tpu.memref_squeeze %dma_start3A_212 : memref<1x128xi32, #tpu.memory_space<vmem>> -> memref<128xi32, #tpu.memory_space<vmem>>
        %dma_start3A_214 = arith.constant 0 : i32
        %dma_start3A_215 = arith.constant 0 : i32
        %dma_start3A_216 = tpu.memref_slice %arg10[%dma_start3A_214, %dma_start3A_215] : memref<10240x64xf32, #tpu.memory_space<vmem_shared>> -> memref<10240x64xf32, #tpu.memory_space<vmem_shared>>
        tpu.enqueue_indirect_dma source(%dma_start3A_210 : memref<128x64xf32, #tpu.memory_space<vmem>>) target(%dma_start3A_216 : memref<10240x64xf32, #tpu.memory_space<vmem_shared>>) offsets(%dma_start3A_213 : memref<128xi32, #tpu.memory_space<vmem>>) semaphore(%run_scoped3A_206 : memref<!tpu.dma_semaphore, #tpu.memory_space<semaphore_mem>>) {add = true}
        %dma_wait3A_217 = arith.constant 0 : i32
        %dma_wait3A_218 = arith.constant 0 : i32
        %dma_wait3A_219 = tpu.memref_slice %arg9[%run_scoped3A, %dma_wait3A_217, %dma_wait3A_218] : memref<4x128x64xf32, #tpu.memory_space<vmem>> -> memref<1x128x64xf32, #tpu.memory_space<vmem>>
        %dma_wait3A_220 = tpu.memref_squeeze %dma_wait3A_219 : memref<1x128x64xf32, #tpu.memory_space<vmem>> -> memref<128x64xf32, #tpu.memory_space<vmem>>
        %dma_wait3A_221 = arith.constant 0 : i32
        %dma_wait3A_222 = tpu.memref_slice %arg8[%add3A_77, %dma_wait3A_221] : memref<160x128xi32, #tpu.memory_space<vmem>> -> memref<1x128xi32, #tpu.memory_space<vmem>>
        %dma_wait3A_223 = tpu.memref_squeeze %dma_wait3A_222 : memref<1x128xi32, #tpu.memory_space<vmem>> -> memref<128xi32, #tpu.memory_space<vmem>>
        %dma_wait3A_224 = arith.constant 0 : i32
        %dma_wait3A_225 = arith.constant 0 : i32
        %dma_wait3A_226 = tpu.memref_slice %arg10[%dma_wait3A_224, %dma_wait3A_225] : memref<10240x64xf32, #tpu.memory_space<vmem_shared>> -> memref<10240x64xf32, #tpu.memory_space<vmem_shared>>
        tpu.wait_indirect_dma semaphore(%run_scoped3A_206 : memref<!tpu.dma_semaphore, #tpu.memory_space<semaphore_mem>>) src(%dma_wait3A_220 : memref<128x64xf32, #tpu.memory_space<vmem>>) dst(%dma_wait3A_226 : memref<10240x64xf32, #tpu.memory_space<vmem_shared>>)
        tpu.yield
      }) : () -> ()
      %add3A_100 = arith.constant 4 : i32
      %add3A_101 = arith.addi %add3A_77, %add3A_100 : i32
      %lt3A_102 = arith.constant 160 : i32
      %lt3A_103 = arith.cmpi slt, %add3A_101, %lt3A_102 : i32
      %convert_element_type3A_104 = arith.extui %lt3A_103 : i1 to i32
      %cond3A_105 = arith.constant 0 : i32
      %cond3A_106 = arith.cmpi ne, %convert_element_type3A_104, %cond3A_105 : i32
      scf.if %cond3A_106 {
        %dma_start3A_206 = arith.constant 0 : i32
        %dma_start3A_207 = arith.constant 0 : i32
        %dma_start3A_208 = arith.constant 0 : i32
        %dma_start3A_209 = tpu.memref_slice %arg9[%dma_start3A_206, %dma_start3A_207, %dma_start3A_208] : memref<4x128x64xf32, #tpu.memory_space<vmem>> -> memref<1x128x64xf32, #tpu.memory_space<vmem>>
        %dma_start3A_210 = tpu.memref_squeeze %dma_start3A_209 : memref<1x128x64xf32, #tpu.memory_space<vmem>> -> memref<128x64xf32, #tpu.memory_space<vmem>>
        %dma_start3A_211 = arith.constant 0 : i32
        %dma_start3A_212 = tpu.memref_slice %arg7[%add3A_101, %dma_start3A_211] : memref<160x128xi32, #tpu.memory_space<vmem>> -> memref<1x128xi32, #tpu.memory_space<vmem>>
        %dma_start3A_213 = tpu.memref_squeeze %dma_start3A_212 : memref<1x128xi32, #tpu.memory_space<vmem>> -> memref<128xi32, #tpu.memory_space<vmem>>
        %dma_start3A_214 = arith.constant 0 : i32
        %dma_start3A_215 = arith.constant 0 : i32
        %dma_start3A_216 = tpu.memref_slice %arg2[%arg0, %dma_start3A_214, %dma_start3A_215] : memref<2x10000x64xf32, #tpu.memory_space<hbm>> -> memref<1x10000x64xf32, #tpu.memory_space<hbm>>
        %dma_start3A_217 = tpu.memref_squeeze %dma_start3A_216 : memref<1x10000x64xf32, #tpu.memory_space<hbm>> -> memref<10000x64xf32, #tpu.memory_space<hbm>>
        %dma_start3A_218 = arith.constant 0 : i32
        %dma_start3A_219 = arith.constant 0 : i32
        %dma_start3A_220 = tpu.memref_slice %dma_start3A_217[%dma_start3A_218, %dma_start3A_219] : memref<10000x64xf32, #tpu.memory_space<hbm>> -> memref<10000x64xf32, #tpu.memory_space<hbm>>
        tpu.enqueue_indirect_dma source(%dma_start3A_220 : memref<10000x64xf32, #tpu.memory_space<hbm>>) target(%dma_start3A_210 : memref<128x64xf32, #tpu.memory_space<vmem>>) offsets(%dma_start3A_213 : memref<128xi32, #tpu.memory_space<vmem>>) semaphore(%arg11 : memref<!tpu.dma_semaphore, #tpu.memory_space<semaphore_mem>>)
      } else {
      }
      %add3A_107 = arith.constant 1 : i32
      %add3A_108 = arith.addi %mul3A_76, %add3A_107 : i32
      %dma_wait3A_109 = arith.constant 1 : i32
      %dma_wait3A_110 = arith.constant 0 : i32
      %dma_wait3A_111 = arith.constant 0 : i32
      %dma_wait3A_112 = tpu.memref_slice %arg9[%dma_wait3A_109, %dma_wait3A_110, %dma_wait3A_111] : memref<4x128x64xf32, #tpu.memory_space<vmem>> -> memref<1x128x64xf32, #tpu.memory_space<vmem>>
      %dma_wait3A_113 = tpu.memref_squeeze %dma_wait3A_112 : memref<1x128x64xf32, #tpu.memory_space<vmem>> -> memref<128x64xf32, #tpu.memory_space<vmem>>
      %dma_wait3A_114 = arith.constant 0 : i32
      %dma_wait3A_115 = arith.constant 0 : i32
      %dma_wait3A_116 = tpu.memref_slice %arg2[%arg0, %dma_wait3A_114, %dma_wait3A_115] : memref<2x10000x64xf32, #tpu.memory_space<hbm>> -> memref<1x10000x64xf32, #tpu.memory_space<hbm>>
      %dma_wait3A_117 = tpu.memref_squeeze %dma_wait3A_116 : memref<1x10000x64xf32, #tpu.memory_space<hbm>> -> memref<10000x64xf32, #tpu.memory_space<hbm>>
      %dma_wait3A_118 = arith.constant 0 : i32
      %dma_wait3A_119 = arith.constant 0 : i32
      %dma_wait3A_120 = tpu.memref_slice %dma_wait3A_117[%dma_wait3A_118, %dma_wait3A_119] : memref<10000x64xf32, #tpu.memory_space<hbm>> -> memref<128x64xf32, #tpu.memory_space<hbm>>
      %dma_wait3A_121 = arith.constant 0 : i32
      %dma_wait3A_122 = arith.constant 0 : i32
      %dma_wait3A_123 = tpu.memref_slice %arg9[%dma_wait3A_109, %dma_wait3A_121, %dma_wait3A_122] : memref<4x128x64xf32, #tpu.memory_space<vmem>> -> memref<1x128x64xf32, #tpu.memory_space<vmem>>
      %dma_wait3A_124 = tpu.memref_squeeze %dma_wait3A_123 : memref<1x128x64xf32, #tpu.memory_space<vmem>> -> memref<128x64xf32, #tpu.memory_space<vmem>>
      %dma_wait3A_125 = arith.constant 0 : i32
      %dma_wait3A_126 = arith.constant 0 : i32
      %dma_wait3A_127 = tpu.memref_slice %arg2[%arg0, %dma_wait3A_125, %dma_wait3A_126] : memref<2x10000x64xf32, #tpu.memory_space<hbm>> -> memref<1x10000x64xf32, #tpu.memory_space<hbm>>
      %dma_wait3A_128 = tpu.memref_squeeze %dma_wait3A_127 : memref<1x10000x64xf32, #tpu.memory_space<hbm>> -> memref<10000x64xf32, #tpu.memory_space<hbm>>
      %dma_wait3A_129 = arith.constant 0 : i32
      %dma_wait3A_130 = arith.constant 0 : i32
      %dma_wait3A_131 = tpu.memref_slice %dma_wait3A_128[%dma_wait3A_129, %dma_wait3A_130] : memref<10000x64xf32, #tpu.memory_space<hbm>> -> memref<128x64xf32, #tpu.memory_space<hbm>>
      tpu.wait_dma2 semaphore(%arg12 : memref<!tpu.dma_semaphore, #tpu.memory_space<semaphore_mem>>) src(%dma_wait3A_131 : memref<128x64xf32, #tpu.memory_space<hbm>>) dst(%dma_wait3A_124 : memref<128x64xf32, #tpu.memory_space<vmem>>)
      %run_scoped3A_132 = arith.constant 1 : i32
      "tpu.region"() ({
        %run_scoped3A_206 = tpu.sem_alloc : memref<!tpu.dma_semaphore, #tpu.memory_space<semaphore_mem>>
        %dma_start3A_207 = arith.constant 0 : i32
        %dma_start3A_208 = arith.constant 0 : i32
        %dma_start3A_209 = tpu.memref_slice %arg9[%run_scoped3A_132, %dma_start3A_207, %dma_start3A_208] : memref<4x128x64xf32, #tpu.memory_space<vmem>> -> memref<1x128x64xf32, #tpu.memory_space<vmem>>
        %dma_start3A_210 = tpu.memref_squeeze %dma_start3A_209 : memref<1x128x64xf32, #tpu.memory_space<vmem>> -> memref<128x64xf32, #tpu.memory_space<vmem>>
        %dma_start3A_211 = arith.constant 0 : i32
        %dma_start3A_212 = tpu.memref_slice %arg8[%add3A_108, %dma_start3A_211] : memref<160x128xi32, #tpu.memory_space<vmem>> -> memref<1x128xi32, #tpu.memory_space<vmem>>
        %dma_start3A_213 = tpu.memref_squeeze %dma_start3A_212 : memref<1x128xi32, #tpu.memory_space<vmem>> -> memref<128xi32, #tpu.memory_space<vmem>>
        %dma_start3A_214 = arith.constant 0 : i32
        %dma_start3A_215 = arith.constant 0 : i32
        %dma_start3A_216 = tpu.memref_slice %arg10[%dma_start3A_214, %dma_start3A_215] : memref<10240x64xf32, #tpu.memory_space<vmem_shared>> -> memref<10240x64xf32, #tpu.memory_space<vmem_shared>>
        tpu.enqueue_indirect_dma source(%dma_start3A_210 : memref<128x64xf32, #tpu.memory_space<vmem>>) target(%dma_start3A_216 : memref<10240x64xf32, #tpu.memory_space<vmem_shared>>) offsets(%dma_start3A_213 : memref<128xi32, #tpu.memory_space<vmem>>) semaphore(%run_scoped3A_206 : memref<!tpu.dma_semaphore, #tpu.memory_space<semaphore_mem>>) {add = true}
        %dma_wait3A_217 = arith.constant 0 : i32
        %dma_wait3A_218 = arith.constant 0 : i32
        %dma_wait3A_219 = tpu.memref_slice %arg9[%run_scoped3A_132, %dma_wait3A_217, %dma_wait3A_218] : memref<4x128x64xf32, #tpu.memory_space<vmem>> -> memref<1x128x64xf32, #tpu.memory_space<vmem>>
        %dma_wait3A_220 = tpu.memref_squeeze %dma_wait3A_219 : memref<1x128x64xf32, #tpu.memory_space<vmem>> -> memref<128x64xf32, #tpu.memory_space<vmem>>
        %dma_wait3A_221 = arith.constant 0 : i32
        %dma_wait3A_222 = tpu.memref_slice %arg8[%add3A_108, %dma_wait3A_221] : memref<160x128xi32, #tpu.memory_space<vmem>> -> memref<1x128xi32, #tpu.memory_space<vmem>>
        %dma_wait3A_223 = tpu.memref_squeeze %dma_wait3A_222 : memref<1x128xi32, #tpu.memory_space<vmem>> -> memref<128xi32, #tpu.memory_space<vmem>>
        %dma_wait3A_224 = arith.constant 0 : i32
        %dma_wait3A_225 = arith.constant 0 : i32
        %dma_wait3A_226 = tpu.memref_slice %arg10[%dma_wait3A_224, %dma_wait3A_225] : memref<10240x64xf32, #tpu.memory_space<vmem_shared>> -> memref<10240x64xf32, #tpu.memory_space<vmem_shared>>
        tpu.wait_indirect_dma semaphore(%run_scoped3A_206 : memref<!tpu.dma_semaphore, #tpu.memory_space<semaphore_mem>>) src(%dma_wait3A_220 : memref<128x64xf32, #tpu.memory_space<vmem>>) dst(%dma_wait3A_226 : memref<10240x64xf32, #tpu.memory_space<vmem_shared>>)
        tpu.yield
      }) : () -> ()
      %add3A_133 = arith.constant 4 : i32
      %add3A_134 = arith.addi %add3A_108, %add3A_133 : i32
      %lt3A_135 = arith.constant 160 : i32
      %lt3A_136 = arith.cmpi slt, %add3A_134, %lt3A_135 : i32
      %convert_element_type3A_137 = arith.extui %lt3A_136 : i1 to i32
      %cond3A_138 = arith.constant 0 : i32
      %cond3A_139 = arith.cmpi ne, %convert_element_type3A_137, %cond3A_138 : i32
      scf.if %cond3A_139 {
        %dma_start3A_206 = arith.constant 1 : i32
        %dma_start3A_207 = arith.constant 0 : i32
        %dma_start3A_208 = arith.constant 0 : i32
        %dma_start3A_209 = tpu.memref_slice %arg9[%dma_start3A_206, %dma_start3A_207, %dma_start3A_208] : memref<4x128x64xf32, #tpu.memory_space<vmem>> -> memref<1x128x64xf32, #tpu.memory_space<vmem>>
        %dma_start3A_210 = tpu.memref_squeeze %dma_start3A_209 : memref<1x128x64xf32, #tpu.memory_space<vmem>> -> memref<128x64xf32, #tpu.memory_space<vmem>>
        %dma_start3A_211 = arith.constant 0 : i32
        %dma_start3A_212 = tpu.memref_slice %arg7[%add3A_134, %dma_start3A_211] : memref<160x128xi32, #tpu.memory_space<vmem>> -> memref<1x128xi32, #tpu.memory_space<vmem>>
        %dma_start3A_213 = tpu.memref_squeeze %dma_start3A_212 : memref<1x128xi32, #tpu.memory_space<vmem>> -> memref<128xi32, #tpu.memory_space<vmem>>
        %dma_start3A_214 = arith.constant 0 : i32
        %dma_start3A_215 = arith.constant 0 : i32
        %dma_start3A_216 = tpu.memref_slice %arg2[%arg0, %dma_start3A_214, %dma_start3A_215] : memref<2x10000x64xf32, #tpu.memory_space<hbm>> -> memref<1x10000x64xf32, #tpu.memory_space<hbm>>
        %dma_start3A_217 = tpu.memref_squeeze %dma_start3A_216 : memref<1x10000x64xf32, #tpu.memory_space<hbm>> -> memref<10000x64xf32, #tpu.memory_space<hbm>>
        %dma_start3A_218 = arith.constant 0 : i32
        %dma_start3A_219 = arith.constant 0 : i32
        %dma_start3A_220 = tpu.memref_slice %dma_start3A_217[%dma_start3A_218, %dma_start3A_219] : memref<10000x64xf32, #tpu.memory_space<hbm>> -> memref<10000x64xf32, #tpu.memory_space<hbm>>
        tpu.enqueue_indirect_dma source(%dma_start3A_220 : memref<10000x64xf32, #tpu.memory_space<hbm>>) target(%dma_start3A_210 : memref<128x64xf32, #tpu.memory_space<vmem>>) offsets(%dma_start3A_213 : memref<128xi32, #tpu.memory_space<vmem>>) semaphore(%arg12 : memref<!tpu.dma_semaphore, #tpu.memory_space<semaphore_mem>>)
      } else {
      }
      %add3A_140 = arith.constant 2 : i32
      %add3A_141 = arith.addi %mul3A_76, %add3A_140 : i32
      %dma_wait3A_142 = arith.constant 2 : i32
      %dma_wait3A_143 = arith.constant 0 : i32
      %dma_wait3A_144 = arith.constant 0 : i32
      %dma_wait3A_145 = tpu.memref_slice %arg9[%dma_wait3A_142, %dma_wait3A_143, %dma_wait3A_144] : memref<4x128x64xf32, #tpu.memory_space<vmem>> -> memref<1x128x64xf32, #tpu.memory_space<vmem>>
      %dma_wait3A_146 = tpu.memref_squeeze %dma_wait3A_145 : memref<1x128x64xf32, #tpu.memory_space<vmem>> -> memref<128x64xf32, #tpu.memory_space<vmem>>
      %dma_wait3A_147 = arith.constant 0 : i32
      %dma_wait3A_148 = arith.constant 0 : i32
      %dma_wait3A_149 = tpu.memref_slice %arg2[%arg0, %dma_wait3A_147, %dma_wait3A_148] : memref<2x10000x64xf32, #tpu.memory_space<hbm>> -> memref<1x10000x64xf32, #tpu.memory_space<hbm>>
      %dma_wait3A_150 = tpu.memref_squeeze %dma_wait3A_149 : memref<1x10000x64xf32, #tpu.memory_space<hbm>> -> memref<10000x64xf32, #tpu.memory_space<hbm>>
      %dma_wait3A_151 = arith.constant 0 : i32
      %dma_wait3A_152 = arith.constant 0 : i32
      %dma_wait3A_153 = tpu.memref_slice %dma_wait3A_150[%dma_wait3A_151, %dma_wait3A_152] : memref<10000x64xf32, #tpu.memory_space<hbm>> -> memref<128x64xf32, #tpu.memory_space<hbm>>
      %dma_wait3A_154 = arith.constant 0 : i32
      %dma_wait3A_155 = arith.constant 0 : i32
      %dma_wait3A_156 = tpu.memref_slice %arg9[%dma_wait3A_142, %dma_wait3A_154, %dma_wait3A_155] : memref<4x128x64xf32, #tpu.memory_space<vmem>> -> memref<1x128x64xf32, #tpu.memory_space<vmem>>
      %dma_wait3A_157 = tpu.memref_squeeze %dma_wait3A_156 : memref<1x128x64xf32, #tpu.memory_space<vmem>> -> memref<128x64xf32, #tpu.memory_space<vmem>>
      %dma_wait3A_158 = arith.constant 0 : i32
      %dma_wait3A_159 = arith.constant 0 : i32
      %dma_wait3A_160 = tpu.memref_slice %arg2[%arg0, %dma_wait3A_158, %dma_wait3A_159] : memref<2x10000x64xf32, #tpu.memory_space<hbm>> -> memref<1x10000x64xf32, #tpu.memory_space<hbm>>
      %dma_wait3A_161 = tpu.memref_squeeze %dma_wait3A_160 : memref<1x10000x64xf32, #tpu.memory_space<hbm>> -> memref<10000x64xf32, #tpu.memory_space<hbm>>
      %dma_wait3A_162 = arith.constant 0 : i32
      %dma_wait3A_163 = arith.constant 0 : i32
      %dma_wait3A_164 = tpu.memref_slice %dma_wait3A_161[%dma_wait3A_162, %dma_wait3A_163] : memref<10000x64xf32, #tpu.memory_space<hbm>> -> memref<128x64xf32, #tpu.memory_space<hbm>>
      tpu.wait_dma2 semaphore(%arg13 : memref<!tpu.dma_semaphore, #tpu.memory_space<semaphore_mem>>) src(%dma_wait3A_164 : memref<128x64xf32, #tpu.memory_space<hbm>>) dst(%dma_wait3A_157 : memref<128x64xf32, #tpu.memory_space<vmem>>)
      %run_scoped3A_165 = arith.constant 2 : i32
      "tpu.region"() ({
        %run_scoped3A_206 = tpu.sem_alloc : memref<!tpu.dma_semaphore, #tpu.memory_space<semaphore_mem>>
        %dma_start3A_207 = arith.constant 0 : i32
        %dma_start3A_208 = arith.constant 0 : i32
        %dma_start3A_209 = tpu.memref_slice %arg9[%run_scoped3A_165, %dma_start3A_207, %dma_start3A_208] : memref<4x128x64xf32, #tpu.memory_space<vmem>> -> memref<1x128x64xf32, #tpu.memory_space<vmem>>
        %dma_start3A_210 = tpu.memref_squeeze %dma_start3A_209 : memref<1x128x64xf32, #tpu.memory_space<vmem>> -> memref<128x64xf32, #tpu.memory_space<vmem>>
        %dma_start3A_211 = arith.constant 0 : i32
        %dma_start3A_212 = tpu.memref_slice %arg8[%add3A_141, %dma_start3A_211] : memref<160x128xi32, #tpu.memory_space<vmem>> -> memref<1x128xi32, #tpu.memory_space<vmem>>
        %dma_start3A_213 = tpu.memref_squeeze %dma_start3A_212 : memref<1x128xi32, #tpu.memory_space<vmem>> -> memref<128xi32, #tpu.memory_space<vmem>>
        %dma_start3A_214 = arith.constant 0 : i32
        %dma_start3A_215 = arith.constant 0 : i32
        %dma_start3A_216 = tpu.memref_slice %arg10[%dma_start3A_214, %dma_start3A_215] : memref<10240x64xf32, #tpu.memory_space<vmem_shared>> -> memref<10240x64xf32, #tpu.memory_space<vmem_shared>>
        tpu.enqueue_indirect_dma source(%dma_start3A_210 : memref<128x64xf32, #tpu.memory_space<vmem>>) target(%dma_start3A_216 : memref<10240x64xf32, #tpu.memory_space<vmem_shared>>) offsets(%dma_start3A_213 : memref<128xi32, #tpu.memory_space<vmem>>) semaphore(%run_scoped3A_206 : memref<!tpu.dma_semaphore, #tpu.memory_space<semaphore_mem>>) {add = true}
        %dma_wait3A_217 = arith.constant 0 : i32
        %dma_wait3A_218 = arith.constant 0 : i32
        %dma_wait3A_219 = tpu.memref_slice %arg9[%run_scoped3A_165, %dma_wait3A_217, %dma_wait3A_218] : memref<4x128x64xf32, #tpu.memory_space<vmem>> -> memref<1x128x64xf32, #tpu.memory_space<vmem>>
        %dma_wait3A_220 = tpu.memref_squeeze %dma_wait3A_219 : memref<1x128x64xf32, #tpu.memory_space<vmem>> -> memref<128x64xf32, #tpu.memory_space<vmem>>
        %dma_wait3A_221 = arith.constant 0 : i32
        %dma_wait3A_222 = tpu.memref_slice %arg8[%add3A_141, %dma_wait3A_221] : memref<160x128xi32, #tpu.memory_space<vmem>> -> memref<1x128xi32, #tpu.memory_space<vmem>>
        %dma_wait3A_223 = tpu.memref_squeeze %dma_wait3A_222 : memref<1x128xi32, #tpu.memory_space<vmem>> -> memref<128xi32, #tpu.memory_space<vmem>>
        %dma_wait3A_224 = arith.constant 0 : i32
        %dma_wait3A_225 = arith.constant 0 : i32
        %dma_wait3A_226 = tpu.memref_slice %arg10[%dma_wait3A_224, %dma_wait3A_225] : memref<10240x64xf32, #tpu.memory_space<vmem_shared>> -> memref<10240x64xf32, #tpu.memory_space<vmem_shared>>
        tpu.wait_indirect_dma semaphore(%run_scoped3A_206 : memref<!tpu.dma_semaphore, #tpu.memory_space<semaphore_mem>>) src(%dma_wait3A_220 : memref<128x64xf32, #tpu.memory_space<vmem>>) dst(%dma_wait3A_226 : memref<10240x64xf32, #tpu.memory_space<vmem_shared>>)
        tpu.yield
      }) : () -> ()
      %add3A_166 = arith.constant 4 : i32
      %add3A_167 = arith.addi %add3A_141, %add3A_166 : i32
      %lt3A_168 = arith.constant 160 : i32
      %lt3A_169 = arith.cmpi slt, %add3A_167, %lt3A_168 : i32
      %convert_element_type3A_170 = arith.extui %lt3A_169 : i1 to i32
      %cond3A_171 = arith.constant 0 : i32
      %cond3A_172 = arith.cmpi ne, %convert_element_type3A_170, %cond3A_171 : i32
      scf.if %cond3A_172 {
        %dma_start3A_206 = arith.constant 2 : i32
        %dma_start3A_207 = arith.constant 0 : i32
        %dma_start3A_208 = arith.constant 0 : i32
        %dma_start3A_209 = tpu.memref_slice %arg9[%dma_start3A_206, %dma_start3A_207, %dma_start3A_208] : memref<4x128x64xf32, #tpu.memory_space<vmem>> -> memref<1x128x64xf32, #tpu.memory_space<vmem>>
        %dma_start3A_210 = tpu.memref_squeeze %dma_start3A_209 : memref<1x128x64xf32, #tpu.memory_space<vmem>> -> memref<128x64xf32, #tpu.memory_space<vmem>>
        %dma_start3A_211 = arith.constant 0 : i32
        %dma_start3A_212 = tpu.memref_slice %arg7[%add3A_167, %dma_start3A_211] : memref<160x128xi32, #tpu.memory_space<vmem>> -> memref<1x128xi32, #tpu.memory_space<vmem>>
        %dma_start3A_213 = tpu.memref_squeeze %dma_start3A_212 : memref<1x128xi32, #tpu.memory_space<vmem>> -> memref<128xi32, #tpu.memory_space<vmem>>
        %dma_start3A_214 = arith.constant 0 : i32
        %dma_start3A_215 = arith.constant 0 : i32
        %dma_start3A_216 = tpu.memref_slice %arg2[%arg0, %dma_start3A_214, %dma_start3A_215] : memref<2x10000x64xf32, #tpu.memory_space<hbm>> -> memref<1x10000x64xf32, #tpu.memory_space<hbm>>
        %dma_start3A_217 = tpu.memref_squeeze %dma_start3A_216 : memref<1x10000x64xf32, #tpu.memory_space<hbm>> -> memref<10000x64xf32, #tpu.memory_space<hbm>>
        %dma_start3A_218 = arith.constant 0 : i32
        %dma_start3A_219 = arith.constant 0 : i32
        %dma_start3A_220 = tpu.memref_slice %dma_start3A_217[%dma_start3A_218, %dma_start3A_219] : memref<10000x64xf32, #tpu.memory_space<hbm>> -> memref<10000x64xf32, #tpu.memory_space<hbm>>
        tpu.enqueue_indirect_dma source(%dma_start3A_220 : memref<10000x64xf32, #tpu.memory_space<hbm>>) target(%dma_start3A_210 : memref<128x64xf32, #tpu.memory_space<vmem>>) offsets(%dma_start3A_213 : memref<128xi32, #tpu.memory_space<vmem>>) semaphore(%arg13 : memref<!tpu.dma_semaphore, #tpu.memory_space<semaphore_mem>>)
      } else {
      }
      %add3A_173 = arith.constant 3 : i32
      %add3A_174 = arith.addi %mul3A_76, %add3A_173 : i32
      %dma_wait3A_175 = arith.constant 3 : i32
      %dma_wait3A_176 = arith.constant 0 : i32
      %dma_wait3A_177 = arith.constant 0 : i32
      %dma_wait3A_178 = tpu.memref_slice %arg9[%dma_wait3A_175, %dma_wait3A_176, %dma_wait3A_177] : memref<4x128x64xf32, #tpu.memory_space<vmem>> -> memref<1x128x64xf32, #tpu.memory_space<vmem>>
      %dma_wait3A_179 = tpu.memref_squeeze %dma_wait3A_178 : memref<1x128x64xf32, #tpu.memory_space<vmem>> -> memref<128x64xf32, #tpu.memory_space<vmem>>
      %dma_wait3A_180 = arith.constant 0 : i32
      %dma_wait3A_181 = arith.constant 0 : i32
      %dma_wait3A_182 = tpu.memref_slice %arg2[%arg0, %dma_wait3A_180, %dma_wait3A_181] : memref<2x10000x64xf32, #tpu.memory_space<hbm>> -> memref<1x10000x64xf32, #tpu.memory_space<hbm>>
      %dma_wait3A_183 = tpu.memref_squeeze %dma_wait3A_182 : memref<1x10000x64xf32, #tpu.memory_space<hbm>> -> memref<10000x64xf32, #tpu.memory_space<hbm>>
      %dma_wait3A_184 = arith.constant 0 : i32
      %dma_wait3A_185 = arith.constant 0 : i32
      %dma_wait3A_186 = tpu.memref_slice %dma_wait3A_183[%dma_wait3A_184, %dma_wait3A_185] : memref<10000x64xf32, #tpu.memory_space<hbm>> -> memref<128x64xf32, #tpu.memory_space<hbm>>
      %dma_wait3A_187 = arith.constant 0 : i32
      %dma_wait3A_188 = arith.constant 0 : i32
      %dma_wait3A_189 = tpu.memref_slice %arg9[%dma_wait3A_175, %dma_wait3A_187, %dma_wait3A_188] : memref<4x128x64xf32, #tpu.memory_space<vmem>> -> memref<1x128x64xf32, #tpu.memory_space<vmem>>
      %dma_wait3A_190 = tpu.memref_squeeze %dma_wait3A_189 : memref<1x128x64xf32, #tpu.memory_space<vmem>> -> memref<128x64xf32, #tpu.memory_space<vmem>>
      %dma_wait3A_191 = arith.constant 0 : i32
      %dma_wait3A_192 = arith.constant 0 : i32
      %dma_wait3A_193 = tpu.memref_slice %arg2[%arg0, %dma_wait3A_191, %dma_wait3A_192] : memref<2x10000x64xf32, #tpu.memory_space<hbm>> -> memref<1x10000x64xf32, #tpu.memory_space<hbm>>
      %dma_wait3A_194 = tpu.memref_squeeze %dma_wait3A_193 : memref<1x10000x64xf32, #tpu.memory_space<hbm>> -> memref<10000x64xf32, #tpu.memory_space<hbm>>
      %dma_wait3A_195 = arith.constant 0 : i32
      %dma_wait3A_196 = arith.constant 0 : i32
      %dma_wait3A_197 = tpu.memref_slice %dma_wait3A_194[%dma_wait3A_195, %dma_wait3A_196] : memref<10000x64xf32, #tpu.memory_space<hbm>> -> memref<128x64xf32, #tpu.memory_space<hbm>>
      tpu.wait_dma2 semaphore(%arg14 : memref<!tpu.dma_semaphore, #tpu.memory_space<semaphore_mem>>) src(%dma_wait3A_197 : memref<128x64xf32, #tpu.memory_space<hbm>>) dst(%dma_wait3A_190 : memref<128x64xf32, #tpu.memory_space<vmem>>)
      %run_scoped3A_198 = arith.constant 3 : i32
      "tpu.region"() ({
        %run_scoped3A_206 = tpu.sem_alloc : memref<!tpu.dma_semaphore, #tpu.memory_space<semaphore_mem>>
        %dma_start3A_207 = arith.constant 0 : i32
        %dma_start3A_208 = arith.constant 0 : i32
        %dma_start3A_209 = tpu.memref_slice %arg9[%run_scoped3A_198, %dma_start3A_207, %dma_start3A_208] : memref<4x128x64xf32, #tpu.memory_space<vmem>> -> memref<1x128x64xf32, #tpu.memory_space<vmem>>
        %dma_start3A_210 = tpu.memref_squeeze %dma_start3A_209 : memref<1x128x64xf32, #tpu.memory_space<vmem>> -> memref<128x64xf32, #tpu.memory_space<vmem>>
        %dma_start3A_211 = arith.constant 0 : i32
        %dma_start3A_212 = tpu.memref_slice %arg8[%add3A_174, %dma_start3A_211] : memref<160x128xi32, #tpu.memory_space<vmem>> -> memref<1x128xi32, #tpu.memory_space<vmem>>
        %dma_start3A_213 = tpu.memref_squeeze %dma_start3A_212 : memref<1x128xi32, #tpu.memory_space<vmem>> -> memref<128xi32, #tpu.memory_space<vmem>>
        %dma_start3A_214 = arith.constant 0 : i32
        %dma_start3A_215 = arith.constant 0 : i32
        %dma_start3A_216 = tpu.memref_slice %arg10[%dma_start3A_214, %dma_start3A_215] : memref<10240x64xf32, #tpu.memory_space<vmem_shared>> -> memref<10240x64xf32, #tpu.memory_space<vmem_shared>>
        tpu.enqueue_indirect_dma source(%dma_start3A_210 : memref<128x64xf32, #tpu.memory_space<vmem>>) target(%dma_start3A_216 : memref<10240x64xf32, #tpu.memory_space<vmem_shared>>) offsets(%dma_start3A_213 : memref<128xi32, #tpu.memory_space<vmem>>) semaphore(%run_scoped3A_206 : memref<!tpu.dma_semaphore, #tpu.memory_space<semaphore_mem>>) {add = true}
        %dma_wait3A_217 = arith.constant 0 : i32
        %dma_wait3A_218 = arith.constant 0 : i32
        %dma_wait3A_219 = tpu.memref_slice %arg9[%run_scoped3A_198, %dma_wait3A_217, %dma_wait3A_218] : memref<4x128x64xf32, #tpu.memory_space<vmem>> -> memref<1x128x64xf32, #tpu.memory_space<vmem>>
        %dma_wait3A_220 = tpu.memref_squeeze %dma_wait3A_219 : memref<1x128x64xf32, #tpu.memory_space<vmem>> -> memref<128x64xf32, #tpu.memory_space<vmem>>
        %dma_wait3A_221 = arith.constant 0 : i32
        %dma_wait3A_222 = tpu.memref_slice %arg8[%add3A_174, %dma_wait3A_221] : memref<160x128xi32, #tpu.memory_space<vmem>> -> memref<1x128xi32, #tpu.memory_space<vmem>>
        %dma_wait3A_223 = tpu.memref_squeeze %dma_wait3A_222 : memref<1x128xi32, #tpu.memory_space<vmem>> -> memref<128xi32, #tpu.memory_space<vmem>>
        %dma_wait3A_224 = arith.constant 0 : i32
        %dma_wait3A_225 = arith.constant 0 : i32
        %dma_wait3A_226 = tpu.memref_slice %arg10[%dma_wait3A_224, %dma_wait3A_225] : memref<10240x64xf32, #tpu.memory_space<vmem_shared>> -> memref<10240x64xf32, #tpu.memory_space<vmem_shared>>
        tpu.wait_indirect_dma semaphore(%run_scoped3A_206 : memref<!tpu.dma_semaphore, #tpu.memory_space<semaphore_mem>>) src(%dma_wait3A_220 : memref<128x64xf32, #tpu.memory_space<vmem>>) dst(%dma_wait3A_226 : memref<10240x64xf32, #tpu.memory_space<vmem_shared>>)
        tpu.yield
      }) : () -> ()
      %add3A_199 = arith.constant 4 : i32
      %add3A_200 = arith.addi %add3A_174, %add3A_199 : i32
      %lt3A_201 = arith.constant 160 : i32
      %lt3A_202 = arith.cmpi slt, %add3A_200, %lt3A_201 : i32
      %convert_element_type3A_203 = arith.extui %lt3A_202 : i1 to i32
      %cond3A_204 = arith.constant 0 : i32
      %cond3A_205 = arith.cmpi ne, %convert_element_type3A_203, %cond3A_204 : i32
      scf.if %cond3A_205 {
        %dma_start3A_206 = arith.constant 3 : i32
        %dma_start3A_207 = arith.constant 0 : i32
        %dma_start3A_208 = arith.constant 0 : i32
        %dma_start3A_209 = tpu.memref_slice %arg9[%dma_start3A_206, %dma_start3A_207, %dma_start3A_208] : memref<4x128x64xf32, #tpu.memory_space<vmem>> -> memref<1x128x64xf32, #tpu.memory_space<vmem>>
        %dma_start3A_210 = tpu.memref_squeeze %dma_start3A_209 : memref<1x128x64xf32, #tpu.memory_space<vmem>> -> memref<128x64xf32, #tpu.memory_space<vmem>>
        %dma_start3A_211 = arith.constant 0 : i32
        %dma_start3A_212 = tpu.memref_slice %arg7[%add3A_200, %dma_start3A_211] : memref<160x128xi32, #tpu.memory_space<vmem>> -> memref<1x128xi32, #tpu.memory_space<vmem>>
        %dma_start3A_213 = tpu.memref_squeeze %dma_start3A_212 : memref<1x128xi32, #tpu.memory_space<vmem>> -> memref<128xi32, #tpu.memory_space<vmem>>
        %dma_start3A_214 = arith.constant 0 : i32
        %dma_start3A_215 = arith.constant 0 : i32
        %dma_start3A_216 = tpu.memref_slice %arg2[%arg0, %dma_start3A_214, %dma_start3A_215] : memref<2x10000x64xf32, #tpu.memory_space<hbm>> -> memref<1x10000x64xf32, #tpu.memory_space<hbm>>
        %dma_start3A_217 = tpu.memref_squeeze %dma_start3A_216 : memref<1x10000x64xf32, #tpu.memory_space<hbm>> -> memref<10000x64xf32, #tpu.memory_space<hbm>>
        %dma_start3A_218 = arith.constant 0 : i32
        %dma_start3A_219 = arith.constant 0 : i32
        %dma_start3A_220 = tpu.memref_slice %dma_start3A_217[%dma_start3A_218, %dma_start3A_219] : memref<10000x64xf32, #tpu.memory_space<hbm>> -> memref<10000x64xf32, #tpu.memory_space<hbm>>
        tpu.enqueue_indirect_dma source(%dma_start3A_220 : memref<10000x64xf32, #tpu.memory_space<hbm>>) target(%dma_start3A_210 : memref<128x64xf32, #tpu.memory_space<vmem>>) offsets(%dma_start3A_213 : memref<128xi32, #tpu.memory_space<vmem>>) semaphore(%arg14 : memref<!tpu.dma_semaphore, #tpu.memory_space<semaphore_mem>>)
      } else {
      }
    }
    %scan3A_70 = arith.constant 40 : i32
    %barrier3A_71 = arith.constant 0 : index
    tpu.barrier barrier_id(%barrier3A_71)
    %lt3A = arith.constant 10 : i32
    %lt3A_72 = arith.cmpi slt, %arg1, %lt3A : i32
    %convert_element_type3A = arith.extui %lt3A_72 : i1 to i32
    %cond3A = arith.constant 0 : i32
    %cond3A_73 = arith.cmpi ne, %convert_element_type3A, %cond3A : i32
    scf.if %cond3A_73 {
      %mul3A_74 = arith.constant 1000 : i32
      %mul3A_75 = arith.muli %arg1, %mul3A_74 : i32
      %mul3A_76 = arith.constant 1000 : i32
      %mul3A_77 = arith.muli %arg1, %mul3A_76 : i32
      "tpu.region"() ({
        %run_scoped3A = tpu.sem_alloc : memref<!tpu.dma_semaphore, #tpu.memory_space<semaphore_mem>>
        %dma_start3A_78 = arith.constant 0 : i32
        %dma_start3A_79 = arith.constant 0 : i32
        %dma_start3A_80 = tpu.memref_slice %arg6[%arg0, %dma_start3A_78, %dma_start3A_79] : memref<2x10000x64xf32, #tpu.memory_space<hbm>> -> memref<1x10000x64xf32, #tpu.memory_space<hbm>>
        %dma_start3A_81 = tpu.memref_squeeze %dma_start3A_80 : memref<1x10000x64xf32, #tpu.memory_space<hbm>> -> memref<10000x64xf32, #tpu.memory_space<hbm>>
        %dma_start3A_82 = arith.constant 0 : i32
        %dma_start3A_83 = tpu.memref_slice %dma_start3A_81[%mul3A_77, %dma_start3A_82] : memref<10000x64xf32, #tpu.memory_space<hbm>> -> memref<1000x64xf32, #tpu.memory_space<hbm>>
        %dma_start3A_84 = arith.constant 0 : i32
        %dma_start3A_85 = tpu.memref_slice %arg10[%mul3A_75, %dma_start3A_84] : memref<10240x64xf32, #tpu.memory_space<vmem_shared>> -> memref<1000x64xf32, #tpu.memory_space<vmem_shared>>
        tpu.enqueue_dma source(%dma_start3A_85 : memref<1000x64xf32, #tpu.memory_space<vmem_shared>>) target(%dma_start3A_83 : memref<1000x64xf32, #tpu.memory_space<hbm>>) target_semaphore(%run_scoped3A : memref<!tpu.dma_semaphore, #tpu.memory_space<semaphore_mem>>)
        %dma_wait3A = arith.constant 0 : i32
        %dma_wait3A_86 = arith.constant 0 : i32
        %dma_wait3A_87 = tpu.memref_slice %arg6[%arg0, %dma_wait3A, %dma_wait3A_86] : memref<2x10000x64xf32, #tpu.memory_space<hbm>> -> memref<1x10000x64xf32, #tpu.memory_space<hbm>>
        %dma_wait3A_88 = tpu.memref_squeeze %dma_wait3A_87 : memref<1x10000x64xf32, #tpu.memory_space<hbm>> -> memref<10000x64xf32, #tpu.memory_space<hbm>>
        %dma_wait3A_89 = arith.constant 0 : i32
        %dma_wait3A_90 = tpu.memref_slice %dma_wait3A_88[%mul3A_77, %dma_wait3A_89] : memref<10000x64xf32, #tpu.memory_space<hbm>> -> memref<1000x64xf32, #tpu.memory_space<hbm>>
        %dma_wait3A_91 = arith.constant 0 : i32
        %dma_wait3A_92 = tpu.memref_slice %arg10[%mul3A_75, %dma_wait3A_91] : memref<10240x64xf32, #tpu.memory_space<vmem_shared>> -> memref<1000x64xf32, #tpu.memory_space<vmem_shared>>
        tpu.wait_dma2 semaphore(%run_scoped3A : memref<!tpu.dma_semaphore, #tpu.memory_space<semaphore_mem>>) src(%dma_wait3A_92 : memref<1000x64xf32, #tpu.memory_space<vmem_shared>>) dst(%dma_wait3A_90 : memref<1000x64xf32, #tpu.memory_space<hbm>>)
        tpu.yield
      }) : () -> ()
    } else {
    }
    return
  }
}

#map = affine_map<(d0, d1) -> (0, 0, 0)>
#map1 = affine_map<(d0, d1) -> (0, 0)>
module attributes {stable_mosaic.version = 14 : i64} {
  func.func @_sc_spmm(%arg0: i32, %arg1: i32, %arg2: memref<2x10000x64xf32, #tpu.memory_space<hbm>>, %arg3: memref<16x160x128xi32, #tpu.memory_space<hbm>>, %arg4: memref<16x160x128xi32, #tpu.memory_space<hbm>>, %arg5: memref<10240x64xf32, #tpu.memory_space<hbm>>, %arg6: memref<2x10000x64xf32, #tpu.memory_space<hbm>>, %arg7: memref<160x128xi32, #tpu.memory_space<vmem>>, %arg8: memref<160x128xi32, #tpu.memory_space<vmem>>, %arg9: memref<4x128x64xf32, #tpu.memory_space<vmem>>, %arg10: memref<10240x64xf32, #tpu.memory_space<vmem_shared>>, %arg11: memref<!tpu.dma_semaphore, #tpu.memory_space<semaphore_mem>>, %arg12: memref<!tpu.dma_semaphore, #tpu.memory_space<semaphore_mem>>, %arg13: memref<!tpu.dma_semaphore, #tpu.memory_space<semaphore_mem>>, %arg14: memref<!tpu.dma_semaphore, #tpu.memory_space<semaphore_mem>>) attributes {dimension_semantics = [#tpu.dimension_semantics<core_parallel>, #tpu.dimension_semantics<subcore_parallel>], iteration_bounds = array<i64: 2, 16>, scalar_prefetch = 0 : i64, scratch_operands = 8 : i64, tpu.core_type = #tpu.core_type<sc_vector_subcore>, window_params = [{transform_indices = #map}, {transform_indices = #map}, {transform_indices = #map}, {transform_indices = #map1}, {transform_indices = #map}]} {
    %mul3A = arith.constant 640 : i32
    %mul3A_0 = arith.muli %arg1, %mul3A : i32
    %mul3A_1 = arith.constant 640 : i32
    %mul3A_2 = arith.muli %arg1, %mul3A_1 : i32
    "tpu.region"() ({
      %run_scoped3A = tpu.sem_alloc : memref<!tpu.dma_semaphore, #tpu.memory_space<semaphore_mem>>
      %dma_start3A_74 = arith.constant 0 : i32
      %dma_start3A_75 = tpu.memref_slice %arg10[%mul3A_2, %dma_start3A_74] : memref<10240x64xf32, #tpu.memory_space<vmem_shared>> -> memref<640x64xf32, #tpu.memory_space<vmem_shared>>
      %dma_start3A_76 = arith.constant 0 : i32
      %dma_start3A_77 = tpu.memref_slice %arg5[%mul3A_0, %dma_start3A_76] : memref<10240x64xf32, #tpu.memory_space<hbm>> -> memref<640x64xf32, #tpu.memory_space<hbm>>
      tpu.enqueue_dma source(%dma_start3A_77 : memref<640x64xf32, #tpu.memory_space<hbm>>) target(%dma_start3A_75 : memref<640x64xf32, #tpu.memory_space<vmem_shared>>) target_semaphore(%run_scoped3A : memref<!tpu.dma_semaphore, #tpu.memory_space<semaphore_mem>>)
      %dma_wait3A = arith.constant 0 : i32
      %dma_wait3A_78 = tpu.memref_slice %arg10[%mul3A_2, %dma_wait3A] : memref<10240x64xf32, #tpu.memory_space<vmem_shared>> -> memref<640x64xf32, #tpu.memory_space<vmem_shared>>
      %dma_wait3A_79 = arith.constant 0 : i32
      %dma_wait3A_80 = tpu.memref_slice %arg5[%mul3A_0, %dma_wait3A_79] : memref<10240x64xf32, #tpu.memory_space<hbm>> -> memref<640x64xf32, #tpu.memory_space<hbm>>
      tpu.wait_dma2 semaphore(%run_scoped3A : memref<!tpu.dma_semaphore, #tpu.memory_space<semaphore_mem>>) src(%dma_wait3A_80 : memref<640x64xf32, #tpu.memory_space<hbm>>) dst(%dma_wait3A_78 : memref<640x64xf32, #tpu.memory_space<vmem_shared>>)
      tpu.yield
    }) : () -> ()
    "tpu.region"() ({
      %run_scoped3A = tpu.sem_alloc : memref<!tpu.dma_semaphore, #tpu.memory_space<semaphore_mem>>
      %dma_start3A_74 = arith.constant 0 : i32
      %dma_start3A_75 = arith.constant 0 : i32
      %dma_start3A_76 = tpu.memref_slice %arg3[%arg1, %dma_start3A_74, %dma_start3A_75] : memref<16x160x128xi32, #tpu.memory_space<hbm>> -> memref<1x160x128xi32, #tpu.memory_space<hbm>>
      %dma_start3A_77 = tpu.memref_squeeze %dma_start3A_76 : memref<1x160x128xi32, #tpu.memory_space<hbm>> -> memref<160x128xi32, #tpu.memory_space<hbm>>
      %dma_start3A_78 = arith.constant 0 : i32
      %dma_start3A_79 = arith.constant 0 : i32
      %dma_start3A_80 = tpu.memref_slice %arg3[%arg1, %dma_start3A_78, %dma_start3A_79] : memref<16x160x128xi32, #tpu.memory_space<hbm>> -> memref<1x160x128xi32, #tpu.memory_space<hbm>>
      %dma_start3A_81 = tpu.memref_squeeze %dma_start3A_80 : memref<1x160x128xi32, #tpu.memory_space<hbm>> -> memref<160x128xi32, #tpu.memory_space<hbm>>
      tpu.enqueue_dma source(%dma_start3A_81 : memref<160x128xi32, #tpu.memory_space<hbm>>) target(%arg7 : memref<160x128xi32, #tpu.memory_space<vmem>>) target_semaphore(%run_scoped3A : memref<!tpu.dma_semaphore, #tpu.memory_space<semaphore_mem>>)
      %dma_wait3A = arith.constant 0 : i32
      %dma_wait3A_82 = arith.constant 0 : i32
      %dma_wait3A_83 = tpu.memref_slice %arg3[%arg1, %dma_wait3A, %dma_wait3A_82] : memref<16x160x128xi32, #tpu.memory_space<hbm>> -> memref<1x160x128xi32, #tpu.memory_space<hbm>>
      %dma_wait3A_84 = tpu.memref_squeeze %dma_wait3A_83 : memref<1x160x128xi32, #tpu.memory_space<hbm>> -> memref<160x128xi32, #tpu.memory_space<hbm>>
      %dma_wait3A_85 = arith.constant 0 : i32
      %dma_wait3A_86 = arith.constant 0 : i32
      %dma_wait3A_87 = tpu.memref_slice %arg3[%arg1, %dma_wait3A_85, %dma_wait3A_86] : memref<16x160x128xi32, #tpu.memory_space<hbm>> -> memref<1x160x128xi32, #tpu.memory_space<hbm>>
      %dma_wait3A_88 = tpu.memref_squeeze %dma_wait3A_87 : memref<1x160x128xi32, #tpu.memory_space<hbm>> -> memref<160x128xi32, #tpu.memory_space<hbm>>
      tpu.wait_dma2 semaphore(%run_scoped3A : memref<!tpu.dma_semaphore, #tpu.memory_space<semaphore_mem>>) src(%dma_wait3A_88 : memref<160x128xi32, #tpu.memory_space<hbm>>) dst(%arg7 : memref<160x128xi32, #tpu.memory_space<vmem>>)
      tpu.yield
    }) : () -> ()
    "tpu.region"() ({
      %run_scoped3A = tpu.sem_alloc : memref<!tpu.dma_semaphore, #tpu.memory_space<semaphore_mem>>
      %dma_start3A_74 = arith.constant 0 : i32
      %dma_start3A_75 = arith.constant 0 : i32
      %dma_start3A_76 = tpu.memref_slice %arg4[%arg1, %dma_start3A_74, %dma_start3A_75] : memref<16x160x128xi32, #tpu.memory_space<hbm>> -> memref<1x160x128xi32, #tpu.memory_space<hbm>>
      %dma_start3A_77 = tpu.memref_squeeze %dma_start3A_76 : memref<1x160x128xi32, #tpu.memory_space<hbm>> -> memref<160x128xi32, #tpu.memory_space<hbm>>
      %dma_start3A_78 = arith.constant 0 : i32
      %dma_start3A_79 = arith.constant 0 : i32
      %dma_start3A_80 = tpu.memref_slice %arg4[%arg1, %dma_start3A_78, %dma_start3A_79] : memref<16x160x128xi32, #tpu.memory_space<hbm>> -> memref<1x160x128xi32, #tpu.memory_space<hbm>>
      %dma_start3A_81 = tpu.memref_squeeze %dma_start3A_80 : memref<1x160x128xi32, #tpu.memory_space<hbm>> -> memref<160x128xi32, #tpu.memory_space<hbm>>
      tpu.enqueue_dma source(%dma_start3A_81 : memref<160x128xi32, #tpu.memory_space<hbm>>) target(%arg8 : memref<160x128xi32, #tpu.memory_space<vmem>>) target_semaphore(%run_scoped3A : memref<!tpu.dma_semaphore, #tpu.memory_space<semaphore_mem>>)
      %dma_wait3A = arith.constant 0 : i32
      %dma_wait3A_82 = arith.constant 0 : i32
      %dma_wait3A_83 = tpu.memref_slice %arg4[%arg1, %dma_wait3A, %dma_wait3A_82] : memref<16x160x128xi32, #tpu.memory_space<hbm>> -> memref<1x160x128xi32, #tpu.memory_space<hbm>>
      %dma_wait3A_84 = tpu.memref_squeeze %dma_wait3A_83 : memref<1x160x128xi32, #tpu.memory_space<hbm>> -> memref<160x128xi32, #tpu.memory_space<hbm>>
      %dma_wait3A_85 = arith.constant 0 : i32
      %dma_wait3A_86 = arith.constant 0 : i32
      %dma_wait3A_87 = tpu.memref_slice %arg4[%arg1, %dma_wait3A_85, %dma_wait3A_86] : memref<16x160x128xi32, #tpu.memory_space<hbm>> -> memref<1x160x128xi32, #tpu.memory_space<hbm>>
      %dma_wait3A_88 = tpu.memref_squeeze %dma_wait3A_87 : memref<1x160x128xi32, #tpu.memory_space<hbm>> -> memref<160x128xi32, #tpu.memory_space<hbm>>
      tpu.wait_dma2 semaphore(%run_scoped3A : memref<!tpu.dma_semaphore, #tpu.memory_space<semaphore_mem>>) src(%dma_wait3A_88 : memref<160x128xi32, #tpu.memory_space<hbm>>) dst(%arg8 : memref<160x128xi32, #tpu.memory_space<vmem>>)
      tpu.yield
    }) : () -> ()
    %barrier3A = arith.constant 0 : index
    tpu.barrier barrier_id(%barrier3A)
    %dma_start3A = arith.constant 0 : i32
    %dma_start3A_3 = arith.constant 0 : i32
    %dma_start3A_4 = arith.constant 0 : i32
    %dma_start3A_5 = arith.constant 0 : i32
    %dma_start3A_6 = tpu.memref_slice %arg9[%dma_start3A_3, %dma_start3A_4, %dma_start3A_5] : memref<4x128x64xf32, #tpu.memory_space<vmem>> -> memref<1x128x64xf32, #tpu.memory_space<vmem>>
    %dma_start3A_7 = tpu.memref_squeeze %dma_start3A_6 : memref<1x128x64xf32, #tpu.memory_space<vmem>> -> memref<128x64xf32, #tpu.memory_space<vmem>>
    %dma_start3A_8 = arith.constant 0 : i32
    %dma_start3A_9 = tpu.memref_slice %arg7[%dma_start3A, %dma_start3A_8] : memref<160x128xi32, #tpu.memory_space<vmem>> -> memref<1x128xi32, #tpu.memory_space<vmem>>
    %dma_start3A_10 = tpu.memref_squeeze %dma_start3A_9 : memref<1x128xi32, #tpu.memory_space<vmem>> -> memref<128xi32, #tpu.memory_space<vmem>>
    %dma_start3A_11 = arith.constant 0 : i32
    %dma_start3A_12 = arith.constant 0 : i32
    %dma_start3A_13 = tpu.memref_slice %arg2[%arg0, %dma_start3A_11, %dma_start3A_12] : memref<2x10000x64xf32, #tpu.memory_space<hbm>> -> memref<1x10000x64xf32, #tpu.memory_space<hbm>>
    %dma_start3A_14 = tpu.memref_squeeze %dma_start3A_13 : memref<1x10000x64xf32, #tpu.memory_space<hbm>> -> memref<10000x64xf32, #tpu.memory_space<hbm>>
    %dma_start3A_15 = arith.constant 0 : i32
    %dma_start3A_16 = arith.constant 0 : i32
    %dma_start3A_17 = tpu.memref_slice %dma_start3A_14[%dma_start3A_15, %dma_start3A_16] : memref<10000x64xf32, #tpu.memory_space<hbm>> -> memref<10000x64xf32, #tpu.memory_space<hbm>>
    tpu.enqueue_indirect_dma source(%dma_start3A_17 : memref<10000x64xf32, #tpu.memory_space<hbm>>) target(%dma_start3A_7 : memref<128x64xf32, #tpu.memory_space<vmem>>) offsets(%dma_start3A_10 : memref<128xi32, #tpu.memory_space<vmem>>) semaphore(%arg11 : memref<!tpu.dma_semaphore, #tpu.memory_space<semaphore_mem>>)
    %dma_start3A_18 = arith.constant 1 : i32
    %dma_start3A_19 = arith.constant 1 : i32
    %dma_start3A_20 = arith.constant 0 : i32
    %dma_start3A_21 = arith.constant 0 : i32
    %dma_start3A_22 = tpu.memref_slice %arg9[%dma_start3A_19, %dma_start3A_20, %dma_start3A_21] : memref<4x128x64xf32, #tpu.memory_space<vmem>> -> memref<1x128x64xf32, #tpu.memory_space<vmem>>
    %dma_start3A_23 = tpu.memref_squeeze %dma_start3A_22 : memref<1x128x64xf32, #tpu.memory_space<vmem>> -> memref<128x64xf32, #tpu.memory_space<vmem>>
    %dma_start3A_24 = arith.constant 0 : i32
    %dma_start3A_25 = tpu.memref_slice %arg7[%dma_start3A_18, %dma_start3A_24] : memref<160x128xi32, #tpu.memory_space<vmem>> -> memref<1x128xi32, #tpu.memory_space<vmem>>
    %dma_start3A_26 = tpu.memref_squeeze %dma_start3A_25 : memref<1x128xi32, #tpu.memory_space<vmem>> -> memref<128xi32, #tpu.memory_space<vmem>>
    %dma_start3A_27 = arith.constant 0 : i32
    %dma_start3A_28 = arith.constant 0 : i32
    %dma_start3A_29 = tpu.memref_slice %arg2[%arg0, %dma_start3A_27, %dma_start3A_28] : memref<2x10000x64xf32, #tpu.memory_space<hbm>> -> memref<1x10000x64xf32, #tpu.memory_space<hbm>>
    %dma_start3A_30 = tpu.memref_squeeze %dma_start3A_29 : memref<1x10000x64xf32, #tpu.memory_space<hbm>> -> memref<10000x64xf32, #tpu.memory_space<hbm>>
    %dma_start3A_31 = arith.constant 0 : i32
    %dma_start3A_32 = arith.constant 0 : i32
    %dma_start3A_33 = tpu.memref_slice %dma_start3A_30[%dma_start3A_31, %dma_start3A_32] : memref<10000x64xf32, #tpu.memory_space<hbm>> -> memref<10000x64xf32, #tpu.memory_space<hbm>>
    tpu.enqueue_indirect_dma source(%dma_start3A_33 : memref<10000x64xf32, #tpu.memory_space<hbm>>) target(%dma_start3A_23 : memref<128x64xf32, #tpu.memory_space<vmem>>) offsets(%dma_start3A_26 : memref<128xi32, #tpu.memory_space<vmem>>) semaphore(%arg12 : memref<!tpu.dma_semaphore, #tpu.memory_space<semaphore_mem>>)
    %dma_start3A_34 = arith.constant 2 : i32
    %dma_start3A_35 = arith.constant 2 : i32
    %dma_start3A_36 = arith.constant 0 : i32
    %dma_start3A_37 = arith.constant 0 : i32
    %dma_start3A_38 = tpu.memref_slice %arg9[%dma_start3A_35, %dma_start3A_36, %dma_start3A_37] : memref<4x128x64xf32, #tpu.memory_space<vmem>> -> memref<1x128x64xf32, #tpu.memory_space<vmem>>
    %dma_start3A_39 = tpu.memref_squeeze %dma_start3A_38 : memref<1x128x64xf32, #tpu.memory_space<vmem>> -> memref<128x64xf32, #tpu.memory_space<vmem>>
    %dma_start3A_40 = arith.constant 0 : i32
    %dma_start3A_41 = tpu.memref_slice %arg7[%dma_start3A_34, %dma_start3A_40] : memref<160x128xi32, #tpu.memory_space<vmem>> -> memref<1x128xi32, #tpu.memory_space<vmem>>
    %dma_start3A_42 = tpu.memref_squeeze %dma_start3A_41 : memref<1x128xi32, #tpu.memory_space<vmem>> -> memref<128xi32, #tpu.memory_space<vmem>>
    %dma_start3A_43 = arith.constant 0 : i32
    %dma_start3A_44 = arith.constant 0 : i32
    %dma_start3A_45 = tpu.memref_slice %arg2[%arg0, %dma_start3A_43, %dma_start3A_44] : memref<2x10000x64xf32, #tpu.memory_space<hbm>> -> memref<1x10000x64xf32, #tpu.memory_space<hbm>>
    %dma_start3A_46 = tpu.memref_squeeze %dma_start3A_45 : memref<1x10000x64xf32, #tpu.memory_space<hbm>> -> memref<10000x64xf32, #tpu.memory_space<hbm>>
    %dma_start3A_47 = arith.constant 0 : i32
    %dma_start3A_48 = arith.constant 0 : i32
    %dma_start3A_49 = tpu.memref_slice %dma_start3A_46[%dma_start3A_47, %dma_start3A_48] : memref<10000x64xf32, #tpu.memory_space<hbm>> -> memref<10000x64xf32, #tpu.memory_space<hbm>>
    tpu.enqueue_indirect_dma source(%dma_start3A_49 : memref<10000x64xf32, #tpu.memory_space<hbm>>) target(%dma_start3A_39 : memref<128x64xf32, #tpu.memory_space<vmem>>) offsets(%dma_start3A_42 : memref<128xi32, #tpu.memory_space<vmem>>) semaphore(%arg13 : memref<!tpu.dma_semaphore, #tpu.memory_space<semaphore_mem>>)
    %dma_start3A_50 = arith.constant 3 : i32
    %dma_start3A_51 = arith.constant 3 : i32
    %dma_start3A_52 = arith.constant 0 : i32
    %dma_start3A_53 = arith.constant 0 : i32
    %dma_start3A_54 = tpu.memref_slice %arg9[%dma_start3A_51, %dma_start3A_52, %dma_start3A_53] : memref<4x128x64xf32, #tpu.memory_space<vmem>> -> memref<1x128x64xf32, #tpu.memory_space<vmem>>
    %dma_start3A_55 = tpu.memref_squeeze %dma_start3A_54 : memref<1x128x64xf32, #tpu.memory_space<vmem>> -> memref<128x64xf32, #tpu.memory_space<vmem>>
    %dma_start3A_56 = arith.constant 0 : i32
    %dma_start3A_57 = tpu.memref_slice %arg7[%dma_start3A_50, %dma_start3A_56] : memref<160x128xi32, #tpu.memory_space<vmem>> -> memref<1x128xi32, #tpu.memory_space<vmem>>
    %dma_start3A_58 = tpu.memref_squeeze %dma_start3A_57 : memref<1x128xi32, #tpu.memory_space<vmem>> -> memref<128xi32, #tpu.memory_space<vmem>>
    %dma_start3A_59 = arith.constant 0 : i32
    %dma_start3A_60 = arith.constant 0 : i32
    %dma_start3A_61 = tpu.memref_slice %arg2[%arg0, %dma_start3A_59, %dma_start3A_60] : memref<2x10000x64xf32, #tpu.memory_space<hbm>> -> memref<1x10000x64xf32, #tpu.memory_space<hbm>>
    %dma_start3A_62 = tpu.memref_squeeze %dma_start3A_61 : memref<1x10000x64xf32, #tpu.memory_space<hbm>> -> memref<10000x64xf32, #tpu.memory_space<hbm>>
    %dma_start3A_63 = arith.constant 0 : i32
    %dma_start3A_64 = arith.constant 0 : i32
    %dma_start3A_65 = tpu.memref_slice %dma_start3A_62[%dma_start3A_63, %dma_start3A_64] : memref<10000x64xf32, #tpu.memory_space<hbm>> -> memref<10000x64xf32, #tpu.memory_space<hbm>>
    tpu.enqueue_indirect_dma source(%dma_start3A_65 : memref<10000x64xf32, #tpu.memory_space<hbm>>) target(%dma_start3A_55 : memref<128x64xf32, #tpu.memory_space<vmem>>) offsets(%dma_start3A_58 : memref<128xi32, #tpu.memory_space<vmem>>) semaphore(%arg14 : memref<!tpu.dma_semaphore, #tpu.memory_space<semaphore_mem>>)
    %scan3A = arith.constant 0 : i32
    %scan3A_66 = arith.constant 0 : i32
    %scan3A_67 = arith.constant 40 : i32
    %scan3A_68 = arith.addi %scan3A_66, %scan3A_67 : i32
    %scan3A_69 = arith.constant 1 : i32
    scf.for %scan3A_74 = %scan3A_66 to %scan3A_68 step %scan3A_69  : i32 {
      %mul3A_75 = arith.constant 4 : i32
      %mul3A_76 = arith.muli %scan3A_74, %mul3A_75 : i32
      %add3A = arith.constant 0 : i32
      %add3A_77 = arith.addi %mul3A_76, %add3A : i32
      %dma_wait3A = arith.constant 0 : i32
      %dma_wait3A_78 = arith.constant 0 : i32
      %dma_wait3A_79 = arith.constant 0 : i32
      %dma_wait3A_80 = tpu.memref_slice %arg9[%dma_wait3A, %dma_wait3A_78, %dma_wait3A_79] : memref<4x128x64xf32, #tpu.memory_space<vmem>> -> memref<1x128x64xf32, #tpu.memory_space<vmem>>
      %dma_wait3A_81 = tpu.memref_squeeze %dma_wait3A_80 : memref<1x128x64xf32, #tpu.memory_space<vmem>> -> memref<128x64xf32, #tpu.memory_space<vmem>>
      %dma_wait3A_82 = arith.constant 0 : i32
      %dma_wait3A_83 = arith.constant 0 : i32
      %dma_wait3A_84 = tpu.memref_slice %arg2[%arg0, %dma_wait3A_82, %dma_wait3A_83] : memref<2x10000x64xf32, #tpu.memory_space<hbm>> -> memref<1x10000x64xf32, #tpu.memory_space<hbm>>
      %dma_wait3A_85 = tpu.memref_squeeze %dma_wait3A_84 : memref<1x10000x64xf32, #tpu.memory_space<hbm>> -> memref<10000x64xf32, #tpu.memory_space<hbm>>
      %dma_wait3A_86 = arith.constant 0 : i32
      %dma_wait3A_87 = arith.constant 0 : i32
      %dma_wait3A_88 = tpu.memref_slice %dma_wait3A_85[%dma_wait3A_86, %dma_wait3A_87] : memref<10000x64xf32, #tpu.memory_space<hbm>> -> memref<128x64xf32, #tpu.memory_space<hbm>>
      %dma_wait3A_89 = arith.constant 0 : i32
      %dma_wait3A_90 = arith.constant 0 : i32
      %dma_wait3A_91 = tpu.memref_slice %arg9[%dma_wait3A, %dma_wait3A_89, %dma_wait3A_90] : memref<4x128x64xf32, #tpu.memory_space<vmem>> -> memref<1x128x64xf32, #tpu.memory_space<vmem>>
      %dma_wait3A_92 = tpu.memref_squeeze %dma_wait3A_91 : memref<1x128x64xf32, #tpu.memory_space<vmem>> -> memref<128x64xf32, #tpu.memory_space<vmem>>
      %dma_wait3A_93 = arith.constant 0 : i32
      %dma_wait3A_94 = arith.constant 0 : i32
      %dma_wait3A_95 = tpu.memref_slice %arg2[%arg0, %dma_wait3A_93, %dma_wait3A_94] : memref<2x10000x64xf32, #tpu.memory_space<hbm>> -> memref<1x10000x64xf32, #tpu.memory_space<hbm>>
      %dma_wait3A_96 = tpu.memref_squeeze %dma_wait3A_95 : memref<1x10000x64xf32, #tpu.memory_space<hbm>> -> memref<10000x64xf32, #tpu.memory_space<hbm>>
      %dma_wait3A_97 = arith.constant 0 : i32
      %dma_wait3A_98 = arith.constant 0 : i32
      %dma_wait3A_99 = tpu.memref_slice %dma_wait3A_96[%dma_wait3A_97, %dma_wait3A_98] : memref<10000x64xf32, #tpu.memory_space<hbm>> -> memref<128x64xf32, #tpu.memory_space<hbm>>
      tpu.wait_dma2 semaphore(%arg11 : memref<!tpu.dma_semaphore, #tpu.memory_space<semaphore_mem>>) src(%dma_wait3A_99 : memref<128x64xf32, #tpu.memory_space<hbm>>) dst(%dma_wait3A_92 : memref<128x64xf32, #tpu.memory_space<vmem>>)
      %run_scoped3A = arith.constant 0 : i32
      "tpu.region"() ({
        %run_scoped3A_206 = tpu.sem_alloc : memref<!tpu.dma_semaphore, #tpu.memory_space<semaphore_mem>>
        %dma_start3A_207 = arith.constant 0 : i32
        %dma_start3A_208 = arith.constant 0 : i32
        %dma_start3A_209 = tpu.memref_slice %arg9[%run_scoped3A, %dma_start3A_207, %dma_start3A_208] : memref<4x128x64xf32, #tpu.memory_space<vmem>> -> memref<1x128x64xf32, #tpu.memory_space<vmem>>
        %dma_start3A_210 = tpu.memref_squeeze %dma_start3A_209 : memref<1x128x64xf32, #tpu.memory_space<vmem>> -> memref<128x64xf32, #tpu.memory_space<vmem>>
        %dma_start3A_211 = arith.constant 0 : i32
        %dma_start3A_212 = tpu.memref_slice %arg8[%add3A_77, %dma_start3A_211] : memref<160x128xi32, #tpu.memory_space<vmem>> -> memref<1x128xi32, #tpu.memory_space<vmem>>
        %dma_start3A_213 = tpu.memref_squeeze %dma_start3A_212 : memref<1x128xi32, #tpu.memory_space<vmem>> -> memref<128xi32, #tpu.memory_space<vmem>>
        %dma_start3A_214 = arith.constant 0 : i32
        %dma_start3A_215 = arith.constant 0 : i32
        %dma_start3A_216 = tpu.memref_slice %arg10[%dma_start3A_214, %dma_start3A_215] : memref<10240x64xf32, #tpu.memory_space<vmem_shared>> -> memref<10240x64xf32, #tpu.memory_space<vmem_shared>>
        tpu.enqueue_indirect_dma source(%dma_start3A_210 : memref<128x64xf32, #tpu.memory_space<vmem>>) target(%dma_start3A_216 : memref<10240x64xf32, #tpu.memory_space<vmem_shared>>) offsets(%dma_start3A_213 : memref<128xi32, #tpu.memory_space<vmem>>) semaphore(%run_scoped3A_206 : memref<!tpu.dma_semaphore, #tpu.memory_space<semaphore_mem>>) {add = true}
        %dma_wait3A_217 = arith.constant 0 : i32
        %dma_wait3A_218 = arith.constant 0 : i32
        %dma_wait3A_219 = tpu.memref_slice %arg9[%run_scoped3A, %dma_wait3A_217, %dma_wait3A_218] : memref<4x128x64xf32, #tpu.memory_space<vmem>> -> memref<1x128x64xf32, #tpu.memory_space<vmem>>
        %dma_wait3A_220 = tpu.memref_squeeze %dma_wait3A_219 : memref<1x128x64xf32, #tpu.memory_space<vmem>> -> memref<128x64xf32, #tpu.memory_space<vmem>>
        %dma_wait3A_221 = arith.constant 0 : i32
        %dma_wait3A_222 = tpu.memref_slice %arg8[%add3A_77, %dma_wait3A_221] : memref<160x128xi32, #tpu.memory_space<vmem>> -> memref<1x128xi32, #tpu.memory_space<vmem>>
        %dma_wait3A_223 = tpu.memref_squeeze %dma_wait3A_222 : memref<1x128xi32, #tpu.memory_space<vmem>> -> memref<128xi32, #tpu.memory_space<vmem>>
        %dma_wait3A_224 = arith.constant 0 : i32
        %dma_wait3A_225 = arith.constant 0 : i32
        %dma_wait3A_226 = tpu.memref_slice %arg10[%dma_wait3A_224, %dma_wait3A_225] : memref<10240x64xf32, #tpu.memory_space<vmem_shared>> -> memref<10240x64xf32, #tpu.memory_space<vmem_shared>>
        tpu.wait_indirect_dma semaphore(%run_scoped3A_206 : memref<!tpu.dma_semaphore, #tpu.memory_space<semaphore_mem>>) src(%dma_wait3A_220 : memref<128x64xf32, #tpu.memory_space<vmem>>) dst(%dma_wait3A_226 : memref<10240x64xf32, #tpu.memory_space<vmem_shared>>)
        tpu.yield
      }) : () -> ()
      %add3A_100 = arith.constant 4 : i32
      %add3A_101 = arith.addi %add3A_77, %add3A_100 : i32
      %lt3A_102 = arith.constant 160 : i32
      %lt3A_103 = arith.cmpi slt, %add3A_101, %lt3A_102 : i32
      %convert_element_type3A_104 = arith.extui %lt3A_103 : i1 to i32
      %cond3A_105 = arith.constant 0 : i32
      %cond3A_106 = arith.cmpi ne, %convert_element_type3A_104, %cond3A_105 : i32
      scf.if %cond3A_106 {
        %dma_start3A_206 = arith.constant 0 : i32
        %dma_start3A_207 = arith.constant 0 : i32
        %dma_start3A_208 = arith.constant 0 : i32
        %dma_start3A_209 = tpu.memref_slice %arg9[%dma_start3A_206, %dma_start3A_207, %dma_start3A_208] : memref<4x128x64xf32, #tpu.memory_space<vmem>> -> memref<1x128x64xf32, #tpu.memory_space<vmem>>
        %dma_start3A_210 = tpu.memref_squeeze %dma_start3A_209 : memref<1x128x64xf32, #tpu.memory_space<vmem>> -> memref<128x64xf32, #tpu.memory_space<vmem>>
        %dma_start3A_211 = arith.constant 0 : i32
        %dma_start3A_212 = tpu.memref_slice %arg7[%add3A_101, %dma_start3A_211] : memref<160x128xi32, #tpu.memory_space<vmem>> -> memref<1x128xi32, #tpu.memory_space<vmem>>
        %dma_start3A_213 = tpu.memref_squeeze %dma_start3A_212 : memref<1x128xi32, #tpu.memory_space<vmem>> -> memref<128xi32, #tpu.memory_space<vmem>>
        %dma_start3A_214 = arith.constant 0 : i32
        %dma_start3A_215 = arith.constant 0 : i32
        %dma_start3A_216 = tpu.memref_slice %arg2[%arg0, %dma_start3A_214, %dma_start3A_215] : memref<2x10000x64xf32, #tpu.memory_space<hbm>> -> memref<1x10000x64xf32, #tpu.memory_space<hbm>>
        %dma_start3A_217 = tpu.memref_squeeze %dma_start3A_216 : memref<1x10000x64xf32, #tpu.memory_space<hbm>> -> memref<10000x64xf32, #tpu.memory_space<hbm>>
        %dma_start3A_218 = arith.constant 0 : i32
        %dma_start3A_219 = arith.constant 0 : i32
        %dma_start3A_220 = tpu.memref_slice %dma_start3A_217[%dma_start3A_218, %dma_start3A_219] : memref<10000x64xf32, #tpu.memory_space<hbm>> -> memref<10000x64xf32, #tpu.memory_space<hbm>>
        tpu.enqueue_indirect_dma source(%dma_start3A_220 : memref<10000x64xf32, #tpu.memory_space<hbm>>) target(%dma_start3A_210 : memref<128x64xf32, #tpu.memory_space<vmem>>) offsets(%dma_start3A_213 : memref<128xi32, #tpu.memory_space<vmem>>) semaphore(%arg11 : memref<!tpu.dma_semaphore, #tpu.memory_space<semaphore_mem>>)
      } else {
      }
      %add3A_107 = arith.constant 1 : i32
      %add3A_108 = arith.addi %mul3A_76, %add3A_107 : i32
      %dma_wait3A_109 = arith.constant 1 : i32
      %dma_wait3A_110 = arith.constant 0 : i32
      %dma_wait3A_111 = arith.constant 0 : i32
      %dma_wait3A_112 = tpu.memref_slice %arg9[%dma_wait3A_109, %dma_wait3A_110, %dma_wait3A_111] : memref<4x128x64xf32, #tpu.memory_space<vmem>> -> memref<1x128x64xf32, #tpu.memory_space<vmem>>
      %dma_wait3A_113 = tpu.memref_squeeze %dma_wait3A_112 : memref<1x128x64xf32, #tpu.memory_space<vmem>> -> memref<128x64xf32, #tpu.memory_space<vmem>>
      %dma_wait3A_114 = arith.constant 0 : i32
      %dma_wait3A_115 = arith.constant 0 : i32
      %dma_wait3A_116 = tpu.memref_slice %arg2[%arg0, %dma_wait3A_114, %dma_wait3A_115] : memref<2x10000x64xf32, #tpu.memory_space<hbm>> -> memref<1x10000x64xf32, #tpu.memory_space<hbm>>
      %dma_wait3A_117 = tpu.memref_squeeze %dma_wait3A_116 : memref<1x10000x64xf32, #tpu.memory_space<hbm>> -> memref<10000x64xf32, #tpu.memory_space<hbm>>
      %dma_wait3A_118 = arith.constant 0 : i32
      %dma_wait3A_119 = arith.constant 0 : i32
      %dma_wait3A_120 = tpu.memref_slice %dma_wait3A_117[%dma_wait3A_118, %dma_wait3A_119] : memref<10000x64xf32, #tpu.memory_space<hbm>> -> memref<128x64xf32, #tpu.memory_space<hbm>>
      %dma_wait3A_121 = arith.constant 0 : i32
      %dma_wait3A_122 = arith.constant 0 : i32
      %dma_wait3A_123 = tpu.memref_slice %arg9[%dma_wait3A_109, %dma_wait3A_121, %dma_wait3A_122] : memref<4x128x64xf32, #tpu.memory_space<vmem>> -> memref<1x128x64xf32, #tpu.memory_space<vmem>>
      %dma_wait3A_124 = tpu.memref_squeeze %dma_wait3A_123 : memref<1x128x64xf32, #tpu.memory_space<vmem>> -> memref<128x64xf32, #tpu.memory_space<vmem>>
      %dma_wait3A_125 = arith.constant 0 : i32
      %dma_wait3A_126 = arith.constant 0 : i32
      %dma_wait3A_127 = tpu.memref_slice %arg2[%arg0, %dma_wait3A_125, %dma_wait3A_126] : memref<2x10000x64xf32, #tpu.memory_space<hbm>> -> memref<1x10000x64xf32, #tpu.memory_space<hbm>>
      %dma_wait3A_128 = tpu.memref_squeeze %dma_wait3A_127 : memref<1x10000x64xf32, #tpu.memory_space<hbm>> -> memref<10000x64xf32, #tpu.memory_space<hbm>>
      %dma_wait3A_129 = arith.constant 0 : i32
      %dma_wait3A_130 = arith.constant 0 : i32
      %dma_wait3A_131 = tpu.memref_slice %dma_wait3A_128[%dma_wait3A_129, %dma_wait3A_130] : memref<10000x64xf32, #tpu.memory_space<hbm>> -> memref<128x64xf32, #tpu.memory_space<hbm>>
      tpu.wait_dma2 semaphore(%arg12 : memref<!tpu.dma_semaphore, #tpu.memory_space<semaphore_mem>>) src(%dma_wait3A_131 : memref<128x64xf32, #tpu.memory_space<hbm>>) dst(%dma_wait3A_124 : memref<128x64xf32, #tpu.memory_space<vmem>>)
      %run_scoped3A_132 = arith.constant 1 : i32
      "tpu.region"() ({
        %run_scoped3A_206 = tpu.sem_alloc : memref<!tpu.dma_semaphore, #tpu.memory_space<semaphore_mem>>
        %dma_start3A_207 = arith.constant 0 : i32
        %dma_start3A_208 = arith.constant 0 : i32
        %dma_start3A_209 = tpu.memref_slice %arg9[%run_scoped3A_132, %dma_start3A_207, %dma_start3A_208] : memref<4x128x64xf32, #tpu.memory_space<vmem>> -> memref<1x128x64xf32, #tpu.memory_space<vmem>>
        %dma_start3A_210 = tpu.memref_squeeze %dma_start3A_209 : memref<1x128x64xf32, #tpu.memory_space<vmem>> -> memref<128x64xf32, #tpu.memory_space<vmem>>
        %dma_start3A_211 = arith.constant 0 : i32
        %dma_start3A_212 = tpu.memref_slice %arg8[%add3A_108, %dma_start3A_211] : memref<160x128xi32, #tpu.memory_space<vmem>> -> memref<1x128xi32, #tpu.memory_space<vmem>>
        %dma_start3A_213 = tpu.memref_squeeze %dma_start3A_212 : memref<1x128xi32, #tpu.memory_space<vmem>> -> memref<128xi32, #tpu.memory_space<vmem>>
        %dma_start3A_214 = arith.constant 0 : i32
        %dma_start3A_215 = arith.constant 0 : i32
        %dma_start3A_216 = tpu.memref_slice %arg10[%dma_start3A_214, %dma_start3A_215] : memref<10240x64xf32, #tpu.memory_space<vmem_shared>> -> memref<10240x64xf32, #tpu.memory_space<vmem_shared>>
        tpu.enqueue_indirect_dma source(%dma_start3A_210 : memref<128x64xf32, #tpu.memory_space<vmem>>) target(%dma_start3A_216 : memref<10240x64xf32, #tpu.memory_space<vmem_shared>>) offsets(%dma_start3A_213 : memref<128xi32, #tpu.memory_space<vmem>>) semaphore(%run_scoped3A_206 : memref<!tpu.dma_semaphore, #tpu.memory_space<semaphore_mem>>) {add = true}
        %dma_wait3A_217 = arith.constant 0 : i32
        %dma_wait3A_218 = arith.constant 0 : i32
        %dma_wait3A_219 = tpu.memref_slice %arg9[%run_scoped3A_132, %dma_wait3A_217, %dma_wait3A_218] : memref<4x128x64xf32, #tpu.memory_space<vmem>> -> memref<1x128x64xf32, #tpu.memory_space<vmem>>
        %dma_wait3A_220 = tpu.memref_squeeze %dma_wait3A_219 : memref<1x128x64xf32, #tpu.memory_space<vmem>> -> memref<128x64xf32, #tpu.memory_space<vmem>>
        %dma_wait3A_221 = arith.constant 0 : i32
        %dma_wait3A_222 = tpu.memref_slice %arg8[%add3A_108, %dma_wait3A_221] : memref<160x128xi32, #tpu.memory_space<vmem>> -> memref<1x128xi32, #tpu.memory_space<vmem>>
        %dma_wait3A_223 = tpu.memref_squeeze %dma_wait3A_222 : memref<1x128xi32, #tpu.memory_space<vmem>> -> memref<128xi32, #tpu.memory_space<vmem>>
        %dma_wait3A_224 = arith.constant 0 : i32
        %dma_wait3A_225 = arith.constant 0 : i32
        %dma_wait3A_226 = tpu.memref_slice %arg10[%dma_wait3A_224, %dma_wait3A_225] : memref<10240x64xf32, #tpu.memory_space<vmem_shared>> -> memref<10240x64xf32, #tpu.memory_space<vmem_shared>>
        tpu.wait_indirect_dma semaphore(%run_scoped3A_206 : memref<!tpu.dma_semaphore, #tpu.memory_space<semaphore_mem>>) src(%dma_wait3A_220 : memref<128x64xf32, #tpu.memory_space<vmem>>) dst(%dma_wait3A_226 : memref<10240x64xf32, #tpu.memory_space<vmem_shared>>)
        tpu.yield
      }) : () -> ()
      %add3A_133 = arith.constant 4 : i32
      %add3A_134 = arith.addi %add3A_108, %add3A_133 : i32
      %lt3A_135 = arith.constant 160 : i32
      %lt3A_136 = arith.cmpi slt, %add3A_134, %lt3A_135 : i32
      %convert_element_type3A_137 = arith.extui %lt3A_136 : i1 to i32
      %cond3A_138 = arith.constant 0 : i32
      %cond3A_139 = arith.cmpi ne, %convert_element_type3A_137, %cond3A_138 : i32
      scf.if %cond3A_139 {
        %dma_start3A_206 = arith.constant 1 : i32
        %dma_start3A_207 = arith.constant 0 : i32
        %dma_start3A_208 = arith.constant 0 : i32
        %dma_start3A_209 = tpu.memref_slice %arg9[%dma_start3A_206, %dma_start3A_207, %dma_start3A_208] : memref<4x128x64xf32, #tpu.memory_space<vmem>> -> memref<1x128x64xf32, #tpu.memory_space<vmem>>
        %dma_start3A_210 = tpu.memref_squeeze %dma_start3A_209 : memref<1x128x64xf32, #tpu.memory_space<vmem>> -> memref<128x64xf32, #tpu.memory_space<vmem>>
        %dma_start3A_211 = arith.constant 0 : i32
        %dma_start3A_212 = tpu.memref_slice %arg7[%add3A_134, %dma_start3A_211] : memref<160x128xi32, #tpu.memory_space<vmem>> -> memref<1x128xi32, #tpu.memory_space<vmem>>
        %dma_start3A_213 = tpu.memref_squeeze %dma_start3A_212 : memref<1x128xi32, #tpu.memory_space<vmem>> -> memref<128xi32, #tpu.memory_space<vmem>>
        %dma_start3A_214 = arith.constant 0 : i32
        %dma_start3A_215 = arith.constant 0 : i32
        %dma_start3A_216 = tpu.memref_slice %arg2[%arg0, %dma_start3A_214, %dma_start3A_215] : memref<2x10000x64xf32, #tpu.memory_space<hbm>> -> memref<1x10000x64xf32, #tpu.memory_space<hbm>>
        %dma_start3A_217 = tpu.memref_squeeze %dma_start3A_216 : memref<1x10000x64xf32, #tpu.memory_space<hbm>> -> memref<10000x64xf32, #tpu.memory_space<hbm>>
        %dma_start3A_218 = arith.constant 0 : i32
        %dma_start3A_219 = arith.constant 0 : i32
        %dma_start3A_220 = tpu.memref_slice %dma_start3A_217[%dma_start3A_218, %dma_start3A_219] : memref<10000x64xf32, #tpu.memory_space<hbm>> -> memref<10000x64xf32, #tpu.memory_space<hbm>>
        tpu.enqueue_indirect_dma source(%dma_start3A_220 : memref<10000x64xf32, #tpu.memory_space<hbm>>) target(%dma_start3A_210 : memref<128x64xf32, #tpu.memory_space<vmem>>) offsets(%dma_start3A_213 : memref<128xi32, #tpu.memory_space<vmem>>) semaphore(%arg12 : memref<!tpu.dma_semaphore, #tpu.memory_space<semaphore_mem>>)
      } else {
      }
      %add3A_140 = arith.constant 2 : i32
      %add3A_141 = arith.addi %mul3A_76, %add3A_140 : i32
      %dma_wait3A_142 = arith.constant 2 : i32
      %dma_wait3A_143 = arith.constant 0 : i32
      %dma_wait3A_144 = arith.constant 0 : i32
      %dma_wait3A_145 = tpu.memref_slice %arg9[%dma_wait3A_142, %dma_wait3A_143, %dma_wait3A_144] : memref<4x128x64xf32, #tpu.memory_space<vmem>> -> memref<1x128x64xf32, #tpu.memory_space<vmem>>
      %dma_wait3A_146 = tpu.memref_squeeze %dma_wait3A_145 : memref<1x128x64xf32, #tpu.memory_space<vmem>> -> memref<128x64xf32, #tpu.memory_space<vmem>>
      %dma_wait3A_147 = arith.constant 0 : i32
      %dma_wait3A_148 = arith.constant 0 : i32
      %dma_wait3A_149 = tpu.memref_slice %arg2[%arg0, %dma_wait3A_147, %dma_wait3A_148] : memref<2x10000x64xf32, #tpu.memory_space<hbm>> -> memref<1x10000x64xf32, #tpu.memory_space<hbm>>
      %dma_wait3A_150 = tpu.memref_squeeze %dma_wait3A_149 : memref<1x10000x64xf32, #tpu.memory_space<hbm>> -> memref<10000x64xf32, #tpu.memory_space<hbm>>
      %dma_wait3A_151 = arith.constant 0 : i32
      %dma_wait3A_152 = arith.constant 0 : i32
      %dma_wait3A_153 = tpu.memref_slice %dma_wait3A_150[%dma_wait3A_151, %dma_wait3A_152] : memref<10000x64xf32, #tpu.memory_space<hbm>> -> memref<128x64xf32, #tpu.memory_space<hbm>>
      %dma_wait3A_154 = arith.constant 0 : i32
      %dma_wait3A_155 = arith.constant 0 : i32
      %dma_wait3A_156 = tpu.memref_slice %arg9[%dma_wait3A_142, %dma_wait3A_154, %dma_wait3A_155] : memref<4x128x64xf32, #tpu.memory_space<vmem>> -> memref<1x128x64xf32, #tpu.memory_space<vmem>>
      %dma_wait3A_157 = tpu.memref_squeeze %dma_wait3A_156 : memref<1x128x64xf32, #tpu.memory_space<vmem>> -> memref<128x64xf32, #tpu.memory_space<vmem>>
      %dma_wait3A_158 = arith.constant 0 : i32
      %dma_wait3A_159 = arith.constant 0 : i32
      %dma_wait3A_160 = tpu.memref_slice %arg2[%arg0, %dma_wait3A_158, %dma_wait3A_159] : memref<2x10000x64xf32, #tpu.memory_space<hbm>> -> memref<1x10000x64xf32, #tpu.memory_space<hbm>>
      %dma_wait3A_161 = tpu.memref_squeeze %dma_wait3A_160 : memref<1x10000x64xf32, #tpu.memory_space<hbm>> -> memref<10000x64xf32, #tpu.memory_space<hbm>>
      %dma_wait3A_162 = arith.constant 0 : i32
      %dma_wait3A_163 = arith.constant 0 : i32
      %dma_wait3A_164 = tpu.memref_slice %dma_wait3A_161[%dma_wait3A_162, %dma_wait3A_163] : memref<10000x64xf32, #tpu.memory_space<hbm>> -> memref<128x64xf32, #tpu.memory_space<hbm>>
      tpu.wait_dma2 semaphore(%arg13 : memref<!tpu.dma_semaphore, #tpu.memory_space<semaphore_mem>>) src(%dma_wait3A_164 : memref<128x64xf32, #tpu.memory_space<hbm>>) dst(%dma_wait3A_157 : memref<128x64xf32, #tpu.memory_space<vmem>>)
      %run_scoped3A_165 = arith.constant 2 : i32
      "tpu.region"() ({
        %run_scoped3A_206 = tpu.sem_alloc : memref<!tpu.dma_semaphore, #tpu.memory_space<semaphore_mem>>
        %dma_start3A_207 = arith.constant 0 : i32
        %dma_start3A_208 = arith.constant 0 : i32
        %dma_start3A_209 = tpu.memref_slice %arg9[%run_scoped3A_165, %dma_start3A_207, %dma_start3A_208] : memref<4x128x64xf32, #tpu.memory_space<vmem>> -> memref<1x128x64xf32, #tpu.memory_space<vmem>>
        %dma_start3A_210 = tpu.memref_squeeze %dma_start3A_209 : memref<1x128x64xf32, #tpu.memory_space<vmem>> -> memref<128x64xf32, #tpu.memory_space<vmem>>
        %dma_start3A_211 = arith.constant 0 : i32
        %dma_start3A_212 = tpu.memref_slice %arg8[%add3A_141, %dma_start3A_211] : memref<160x128xi32, #tpu.memory_space<vmem>> -> memref<1x128xi32, #tpu.memory_space<vmem>>
        %dma_start3A_213 = tpu.memref_squeeze %dma_start3A_212 : memref<1x128xi32, #tpu.memory_space<vmem>> -> memref<128xi32, #tpu.memory_space<vmem>>
        %dma_start3A_214 = arith.constant 0 : i32
        %dma_start3A_215 = arith.constant 0 : i32
        %dma_start3A_216 = tpu.memref_slice %arg10[%dma_start3A_214, %dma_start3A_215] : memref<10240x64xf32, #tpu.memory_space<vmem_shared>> -> memref<10240x64xf32, #tpu.memory_space<vmem_shared>>
        tpu.enqueue_indirect_dma source(%dma_start3A_210 : memref<128x64xf32, #tpu.memory_space<vmem>>) target(%dma_start3A_216 : memref<10240x64xf32, #tpu.memory_space<vmem_shared>>) offsets(%dma_start3A_213 : memref<128xi32, #tpu.memory_space<vmem>>) semaphore(%run_scoped3A_206 : memref<!tpu.dma_semaphore, #tpu.memory_space<semaphore_mem>>) {add = true}
        %dma_wait3A_217 = arith.constant 0 : i32
        %dma_wait3A_218 = arith.constant 0 : i32
        %dma_wait3A_219 = tpu.memref_slice %arg9[%run_scoped3A_165, %dma_wait3A_217, %dma_wait3A_218] : memref<4x128x64xf32, #tpu.memory_space<vmem>> -> memref<1x128x64xf32, #tpu.memory_space<vmem>>
        %dma_wait3A_220 = tpu.memref_squeeze %dma_wait3A_219 : memref<1x128x64xf32, #tpu.memory_space<vmem>> -> memref<128x64xf32, #tpu.memory_space<vmem>>
        %dma_wait3A_221 = arith.constant 0 : i32
        %dma_wait3A_222 = tpu.memref_slice %arg8[%add3A_141, %dma_wait3A_221] : memref<160x128xi32, #tpu.memory_space<vmem>> -> memref<1x128xi32, #tpu.memory_space<vmem>>
        %dma_wait3A_223 = tpu.memref_squeeze %dma_wait3A_222 : memref<1x128xi32, #tpu.memory_space<vmem>> -> memref<128xi32, #tpu.memory_space<vmem>>
        %dma_wait3A_224 = arith.constant 0 : i32
        %dma_wait3A_225 = arith.constant 0 : i32
        %dma_wait3A_226 = tpu.memref_slice %arg10[%dma_wait3A_224, %dma_wait3A_225] : memref<10240x64xf32, #tpu.memory_space<vmem_shared>> -> memref<10240x64xf32, #tpu.memory_space<vmem_shared>>
        tpu.wait_indirect_dma semaphore(%run_scoped3A_206 : memref<!tpu.dma_semaphore, #tpu.memory_space<semaphore_mem>>) src(%dma_wait3A_220 : memref<128x64xf32, #tpu.memory_space<vmem>>) dst(%dma_wait3A_226 : memref<10240x64xf32, #tpu.memory_space<vmem_shared>>)
        tpu.yield
      }) : () -> ()
      %add3A_166 = arith.constant 4 : i32
      %add3A_167 = arith.addi %add3A_141, %add3A_166 : i32
      %lt3A_168 = arith.constant 160 : i32
      %lt3A_169 = arith.cmpi slt, %add3A_167, %lt3A_168 : i32
      %convert_element_type3A_170 = arith.extui %lt3A_169 : i1 to i32
      %cond3A_171 = arith.constant 0 : i32
      %cond3A_172 = arith.cmpi ne, %convert_element_type3A_170, %cond3A_171 : i32
      scf.if %cond3A_172 {
        %dma_start3A_206 = arith.constant 2 : i32
        %dma_start3A_207 = arith.constant 0 : i32
        %dma_start3A_208 = arith.constant 0 : i32
        %dma_start3A_209 = tpu.memref_slice %arg9[%dma_start3A_206, %dma_start3A_207, %dma_start3A_208] : memref<4x128x64xf32, #tpu.memory_space<vmem>> -> memref<1x128x64xf32, #tpu.memory_space<vmem>>
        %dma_start3A_210 = tpu.memref_squeeze %dma_start3A_209 : memref<1x128x64xf32, #tpu.memory_space<vmem>> -> memref<128x64xf32, #tpu.memory_space<vmem>>
        %dma_start3A_211 = arith.constant 0 : i32
        %dma_start3A_212 = tpu.memref_slice %arg7[%add3A_167, %dma_start3A_211] : memref<160x128xi32, #tpu.memory_space<vmem>> -> memref<1x128xi32, #tpu.memory_space<vmem>>
        %dma_start3A_213 = tpu.memref_squeeze %dma_start3A_212 : memref<1x128xi32, #tpu.memory_space<vmem>> -> memref<128xi32, #tpu.memory_space<vmem>>
        %dma_start3A_214 = arith.constant 0 : i32
        %dma_start3A_215 = arith.constant 0 : i32
        %dma_start3A_216 = tpu.memref_slice %arg2[%arg0, %dma_start3A_214, %dma_start3A_215] : memref<2x10000x64xf32, #tpu.memory_space<hbm>> -> memref<1x10000x64xf32, #tpu.memory_space<hbm>>
        %dma_start3A_217 = tpu.memref_squeeze %dma_start3A_216 : memref<1x10000x64xf32, #tpu.memory_space<hbm>> -> memref<10000x64xf32, #tpu.memory_space<hbm>>
        %dma_start3A_218 = arith.constant 0 : i32
        %dma_start3A_219 = arith.constant 0 : i32
        %dma_start3A_220 = tpu.memref_slice %dma_start3A_217[%dma_start3A_218, %dma_start3A_219] : memref<10000x64xf32, #tpu.memory_space<hbm>> -> memref<10000x64xf32, #tpu.memory_space<hbm>>
        tpu.enqueue_indirect_dma source(%dma_start3A_220 : memref<10000x64xf32, #tpu.memory_space<hbm>>) target(%dma_start3A_210 : memref<128x64xf32, #tpu.memory_space<vmem>>) offsets(%dma_start3A_213 : memref<128xi32, #tpu.memory_space<vmem>>) semaphore(%arg13 : memref<!tpu.dma_semaphore, #tpu.memory_space<semaphore_mem>>)
      } else {
      }
      %add3A_173 = arith.constant 3 : i32
      %add3A_174 = arith.addi %mul3A_76, %add3A_173 : i32
      %dma_wait3A_175 = arith.constant 3 : i32
      %dma_wait3A_176 = arith.constant 0 : i32
      %dma_wait3A_177 = arith.constant 0 : i32
      %dma_wait3A_178 = tpu.memref_slice %arg9[%dma_wait3A_175, %dma_wait3A_176, %dma_wait3A_177] : memref<4x128x64xf32, #tpu.memory_space<vmem>> -> memref<1x128x64xf32, #tpu.memory_space<vmem>>
      %dma_wait3A_179 = tpu.memref_squeeze %dma_wait3A_178 : memref<1x128x64xf32, #tpu.memory_space<vmem>> -> memref<128x64xf32, #tpu.memory_space<vmem>>
      %dma_wait3A_180 = arith.constant 0 : i32
      %dma_wait3A_181 = arith.constant 0 : i32
      %dma_wait3A_182 = tpu.memref_slice %arg2[%arg0, %dma_wait3A_180, %dma_wait3A_181] : memref<2x10000x64xf32, #tpu.memory_space<hbm>> -> memref<1x10000x64xf32, #tpu.memory_space<hbm>>
      %dma_wait3A_183 = tpu.memref_squeeze %dma_wait3A_182 : memref<1x10000x64xf32, #tpu.memory_space<hbm>> -> memref<10000x64xf32, #tpu.memory_space<hbm>>
      %dma_wait3A_184 = arith.constant 0 : i32
      %dma_wait3A_185 = arith.constant 0 : i32
      %dma_wait3A_186 = tpu.memref_slice %dma_wait3A_183[%dma_wait3A_184, %dma_wait3A_185] : memref<10000x64xf32, #tpu.memory_space<hbm>> -> memref<128x64xf32, #tpu.memory_space<hbm>>
      %dma_wait3A_187 = arith.constant 0 : i32
      %dma_wait3A_188 = arith.constant 0 : i32
      %dma_wait3A_189 = tpu.memref_slice %arg9[%dma_wait3A_175, %dma_wait3A_187, %dma_wait3A_188] : memref<4x128x64xf32, #tpu.memory_space<vmem>> -> memref<1x128x64xf32, #tpu.memory_space<vmem>>
      %dma_wait3A_190 = tpu.memref_squeeze %dma_wait3A_189 : memref<1x128x64xf32, #tpu.memory_space<vmem>> -> memref<128x64xf32, #tpu.memory_space<vmem>>
      %dma_wait3A_191 = arith.constant 0 : i32
      %dma_wait3A_192 = arith.constant 0 : i32
      %dma_wait3A_193 = tpu.memref_slice %arg2[%arg0, %dma_wait3A_191, %dma_wait3A_192] : memref<2x10000x64xf32, #tpu.memory_space<hbm>> -> memref<1x10000x64xf32, #tpu.memory_space<hbm>>
      %dma_wait3A_194 = tpu.memref_squeeze %dma_wait3A_193 : memref<1x10000x64xf32, #tpu.memory_space<hbm>> -> memref<10000x64xf32, #tpu.memory_space<hbm>>
      %dma_wait3A_195 = arith.constant 0 : i32
      %dma_wait3A_196 = arith.constant 0 : i32
      %dma_wait3A_197 = tpu.memref_slice %dma_wait3A_194[%dma_wait3A_195, %dma_wait3A_196] : memref<10000x64xf32, #tpu.memory_space<hbm>> -> memref<128x64xf32, #tpu.memory_space<hbm>>
      tpu.wait_dma2 semaphore(%arg14 : memref<!tpu.dma_semaphore, #tpu.memory_space<semaphore_mem>>) src(%dma_wait3A_197 : memref<128x64xf32, #tpu.memory_space<hbm>>) dst(%dma_wait3A_190 : memref<128x64xf32, #tpu.memory_space<vmem>>)
      %run_scoped3A_198 = arith.constant 3 : i32
      "tpu.region"() ({
        %run_scoped3A_206 = tpu.sem_alloc : memref<!tpu.dma_semaphore, #tpu.memory_space<semaphore_mem>>
        %dma_start3A_207 = arith.constant 0 : i32
        %dma_start3A_208 = arith.constant 0 : i32
        %dma_start3A_209 = tpu.memref_slice %arg9[%run_scoped3A_198, %dma_start3A_207, %dma_start3A_208] : memref<4x128x64xf32, #tpu.memory_space<vmem>> -> memref<1x128x64xf32, #tpu.memory_space<vmem>>
        %dma_start3A_210 = tpu.memref_squeeze %dma_start3A_209 : memref<1x128x64xf32, #tpu.memory_space<vmem>> -> memref<128x64xf32, #tpu.memory_space<vmem>>
        %dma_start3A_211 = arith.constant 0 : i32
        %dma_start3A_212 = tpu.memref_slice %arg8[%add3A_174, %dma_start3A_211] : memref<160x128xi32, #tpu.memory_space<vmem>> -> memref<1x128xi32, #tpu.memory_space<vmem>>
        %dma_start3A_213 = tpu.memref_squeeze %dma_start3A_212 : memref<1x128xi32, #tpu.memory_space<vmem>> -> memref<128xi32, #tpu.memory_space<vmem>>
        %dma_start3A_214 = arith.constant 0 : i32
        %dma_start3A_215 = arith.constant 0 : i32
        %dma_start3A_216 = tpu.memref_slice %arg10[%dma_start3A_214, %dma_start3A_215] : memref<10240x64xf32, #tpu.memory_space<vmem_shared>> -> memref<10240x64xf32, #tpu.memory_space<vmem_shared>>
        tpu.enqueue_indirect_dma source(%dma_start3A_210 : memref<128x64xf32, #tpu.memory_space<vmem>>) target(%dma_start3A_216 : memref<10240x64xf32, #tpu.memory_space<vmem_shared>>) offsets(%dma_start3A_213 : memref<128xi32, #tpu.memory_space<vmem>>) semaphore(%run_scoped3A_206 : memref<!tpu.dma_semaphore, #tpu.memory_space<semaphore_mem>>) {add = true}
        %dma_wait3A_217 = arith.constant 0 : i32
        %dma_wait3A_218 = arith.constant 0 : i32
        %dma_wait3A_219 = tpu.memref_slice %arg9[%run_scoped3A_198, %dma_wait3A_217, %dma_wait3A_218] : memref<4x128x64xf32, #tpu.memory_space<vmem>> -> memref<1x128x64xf32, #tpu.memory_space<vmem>>
        %dma_wait3A_220 = tpu.memref_squeeze %dma_wait3A_219 : memref<1x128x64xf32, #tpu.memory_space<vmem>> -> memref<128x64xf32, #tpu.memory_space<vmem>>
        %dma_wait3A_221 = arith.constant 0 : i32
        %dma_wait3A_222 = tpu.memref_slice %arg8[%add3A_174, %dma_wait3A_221] : memref<160x128xi32, #tpu.memory_space<vmem>> -> memref<1x128xi32, #tpu.memory_space<vmem>>
        %dma_wait3A_223 = tpu.memref_squeeze %dma_wait3A_222 : memref<1x128xi32, #tpu.memory_space<vmem>> -> memref<128xi32, #tpu.memory_space<vmem>>
        %dma_wait3A_224 = arith.constant 0 : i32
        %dma_wait3A_225 = arith.constant 0 : i32
        %dma_wait3A_226 = tpu.memref_slice %arg10[%dma_wait3A_224, %dma_wait3A_225] : memref<10240x64xf32, #tpu.memory_space<vmem_shared>> -> memref<10240x64xf32, #tpu.memory_space<vmem_shared>>
        tpu.wait_indirect_dma semaphore(%run_scoped3A_206 : memref<!tpu.dma_semaphore, #tpu.memory_space<semaphore_mem>>) src(%dma_wait3A_220 : memref<128x64xf32, #tpu.memory_space<vmem>>) dst(%dma_wait3A_226 : memref<10240x64xf32, #tpu.memory_space<vmem_shared>>)
        tpu.yield
      }) : () -> ()
      %add3A_199 = arith.constant 4 : i32
      %add3A_200 = arith.addi %add3A_174, %add3A_199 : i32
      %lt3A_201 = arith.constant 160 : i32
      %lt3A_202 = arith.cmpi slt, %add3A_200, %lt3A_201 : i32
      %convert_element_type3A_203 = arith.extui %lt3A_202 : i1 to i32
      %cond3A_204 = arith.constant 0 : i32
      %cond3A_205 = arith.cmpi ne, %convert_element_type3A_203, %cond3A_204 : i32
      scf.if %cond3A_205 {
        %dma_start3A_206 = arith.constant 3 : i32
        %dma_start3A_207 = arith.constant 0 : i32
        %dma_start3A_208 = arith.constant 0 : i32
        %dma_start3A_209 = tpu.memref_slice %arg9[%dma_start3A_206, %dma_start3A_207, %dma_start3A_208] : memref<4x128x64xf32, #tpu.memory_space<vmem>> -> memref<1x128x64xf32, #tpu.memory_space<vmem>>
        %dma_start3A_210 = tpu.memref_squeeze %dma_start3A_209 : memref<1x128x64xf32, #tpu.memory_space<vmem>> -> memref<128x64xf32, #tpu.memory_space<vmem>>
        %dma_start3A_211 = arith.constant 0 : i32
        %dma_start3A_212 = tpu.memref_slice %arg7[%add3A_200, %dma_start3A_211] : memref<160x128xi32, #tpu.memory_space<vmem>> -> memref<1x128xi32, #tpu.memory_space<vmem>>
        %dma_start3A_213 = tpu.memref_squeeze %dma_start3A_212 : memref<1x128xi32, #tpu.memory_space<vmem>> -> memref<128xi32, #tpu.memory_space<vmem>>
        %dma_start3A_214 = arith.constant 0 : i32
        %dma_start3A_215 = arith.constant 0 : i32
        %dma_start3A_216 = tpu.memref_slice %arg2[%arg0, %dma_start3A_214, %dma_start3A_215] : memref<2x10000x64xf32, #tpu.memory_space<hbm>> -> memref<1x10000x64xf32, #tpu.memory_space<hbm>>
        %dma_start3A_217 = tpu.memref_squeeze %dma_start3A_216 : memref<1x10000x64xf32, #tpu.memory_space<hbm>> -> memref<10000x64xf32, #tpu.memory_space<hbm>>
        %dma_start3A_218 = arith.constant 0 : i32
        %dma_start3A_219 = arith.constant 0 : i32
        %dma_start3A_220 = tpu.memref_slice %dma_start3A_217[%dma_start3A_218, %dma_start3A_219] : memref<10000x64xf32, #tpu.memory_space<hbm>> -> memref<10000x64xf32, #tpu.memory_space<hbm>>
        tpu.enqueue_indirect_dma source(%dma_start3A_220 : memref<10000x64xf32, #tpu.memory_space<hbm>>) target(%dma_start3A_210 : memref<128x64xf32, #tpu.memory_space<vmem>>) offsets(%dma_start3A_213 : memref<128xi32, #tpu.memory_space<vmem>>) semaphore(%arg14 : memref<!tpu.dma_semaphore, #tpu.memory_space<semaphore_mem>>)
      } else {
      }
    }
    %scan3A_70 = arith.constant 40 : i32
    %barrier3A_71 = arith.constant 0 : index
    tpu.barrier barrier_id(%barrier3A_71)
    %lt3A = arith.constant 10 : i32
    %lt3A_72 = arith.cmpi slt, %arg1, %lt3A : i32
    %convert_element_type3A = arith.extui %lt3A_72 : i1 to i32
    %cond3A = arith.constant 0 : i32
    %cond3A_73 = arith.cmpi ne, %convert_element_type3A, %cond3A : i32
    scf.if %cond3A_73 {
      %mul3A_74 = arith.constant 1000 : i32
      %mul3A_75 = arith.muli %arg1, %mul3A_74 : i32
      %mul3A_76 = arith.constant 1000 : i32
      %mul3A_77 = arith.muli %arg1, %mul3A_76 : i32
      "tpu.region"() ({
        %run_scoped3A = tpu.sem_alloc : memref<!tpu.dma_semaphore, #tpu.memory_space<semaphore_mem>>
        %dma_start3A_78 = arith.constant 0 : i32
        %dma_start3A_79 = arith.constant 0 : i32
        %dma_start3A_80 = tpu.memref_slice %arg6[%arg0, %dma_start3A_78, %dma_start3A_79] : memref<2x10000x64xf32, #tpu.memory_space<hbm>> -> memref<1x10000x64xf32, #tpu.memory_space<hbm>>
        %dma_start3A_81 = tpu.memref_squeeze %dma_start3A_80 : memref<1x10000x64xf32, #tpu.memory_space<hbm>> -> memref<10000x64xf32, #tpu.memory_space<hbm>>
        %dma_start3A_82 = arith.constant 0 : i32
        %dma_start3A_83 = tpu.memref_slice %dma_start3A_81[%mul3A_77, %dma_start3A_82] : memref<10000x64xf32, #tpu.memory_space<hbm>> -> memref<1000x64xf32, #tpu.memory_space<hbm>>
        %dma_start3A_84 = arith.constant 0 : i32
        %dma_start3A_85 = tpu.memref_slice %arg10[%mul3A_75, %dma_start3A_84] : memref<10240x64xf32, #tpu.memory_space<vmem_shared>> -> memref<1000x64xf32, #tpu.memory_space<vmem_shared>>
        tpu.enqueue_dma source(%dma_start3A_85 : memref<1000x64xf32, #tpu.memory_space<vmem_shared>>) target(%dma_start3A_83 : memref<1000x64xf32, #tpu.memory_space<hbm>>) target_semaphore(%run_scoped3A : memref<!tpu.dma_semaphore, #tpu.memory_space<semaphore_mem>>)
        %dma_wait3A = arith.constant 0 : i32
        %dma_wait3A_86 = arith.constant 0 : i32
        %dma_wait3A_87 = tpu.memref_slice %arg6[%arg0, %dma_wait3A, %dma_wait3A_86] : memref<2x10000x64xf32, #tpu.memory_space<hbm>> -> memref<1x10000x64xf32, #tpu.memory_space<hbm>>
        %dma_wait3A_88 = tpu.memref_squeeze %dma_wait3A_87 : memref<1x10000x64xf32, #tpu.memory_space<hbm>> -> memref<10000x64xf32, #tpu.memory_space<hbm>>
        %dma_wait3A_89 = arith.constant 0 : i32
        %dma_wait3A_90 = tpu.memref_slice %dma_wait3A_88[%mul3A_77, %dma_wait3A_89] : memref<10000x64xf32, #tpu.memory_space<hbm>> -> memref<1000x64xf32, #tpu.memory_space<hbm>>
        %dma_wait3A_91 = arith.constant 0 : i32
        %dma_wait3A_92 = tpu.memref_slice %arg10[%mul3A_75, %dma_wait3A_91] : memref<10240x64xf32, #tpu.memory_space<vmem_shared>> -> memref<1000x64xf32, #tpu.memory_space<vmem_shared>>
        tpu.wait_dma2 semaphore(%run_scoped3A : memref<!tpu.dma_semaphore, #tpu.memory_space<semaphore_mem>>) src(%dma_wait3A_92 : memref<1000x64xf32, #tpu.memory_space<vmem_shared>>) dst(%dma_wait3A_90 : memref<1000x64xf32, #tpu.memory_space<hbm>>)
        tpu.yield
      }) : () -> ()
    } else {
    }
    return
  }
}

module attributes {stable_mosaic.version = 14 : i64} {
  func.func @_tc_u1_body(%arg0: i32, %arg1: memref<2000x128xf32, #tpu.memory_space<vmem>>, %arg2: memref<128x64xf32, #tpu.memory_space<vmem>>, %arg3: memref<128x64xf32, #tpu.memory_space<vmem>>, %arg4: memref<2x2000x16xf32, #tpu.memory_space<vmem>>, %arg5: memref<2x2000x64xf32, #tpu.memory_space<vmem>>) attributes {dimension_semantics = [#tpu.dimension_semantics<arbitrary>], iteration_bounds = array<i64: 5>, scalar_prefetch = 0 : i64, scratch_operands = 0 : i64, tpu.core_type = #tpu.core_type<tc>, window_params = [{transform_indices = @transform_0, window_bounds = array<i64: 2000, 128>}, {pipeline_mode = #tpu.pipeline_mode<synchronous>, transform_indices = @transform_1, window_bounds = array<i64: 128, 64>}, {pipeline_mode = #tpu.pipeline_mode<synchronous>, transform_indices = @transform_2, window_bounds = array<i64: 128, 64>}, {transform_indices = @transform_3, window_bounds = array<i64: 2, 2000, 16>}, {transform_indices = @transform_4, window_bounds = array<i64: 2, 2000, 64>}]} {
    %get3A = arith.constant 0 : index
    %get3A_0 = arith.constant 0 : index
    %get3A_1 = arith.constant 0 : index
    %get3A_2 = vector.load %arg4[%get3A, %get3A_0, %get3A_1] : memref<2x2000x16xf32, #tpu.memory_space<vmem>>, vector<2x2000x16xf32>
    %slice3A = vector.extract_strided_slice %get3A_2 {offsets = [0, 0, 0], sizes = [1, 2000, 1], strides = [1, 1, 1]} : vector<2x2000x16xf32> to vector<1x2000x1xf32>
    %squeeze3A = vector.shape_cast %slice3A : vector<1x2000x1xf32> to vector<2000x1xf32>
    %slice3A_3 = vector.extract_strided_slice %get3A_2 {offsets = [1, 0, 0], sizes = [1, 2000, 1], strides = [1, 1, 1]} : vector<2x2000x16xf32> to vector<1x2000x1xf32>
    %squeeze3A_4 = vector.shape_cast %slice3A_3 : vector<1x2000x1xf32> to vector<2000x1xf32>
    %add3A = arith.addf %squeeze3A, %squeeze3A_4 : vector<2000x1xf32>
    %add3A_5 = arith.constant 1.000000e+00 : f32
    %add3A_6 = vector.broadcast %add3A_5 : f32 to vector<2000x1xf32>
    %add3A_7 = arith.addf %add3A, %add3A_6 : vector<2000x1xf32>
    %sqrt3A = math.sqrt %add3A_7 : vector<2000x1xf32>
    %div3A = arith.constant 1.000000e+00 : f32
    %div3A_8 = vector.broadcast %div3A : f32 to vector<2000x1xf32>
    %div3A_9 = arith.divf %div3A_8, %sqrt3A : vector<2000x1xf32>
    %get3A_10 = arith.constant 0 : index
    %get3A_11 = arith.constant 0 : index
    %get3A_12 = vector.load %arg1[%get3A_10, %get3A_11] : memref<2000x128xf32, #tpu.memory_space<vmem>>, vector<2000x128xf32>
    %get3A_13 = arith.constant 0 : index
    %get3A_14 = arith.constant 0 : index
    %get3A_15 = vector.load %arg2[%get3A_13, %get3A_14] : memref<128x64xf32, #tpu.memory_space<vmem>>, vector<128x64xf32>
    %dot_general3A = arith.constant dense<0.000000e+00> : vector<2000x64xf32>
    %dot_general3A_16 = tpu.matmul %get3A_12, %get3A_15, %dot_general3A {dimension_numbers = #tpu.dot_dimension_numbers<[1], [0], [0], [1], [0, 0, 1, 1], [], []>, transpose_lhs_hint = false} : vector<2000x128xf32>, vector<128x64xf32>, vector<2000x64xf32> -> vector<2000x64xf32>
    %mul3A = vector.broadcast %div3A_9 : vector<2000x1xf32> to vector<2000x64xf32>
    %mul3A_17 = arith.mulf %dot_general3A_16, %mul3A : vector<2000x64xf32>
    %swap3A = arith.constant 0 : index
    %swap3A_18 = arith.constant 0 : index
    %swap3A_19 = arith.constant 0 : index
    %swap3A_20 = vector.load %arg5[%swap3A, %swap3A_18, %swap3A_19] : memref<2x2000x64xf32, #tpu.memory_space<vmem>>, vector<1x2000x64xf32>
    %swap3A_21 = vector.shape_cast %swap3A_20 : vector<1x2000x64xf32> to vector<2000x64xf32>
    %swap3A_22 = vector.shape_cast %mul3A_17 : vector<2000x64xf32> to vector<1x2000x64xf32>
    tpu.vector_store %arg5[%swap3A, %swap3A_18, %swap3A_19], %swap3A_22 {strides = array<i32>} : memref<2x2000x64xf32, #tpu.memory_space<vmem>>, vector<1x2000x64xf32>,
    %get3A_23 = arith.constant 0 : index
    %get3A_24 = arith.constant 0 : index
    %get3A_25 = vector.load %arg3[%get3A_23, %get3A_24] : memref<128x64xf32, #tpu.memory_space<vmem>>, vector<128x64xf32>
    %dot_general3A_26 = arith.constant dense<0.000000e+00> : vector<2000x64xf32>
    %dot_general3A_27 = tpu.matmul %get3A_12, %get3A_25, %dot_general3A_26 {dimension_numbers = #tpu.dot_dimension_numbers<[1], [0], [0], [1], [0, 0, 1, 1], [], []>, transpose_lhs_hint = false} : vector<2000x128xf32>, vector<128x64xf32>, vector<2000x64xf32> -> vector<2000x64xf32>
    %mul3A_28 = vector.broadcast %div3A_9 : vector<2000x1xf32> to vector<2000x64xf32>
    %mul3A_29 = arith.mulf %dot_general3A_27, %mul3A_28 : vector<2000x64xf32>
    %swap3A_30 = arith.constant 1 : index
    %swap3A_31 = arith.constant 0 : index
    %swap3A_32 = arith.constant 0 : index
    %swap3A_33 = vector.load %arg5[%swap3A_30, %swap3A_31, %swap3A_32] : memref<2x2000x64xf32, #tpu.memory_space<vmem>>, vector<1x2000x64xf32>
    %swap3A_34 = vector.shape_cast %swap3A_33 : vector<1x2000x64xf32> to vector<2000x64xf32>
    %swap3A_35 = vector.shape_cast %mul3A_29 : vector<2000x64xf32> to vector<1x2000x64xf32>
    tpu.vector_store %arg5[%swap3A_30, %swap3A_31, %swap3A_32], %swap3A_35 {strides = array<i32>} : memref<2x2000x64xf32, #tpu.memory_space<vmem>>, vector<1x2000x64xf32>,
    return
  }
  func.func @transform_0(%arg0: i32) -> (i32, i32) {
    %c0_i32 = arith.constant 0 : i32
    %c0_i32_0 = arith.constant 0 : i32
    return %arg0, %c0_i32 : i32, i32
  }
  func.func @transform_1(%arg0: i32) -> (i32, i32) {
    %c0_i32 = arith.constant 0 : i32
    %c0_i32_0 = arith.constant 0 : i32
    %c0_i32_1 = arith.constant 0 : i32
    return %c0_i32, %c0_i32_0 : i32, i32
  }
  func.func @transform_2(%arg0: i32) -> (i32, i32) {
    %c0_i32 = arith.constant 0 : i32
    %c0_i32_0 = arith.constant 0 : i32
    %c0_i32_1 = arith.constant 0 : i32
    return %c0_i32, %c0_i32_0 : i32, i32
  }
  func.func @transform_3(%arg0: i32) -> (i32, i32, i32) {
    %c0_i32 = arith.constant 0 : i32
    %c0_i32_0 = arith.constant 0 : i32
    %c0_i32_1 = arith.constant 0 : i32
    return %c0_i32, %arg0, %c0_i32_0 : i32, i32, i32
  }
  func.func @transform_4(%arg0: i32) -> (i32, i32, i32) {
    %c0_i32 = arith.constant 0 : i32
    %c0_i32_0 = arith.constant 0 : i32
    %c0_i32_1 = arith.constant 0 : i32
    return %c0_i32, %arg0, %c0_i32_0 : i32, i32, i32
  }
}

module attributes {stable_mosaic.version = 14 : i64} {
  func.func @_tc_u2_body(%arg0: i32, %arg1: memref<2x2000x64xf32, #tpu.memory_space<vmem>>, %arg2: memref<2x2000x64xf32, #tpu.memory_space<vmem>>, %arg3: memref<2x2000x16xf32, #tpu.memory_space<vmem>>, %arg4: memref<128x64xf32, #tpu.memory_space<vmem>>, %arg5: memref<128x64xf32, #tpu.memory_space<vmem>>, %arg6: memref<1x128xf32, #tpu.memory_space<vmem>>, %arg7: memref<2x2000x64xf32, #tpu.memory_space<vmem>>) attributes {dimension_semantics = [#tpu.dimension_semantics<arbitrary>], iteration_bounds = array<i64: 5>, scalar_prefetch = 0 : i64, scratch_operands = 0 : i64, tpu.core_type = #tpu.core_type<tc>, window_params = [{transform_indices = @transform_0, window_bounds = array<i64: 2, 2000, 64>}, {transform_indices = @transform_1, window_bounds = array<i64: 2, 2000, 64>}, {transform_indices = @transform_2, window_bounds = array<i64: 2, 2000, 16>}, {pipeline_mode = #tpu.pipeline_mode<synchronous>, transform_indices = @transform_3, window_bounds = array<i64: 128, 64>}, {pipeline_mode = #tpu.pipeline_mode<synchronous>, transform_indices = @transform_4, window_bounds = array<i64: 128, 64>}, {pipeline_mode = #tpu.pipeline_mode<synchronous>, transform_indices = @transform_5, window_bounds = array<i64: 1, 128>}, {transform_indices = @transform_6, window_bounds = array<i64: 2, 2000, 64>}]} {
    %get3A = arith.constant 0 : index
    %get3A_0 = arith.constant 0 : index
    %get3A_1 = arith.constant 0 : index
    %get3A_2 = vector.load %arg3[%get3A, %get3A_0, %get3A_1] : memref<2x2000x16xf32, #tpu.memory_space<vmem>>, vector<2x2000x16xf32>
    %slice3A = vector.extract_strided_slice %get3A_2 {offsets = [0, 0, 0], sizes = [1, 2000, 1], strides = [1, 1, 1]} : vector<2x2000x16xf32> to vector<1x2000x1xf32>
    %squeeze3A = vector.shape_cast %slice3A : vector<1x2000x1xf32> to vector<2000x1xf32>
    %slice3A_3 = vector.extract_strided_slice %get3A_2 {offsets = [1, 0, 0], sizes = [1, 2000, 1], strides = [1, 1, 1]} : vector<2x2000x16xf32> to vector<1x2000x1xf32>
    %squeeze3A_4 = vector.shape_cast %slice3A_3 : vector<1x2000x1xf32> to vector<2000x1xf32>
    %add3A = arith.addf %squeeze3A, %squeeze3A_4 : vector<2000x1xf32>
    %add3A_5 = arith.constant 1.000000e+00 : f32
    %add3A_6 = vector.broadcast %add3A_5 : f32 to vector<2000x1xf32>
    %add3A_7 = arith.addf %add3A, %add3A_6 : vector<2000x1xf32>
    %sqrt3A = math.sqrt %add3A_7 : vector<2000x1xf32>
    %div3A = arith.constant 1.000000e+00 : f32
    %div3A_8 = vector.broadcast %div3A : f32 to vector<2000x1xf32>
    %div3A_9 = arith.divf %div3A_8, %sqrt3A : vector<2000x1xf32>
    %get3A_10 = arith.constant 0 : index
    %get3A_11 = arith.constant 0 : index
    %get3A_12 = arith.constant 0 : index
    %get3A_13 = vector.load %arg1[%get3A_10, %get3A_11, %get3A_12] : memref<2x2000x64xf32, #tpu.memory_space<vmem>>, vector<2x2000x64xf32>
    %get3A_14 = arith.constant 0 : index
    %get3A_15 = arith.constant 0 : index
    %get3A_16 = arith.constant 0 : index
    %get3A_17 = vector.load %arg2[%get3A_14, %get3A_15, %get3A_16] : memref<2x2000x64xf32, #tpu.memory_space<vmem>>, vector<2x2000x64xf32>
    %slice3A_18 = vector.extract_strided_slice %get3A_13 {offsets = [0, 0, 0], sizes = [1, 2000, 64], strides = [1, 1, 1]} : vector<2x2000x64xf32> to vector<1x2000x64xf32>
    %squeeze3A_19 = vector.shape_cast %slice3A_18 : vector<1x2000x64xf32> to vector<2000x64xf32>
    %slice3A_20 = vector.extract_strided_slice %get3A_17 {offsets = [0, 0, 0], sizes = [1, 2000, 64], strides = [1, 1, 1]} : vector<2x2000x64xf32> to vector<1x2000x64xf32>
    %squeeze3A_21 = vector.shape_cast %slice3A_20 : vector<1x2000x64xf32> to vector<2000x64xf32>
    %add3A_22 = arith.addf %squeeze3A_19, %squeeze3A_21 : vector<2000x64xf32>
    %slice3A_23 = vector.extract_strided_slice %get3A_13 {offsets = [1, 0, 0], sizes = [1, 2000, 64], strides = [1, 1, 1]} : vector<2x2000x64xf32> to vector<1x2000x64xf32>
    %squeeze3A_24 = vector.shape_cast %slice3A_23 : vector<1x2000x64xf32> to vector<2000x64xf32>
    %slice3A_25 = vector.extract_strided_slice %get3A_17 {offsets = [1, 0, 0], sizes = [1, 2000, 64], strides = [1, 1, 1]} : vector<2x2000x64xf32> to vector<1x2000x64xf32>
    %squeeze3A_26 = vector.shape_cast %slice3A_25 : vector<1x2000x64xf32> to vector<2000x64xf32>
    %add3A_27 = arith.addf %squeeze3A_24, %squeeze3A_26 : vector<2000x64xf32>
    %concatenate3A = tpu.concatenate %add3A_22, %add3A_27 in 1 : vector<2000x64xf32>, vector<2000x64xf32> -> vector<2000x128xf32>
    %mul3A = vector.broadcast %div3A_9 : vector<2000x1xf32> to vector<2000x128xf32>
    %mul3A_28 = arith.mulf %concatenate3A, %mul3A : vector<2000x128xf32>
    %get3A_29 = arith.constant 0 : index
    %get3A_30 = arith.constant 0 : index
    %get3A_31 = vector.load %arg6[%get3A_29, %get3A_30] : memref<1x128xf32, #tpu.memory_space<vmem>>, vector<1x128xf32>
    %add3A_32 = vector.broadcast %get3A_31 : vector<1x128xf32> to vector<2000x128xf32>
    %add3A_33 = arith.addf %mul3A_28, %add3A_32 : vector<2000x128xf32>
    %max3A = arith.constant 0.000000e+00 : f32
    %max3A_34 = vector.broadcast %max3A : f32 to vector<2000x128xf32>
    %max3A_35 = arith.maximumf %add3A_33, %max3A_34 : vector<2000x128xf32>
    %get3A_36 = arith.constant 0 : index
    %get3A_37 = arith.constant 0 : index
    %get3A_38 = vector.load %arg4[%get3A_36, %get3A_37] : memref<128x64xf32, #tpu.memory_space<vmem>>, vector<128x64xf32>
    %dot_general3A = arith.constant dense<0.000000e+00> : vector<2000x64xf32>
    %dot_general3A_39 = tpu.matmul %max3A_35, %get3A_38, %dot_general3A {dimension_numbers = #tpu.dot_dimension_numbers<[1], [0], [0], [1], [0, 0, 1, 1], [], []>, transpose_lhs_hint = false} : vector<2000x128xf32>, vector<128x64xf32>, vector<2000x64xf32> -> vector<2000x64xf32>
    %mul3A_40 = vector.broadcast %div3A_9 : vector<2000x1xf32> to vector<2000x64xf32>
    %mul3A_41 = arith.mulf %dot_general3A_39, %mul3A_40 : vector<2000x64xf32>
    %swap3A = arith.constant 0 : index
    %swap3A_42 = arith.constant 0 : index
    %swap3A_43 = arith.constant 0 : index
    %swap3A_44 = vector.load %arg7[%swap3A, %swap3A_42, %swap3A_43] : memref<2x2000x64xf32, #tpu.memory_space<vmem>>, vector<1x2000x64xf32>
    %swap3A_45 = vector.shape_cast %swap3A_44 : vector<1x2000x64xf32> to vector<2000x64xf32>
    %swap3A_46 = vector.shape_cast %mul3A_41 : vector<2000x64xf32> to vector<1x2000x64xf32>
    tpu.vector_store %arg7[%swap3A, %swap3A_42, %swap3A_43], %swap3A_46 {strides = array<i32>} : memref<2x2000x64xf32, #tpu.memory_space<vmem>>, vector<1x2000x64xf32>,
    %get3A_47 = arith.constant 0 : index
    %get3A_48 = arith.constant 0 : index
    %get3A_49 = vector.load %arg5[%get3A_47, %get3A_48] : memref<128x64xf32, #tpu.memory_space<vmem>>, vector<128x64xf32>
    %dot_general3A_50 = arith.constant dense<0.000000e+00> : vector<2000x64xf32>
    %dot_general3A_51 = tpu.matmul %max3A_35, %get3A_49, %dot_general3A_50 {dimension_numbers = #tpu.dot_dimension_numbers<[1], [0], [0], [1], [0, 0, 1, 1], [], []>, transpose_lhs_hint = false} : vector<2000x128xf32>, vector<128x64xf32>, vector<2000x64xf32> -> vector<2000x64xf32>
    %mul3A_52 = vector.broadcast %div3A_9 : vector<2000x1xf32> to vector<2000x64xf32>
    %mul3A_53 = arith.mulf %dot_general3A_51, %mul3A_52 : vector<2000x64xf32>
    %swap3A_54 = arith.constant 1 : index
    %swap3A_55 = arith.constant 0 : index
    %swap3A_56 = arith.constant 0 : index
    %swap3A_57 = vector.load %arg7[%swap3A_54, %swap3A_55, %swap3A_56] : memref<2x2000x64xf32, #tpu.memory_space<vmem>>, vector<1x2000x64xf32>
    %swap3A_58 = vector.shape_cast %swap3A_57 : vector<1x2000x64xf32> to vector<2000x64xf32>
    %swap3A_59 = vector.shape_cast %mul3A_53 : vector<2000x64xf32> to vector<1x2000x64xf32>
    tpu.vector_store %arg7[%swap3A_54, %swap3A_55, %swap3A_56], %swap3A_59 {strides = array<i32>} : memref<2x2000x64xf32, #tpu.memory_space<vmem>>, vector<1x2000x64xf32>,
    return
  }
  func.func @transform_0(%arg0: i32) -> (i32, i32, i32) {
    %c0_i32 = arith.constant 0 : i32
    %c0_i32_0 = arith.constant 0 : i32
    %c0_i32_1 = arith.constant 0 : i32
    return %c0_i32, %arg0, %c0_i32_0 : i32, i32, i32
  }
  func.func @transform_1(%arg0: i32) -> (i32, i32, i32) {
    %c0_i32 = arith.constant 0 : i32
    %c0_i32_0 = arith.constant 0 : i32
    %c0_i32_1 = arith.constant 0 : i32
    return %c0_i32, %arg0, %c0_i32_0 : i32, i32, i32
  }
  func.func @transform_2(%arg0: i32) -> (i32, i32, i32) {
    %c0_i32 = arith.constant 0 : i32
    %c0_i32_0 = arith.constant 0 : i32
    %c0_i32_1 = arith.constant 0 : i32
    return %c0_i32, %arg0, %c0_i32_0 : i32, i32, i32
  }
  func.func @transform_3(%arg0: i32) -> (i32, i32) {
    %c0_i32 = arith.constant 0 : i32
    %c0_i32_0 = arith.constant 0 : i32
    %c0_i32_1 = arith.constant 0 : i32
    return %c0_i32, %c0_i32_0 : i32, i32
  }
  func.func @transform_4(%arg0: i32) -> (i32, i32) {
    %c0_i32 = arith.constant 0 : i32
    %c0_i32_0 = arith.constant 0 : i32
    %c0_i32_1 = arith.constant 0 : i32
    return %c0_i32, %c0_i32_0 : i32, i32
  }
  func.func @transform_5(%arg0: i32) -> (i32, i32) {
    %c0_i32 = arith.constant 0 : i32
    %c0_i32_0 = arith.constant 0 : i32
    %c0_i32_1 = arith.constant 0 : i32
    return %c0_i32, %c0_i32_0 : i32, i32
  }
  func.func @transform_6(%arg0: i32) -> (i32, i32, i32) {
    %c0_i32 = arith.constant 0 : i32
    %c0_i32_0 = arith.constant 0 : i32
    %c0_i32_1 = arith.constant 0 : i32
    return %c0_i32, %arg0, %c0_i32_0 : i32, i32, i32
  }
}

module attributes {stable_mosaic.version = 14 : i64} {
  func.func @_tc_pool_body(%arg0: i32, %arg1: memref<2x2000x64xf32, #tpu.memory_space<vmem>>, %arg2: memref<2x2000x64xf32, #tpu.memory_space<vmem>>, %arg3: memref<2x2000x16xf32, #tpu.memory_space<vmem>>, %arg4: memref<1x128xf32, #tpu.memory_space<vmem>>, %arg5: memref<2000x1xi32, #tpu.memory_space<vmem>>, %arg6: memref<64x128xf32, #tpu.memory_space<vmem>>, %arg7: memref<64x128xf32, #tpu.memory_space<vmem>>, %arg8: memref<64x128xf32, #tpu.memory_space<vmem>>) attributes {dimension_semantics = [#tpu.dimension_semantics<arbitrary>], iteration_bounds = array<i64: 5>, scalar_prefetch = 0 : i64, scratch_operands = 2 : i64, tpu.core_type = #tpu.core_type<tc>, window_params = [{transform_indices = @transform_0, window_bounds = array<i64: 2, 2000, 64>}, {transform_indices = @transform_1, window_bounds = array<i64: 2, 2000, 64>}, {transform_indices = @transform_2, window_bounds = array<i64: 2, 2000, 16>}, {pipeline_mode = #tpu.pipeline_mode<synchronous>, transform_indices = @transform_3, window_bounds = array<i64: 1, 128>}, {transform_indices = @transform_4, window_bounds = array<i64: 2000, 1>}, {pipeline_mode = #tpu.pipeline_mode<synchronous>, transform_indices = @transform_5, window_bounds = array<i64: 64, 128>}]} {
    %eq3A = arith.constant 0 : i32
    %eq3A_0 = arith.cmpi eq, %arg0, %eq3A : i32
    %convert_element_type3A = arith.extui %eq3A_0 : i1 to i32
    %cond3A = arith.constant 0 : i32
    %cond3A_1 = arith.cmpi ne, %convert_element_type3A, %cond3A : i32
    scf.if %cond3A_1 {
      %broadcast_in_dim3A_65 = arith.constant 0.000000e+00 : f32
      %broadcast_in_dim3A_66 = vector.broadcast %broadcast_in_dim3A_65 : f32 to vector<64x128xf32>
      %swap3A_67 = arith.constant 0 : index
      %swap3A_68 = arith.constant 0 : index
      %swap3A_69 = vector.load %arg7[%swap3A_67, %swap3A_68] : memref<64x128xf32, #tpu.memory_space<vmem>>, vector<64x128xf32>
      tpu.vector_store %arg7[%swap3A_67, %swap3A_68], %broadcast_in_dim3A_66 {strides = array<i32>} : memref<64x128xf32, #tpu.memory_space<vmem>>, vector<64x128xf32>,
      %broadcast_in_dim3A_70 = arith.constant 0.000000e+00 : f32
      %broadcast_in_dim3A_71 = vector.broadcast %broadcast_in_dim3A_70 : f32 to vector<64x128xf32>
      %swap3A_72 = arith.constant 0 : index
      %swap3A_73 = arith.constant 0 : index
      %swap3A_74 = vector.load %arg8[%swap3A_72, %swap3A_73] : memref<64x128xf32, #tpu.memory_space<vmem>>, vector<64x128xf32>
      tpu.vector_store %arg8[%swap3A_72, %swap3A_73], %broadcast_in_dim3A_71 {strides = array<i32>} : memref<64x128xf32, #tpu.memory_space<vmem>>, vector<64x128xf32>,
    } else {
    }
    %get3A = arith.constant 0 : index
    %get3A_2 = arith.constant 0 : index
    %get3A_3 = arith.constant 0 : index
    %get3A_4 = vector.load %arg3[%get3A, %get3A_2, %get3A_3] : memref<2x2000x16xf32, #tpu.memory_space<vmem>>, vector<2x2000x16xf32>
    %slice3A = vector.extract_strided_slice %get3A_4 {offsets = [0, 0, 0], sizes = [1, 2000, 1], strides = [1, 1, 1]} : vector<2x2000x16xf32> to vector<1x2000x1xf32>
    %squeeze3A = vector.shape_cast %slice3A : vector<1x2000x1xf32> to vector<2000x1xf32>
    %slice3A_5 = vector.extract_strided_slice %get3A_4 {offsets = [1, 0, 0], sizes = [1, 2000, 1], strides = [1, 1, 1]} : vector<2x2000x16xf32> to vector<1x2000x1xf32>
    %squeeze3A_6 = vector.shape_cast %slice3A_5 : vector<1x2000x1xf32> to vector<2000x1xf32>
    %add3A = arith.addf %squeeze3A, %squeeze3A_6 : vector<2000x1xf32>
    %add3A_7 = arith.constant 1.000000e+00 : f32
    %add3A_8 = vector.broadcast %add3A_7 : f32 to vector<2000x1xf32>
    %add3A_9 = arith.addf %add3A, %add3A_8 : vector<2000x1xf32>
    %sqrt3A = math.sqrt %add3A_9 : vector<2000x1xf32>
    %div3A = arith.constant 1.000000e+00 : f32
    %div3A_10 = vector.broadcast %div3A : f32 to vector<2000x1xf32>
    %div3A_11 = arith.divf %div3A_10, %sqrt3A : vector<2000x1xf32>
    %get3A_12 = arith.constant 0 : index
    %get3A_13 = arith.constant 0 : index
    %get3A_14 = arith.constant 0 : index
    %get3A_15 = vector.load %arg1[%get3A_12, %get3A_13, %get3A_14] : memref<2x2000x64xf32, #tpu.memory_space<vmem>>, vector<2x2000x64xf32>
    %get3A_16 = arith.constant 0 : index
    %get3A_17 = arith.constant 0 : index
    %get3A_18 = arith.constant 0 : index
    %get3A_19 = vector.load %arg2[%get3A_16, %get3A_17, %get3A_18] : memref<2x2000x64xf32, #tpu.memory_space<vmem>>, vector<2x2000x64xf32>
    %slice3A_20 = vector.extract_strided_slice %get3A_15 {offsets = [0, 0, 0], sizes = [1, 2000, 64], strides = [1, 1, 1]} : vector<2x2000x64xf32> to vector<1x2000x64xf32>
    %squeeze3A_21 = vector.shape_cast %slice3A_20 : vector<1x2000x64xf32> to vector<2000x64xf32>
    %slice3A_22 = vector.extract_strided_slice %get3A_19 {offsets = [0, 0, 0], sizes = [1, 2000, 64], strides = [1, 1, 1]} : vector<2x2000x64xf32> to vector<1x2000x64xf32>
    %squeeze3A_23 = vector.shape_cast %slice3A_22 : vector<1x2000x64xf32> to vector<2000x64xf32>
    %add3A_24 = arith.addf %squeeze3A_21, %squeeze3A_23 : vector<2000x64xf32>
    %slice3A_25 = vector.extract_strided_slice %get3A_15 {offsets = [1, 0, 0], sizes = [1, 2000, 64], strides = [1, 1, 1]} : vector<2x2000x64xf32> to vector<1x2000x64xf32>
    %squeeze3A_26 = vector.shape_cast %slice3A_25 : vector<1x2000x64xf32> to vector<2000x64xf32>
    %slice3A_27 = vector.extract_strided_slice %get3A_19 {offsets = [1, 0, 0], sizes = [1, 2000, 64], strides = [1, 1, 1]} : vector<2x2000x64xf32> to vector<1x2000x64xf32>
    %squeeze3A_28 = vector.shape_cast %slice3A_27 : vector<1x2000x64xf32> to vector<2000x64xf32>
    %add3A_29 = arith.addf %squeeze3A_26, %squeeze3A_28 : vector<2000x64xf32>
    %concatenate3A = tpu.concatenate %add3A_24, %add3A_29 in 1 : vector<2000x64xf32>, vector<2000x64xf32> -> vector<2000x128xf32>
    %mul3A = vector.broadcast %div3A_11 : vector<2000x1xf32> to vector<2000x128xf32>
    %mul3A_30 = arith.mulf %concatenate3A, %mul3A : vector<2000x128xf32>
    %get3A_31 = arith.constant 0 : index
    %get3A_32 = arith.constant 0 : index
    %get3A_33 = vector.load %arg4[%get3A_31, %get3A_32] : memref<1x128xf32, #tpu.memory_space<vmem>>, vector<1x128xf32>
    %add3A_34 = vector.broadcast %get3A_33 : vector<1x128xf32> to vector<2000x128xf32>
    %add3A_35 = arith.addf %mul3A_30, %add3A_34 : vector<2000x128xf32>
    %iota3A = tpu.iota {dimensions = array<i32: 1>} : vector<2000x64xi32>
    %get3A_36 = arith.constant 0 : index
    %get3A_37 = arith.constant 0 : index
    %get3A_38 = vector.load %arg5[%get3A_36, %get3A_37] : memref<2000x1xi32, #tpu.memory_space<vmem>>, vector<2000x1xi32>
    %eq3A_39 = vector.broadcast %get3A_38 : vector<2000x1xi32> to vector<2000x64xi32>
    %eq3A_40 = arith.cmpi eq, %eq3A_39, %iota3A : vector<2000x64xi32>
    %convert_element_type3A_41 = arith.extui %eq3A_40 : vector<2000x64xi1> to vector<2000x64xi32>
    %convert_element_type3A_42 = arith.sitofp %convert_element_type3A_41 : vector<2000x64xi32> to vector<2000x64xf32>
    %get3A_43 = arith.constant 0 : index
    %get3A_44 = arith.constant 0 : index
    %get3A_45 = vector.load %arg7[%get3A_43, %get3A_44] : memref<64x128xf32, #tpu.memory_space<vmem>>, vector<64x128xf32>
    %dot_general3A = arith.constant dense<0.000000e+00> : vector<64x128xf32>
    %dot_general3A_46 = tpu.matmul %convert_element_type3A_42, %add3A_35, %dot_general3A {dimension_numbers = #tpu.dot_dimension_numbers<[0], [0], [1], [1], [0, 1, 1, 1], [], []>, transpose_lhs_hint = false} : vector<2000x64xf32>, vector<2000x128xf32>, vector<64x128xf32> -> vector<64x128xf32>
    %add3A_47 = arith.addf %get3A_45, %dot_general3A_46 : vector<64x128xf32>
    %swap3A = arith.constant 0 : index
    %swap3A_48 = arith.constant 0 : index
    %swap3A_49 = vector.load %arg7[%swap3A, %swap3A_48] : memref<64x128xf32, #tpu.memory_space<vmem>>, vector<64x128xf32>
    tpu.vector_store %arg7[%swap3A, %swap3A_48], %add3A_47 {strides = array<i32>} : memref<64x128xf32, #tpu.memory_space<vmem>>, vector<64x128xf32>,
    %get3A_50 = arith.constant 0 : index
    %get3A_51 = arith.constant 0 : index
    %get3A_52 = vector.load %arg8[%get3A_50, %get3A_51] : memref<64x128xf32, #tpu.memory_space<vmem>>, vector<64x128xf32>
    %broadcast_in_dim3A = arith.constant 1.000000e+00 : f32
    %broadcast_in_dim3A_53 = vector.broadcast %broadcast_in_dim3A : f32 to vector<2000x128xf32>
    %dot_general3A_54 = arith.constant dense<0.000000e+00> : vector<64x128xf32>
    %dot_general3A_55 = tpu.matmul %convert_element_type3A_42, %broadcast_in_dim3A_53, %dot_general3A_54 {dimension_numbers = #tpu.dot_dimension_numbers<[0], [0], [1], [1], [0, 1, 1, 1], [], []>, transpose_lhs_hint = false} : vector<2000x64xf32>, vector<2000x128xf32>, vector<64x128xf32> -> vector<64x128xf32>
    %add3A_56 = arith.addf %get3A_52, %dot_general3A_55 : vector<64x128xf32>
    %swap3A_57 = arith.constant 0 : index
    %swap3A_58 = arith.constant 0 : index
    %swap3A_59 = vector.load %arg8[%swap3A_57, %swap3A_58] : memref<64x128xf32, #tpu.memory_space<vmem>>, vector<64x128xf32>
    tpu.vector_store %arg8[%swap3A_57, %swap3A_58], %add3A_56 {strides = array<i32>} : memref<64x128xf32, #tpu.memory_space<vmem>>, vector<64x128xf32>,
    %eq3A_60 = arith.constant 4 : i32
    %eq3A_61 = arith.cmpi eq, %arg0, %eq3A_60 : i32
    %convert_element_type3A_62 = arith.extui %eq3A_61 : i1 to i32
    %cond3A_63 = arith.constant 0 : i32
    %cond3A_64 = arith.cmpi ne, %convert_element_type3A_62, %cond3A_63 : i32
    scf.if %cond3A_64 {
      %get3A_65 = arith.constant 0 : index
      %get3A_66 = arith.constant 0 : index
      %get3A_67 = vector.load %arg7[%get3A_65, %get3A_66] : memref<64x128xf32, #tpu.memory_space<vmem>>, vector<64x128xf32>
      %get3A_68 = arith.constant 0 : index
      %get3A_69 = arith.constant 0 : index
      %get3A_70 = vector.load %arg8[%get3A_68, %get3A_69] : memref<64x128xf32, #tpu.memory_space<vmem>>, vector<64x128xf32>
      %max3A = arith.constant 1.000000e+00 : f32
      %max3A_71 = vector.broadcast %max3A : f32 to vector<64x128xf32>
      %max3A_72 = arith.maximumf %get3A_70, %max3A_71 : vector<64x128xf32>
      %div3A_73 = arith.divf %get3A_67, %max3A_72 : vector<64x128xf32>
      %swap3A_74 = arith.constant 0 : index
      %swap3A_75 = arith.constant 0 : index
      %swap3A_76 = vector.load %arg6[%swap3A_74, %swap3A_75] : memref<64x128xf32, #tpu.memory_space<vmem>>, vector<64x128xf32>
      tpu.vector_store %arg6[%swap3A_74, %swap3A_75], %div3A_73 {strides = array<i32>} : memref<64x128xf32, #tpu.memory_space<vmem>>, vector<64x128xf32>,
    } else {
    }
    return
  }
  func.func @transform_0(%arg0: i32) -> (i32, i32, i32) {
    %c0_i32 = arith.constant 0 : i32
    %c0_i32_0 = arith.constant 0 : i32
    %c0_i32_1 = arith.constant 0 : i32
    return %c0_i32, %arg0, %c0_i32_0 : i32, i32, i32
  }
  func.func @transform_1(%arg0: i32) -> (i32, i32, i32) {
    %c0_i32 = arith.constant 0 : i32
    %c0_i32_0 = arith.constant 0 : i32
    %c0_i32_1 = arith.constant 0 : i32
    return %c0_i32, %arg0, %c0_i32_0 : i32, i32, i32
  }
  func.func @transform_2(%arg0: i32) -> (i32, i32, i32) {
    %c0_i32 = arith.constant 0 : i32
    %c0_i32_0 = arith.constant 0 : i32
    %c0_i32_1 = arith.constant 0 : i32
    return %c0_i32, %arg0, %c0_i32_0 : i32, i32, i32
  }
  func.func @transform_3(%arg0: i32) -> (i32, i32) {
    %c0_i32 = arith.constant 0 : i32
    %c0_i32_0 = arith.constant 0 : i32
    %c0_i32_1 = arith.constant 0 : i32
    return %c0_i32, %c0_i32_0 : i32, i32
  }
  func.func @transform_4(%arg0: i32) -> (i32, i32) {
    %c0_i32 = arith.constant 0 : i32
    %c0_i32_0 = arith.constant 0 : i32
    return %arg0, %c0_i32 : i32, i32
  }
  func.func @transform_5(%arg0: i32) -> (i32, i32) {
    %c0_i32 = arith.constant 0 : i32
    %c0_i32_0 = arith.constant 0 : i32
    %c0_i32_1 = arith.constant 0 : i32
    return %c0_i32, %c0_i32_0 : i32, i32
  }
}

</mosaic_0001>

<sc_bundles>
// kernel: kernel.11.cloned.1.call-start
scs
__scs_entry_jumppad:
0x0: {  	(pc) =	sbr.rel $0x88, $3  }
0x1: {  	(tag) =	ssettag $0x0;
	lr =	simm.s32 $0x1  }
0x2: {  	[smem:$0x3F9A] =	sst lr;
	_ =	strace $0xD0000000  }
0x3: {  	_ = 	snop  }
0x4: {  	_ = 	snop  }
0x5: {  	_ = 	snop  }
0x6: {  	_ = 	snop  }
0x7: {  	_ = 	snop  }
__scs_overlays_trampoline_lowered:
0x8: {  	[smem:$0x3FA9] =	sst s0  }
0x9: {  	[smem:$0x3FAA] =	sst s1  }
0xa: {  	[smem:$0x3FAB] =	sst s2  }
0xb: {  	[smem:$0x3FAC] =	sst s3  }
0xc: {  	[smem:$0x3FAD] =	sst s4  }
0xd: {  	[smem:$0x3FAE] =	sst s5  }
0xe: {  	[smem:$0x3FAF] =	sst s6  }
0xf: {  	[smem:$0x3FB0] =	sst s7  }
0x10: {  	[smem:$0x3FB1] =	sst s8  }
0x11: {  	[smem:$0x3FB2] =	sst s9;
	s0 =	simm.s32 @!p0 $0x0  }
0x12: {  	s1 =	sld [smem:$0x3F98];
	s0 =	simm.s32 @p0 $0x1  }
0x13: {  	[smem:$0x3FB3] =	sst s0;
	s0 =	simm.s32 @!p1 $0x0  }
0x14: {  	s2 =	sld [smem:$0x3F97];
	s0 =	simm.s32 @p1 $0x1  }
0x15: {  	[smem:$0x3FB4] =	sst s0;
	s0 =	simm.s32 @!p2 $0x0  }
0x16: {  	s3 =	sld [smem:$0x3FDB];
	s0 =	simm.s32 @p2 $0x1  }
0x17: {  	s4 =	simm.s32 $0x1BF5;
	[smem:$0x3FB6] =	sst s0  }
0x18: {  	s0 =	sld [smem:$0x3F99];
	_ =	swait.ge [sflag:s4], $0x0  }
0x19: {  	s7 =	sld [smem:$0x3F9A]  }
0x1a: {  	s8 =	sadd.s32 $0xFFFFE003, lr  }
0x1b: {  	s9 =	sadd.s32 $0xFFFFFEF7, lr;
	s5 =	simm.s32 $0xFFFFFFFF;
	p2 =	slt.u32 s8, $0xFFFFF086  }
0x1c: {  	p1 =	slt.u32 s9, $0xF7A;
	s5 =	simm.s32 @!p2 $0x0  }
0x1d: {  	s5 =	simm.s32 @p1 $0x1;
	p0 =	seq.s32 s7, s2  }
0x1e: {  	s7 =	smul.u32 @!p0 $0xF7A, s2;
	p2 =	seq.s32 @!p0 s5, $0x0  }
0x1f: {  	s9 =	smul.u32 $0xF7A, s1;
	s8 =	simm.s32 @!p0 $0x1BF5;
	p2 =	por !p2, p0  }
0x20: {  	[sflag:s8] =	ssyncset.s32 @!p0 $0xFFFFF086;
	s6 =	sadd.s32 @!p0 s3, s7;
	s7 =	simm.s32 @!p0 $0x108  }
0x21: {  	s3 =	sadd.s32 s3, s9;
	s6 =	sadd.s32 @!p0 $0x88, s6;
	s7 =	simm.s32 @p2 $0x1082  }
0x22: {  	[simem:s7], [sflag:s8] =	dma.local @!p0 [hbm:s6], $0xF7A  }
0x23: {  	s9 =	sor.u32 $0xD0000000, s2;
	s6 =	simm.s32 $0x108;
	_ =	swait.ge @!p0 [sflag:s8], $0x0  }
0x24: {  	s3 =	sadd.s32 $0x88, s3;
	s6 =	simm.s32 @!p1 $0x1082;
	[sflag:s4] =	ssyncset.s32 $0xFFFFF086  }
0x25: {  	[simem:s6], [sflag:s4] =	dma.local [hbm:s3], $0xF7A  }
0x26: {  	[smem:$0x3F9A] =	sst s1;
	(tag) =	ssettag s2;
	_ =	strace s9  }
0x27: {  	s1 =	sld [smem:$0x3FAA]  }
0x28: {  	s2 =	sld [smem:$0x3FAB]  }
0x29: {  	s4 =	sld [smem:$0x3FAD]  }
0x2a: {  	p0 =	seq.s32 s5, $0x0;
	s5 =	sld [smem:$0x3FAE]  }
0x2b: {  	s6 =	sld [smem:$0x3FAF]  }
0x2c: {  	s7 =	sld [smem:$0x3FB0]  }
0x2d: {  	s3 =	simm.s32 $0x108;
	s8 =	sld [smem:$0x3FB1]  }
0x2e: {  	s3 =	simm.s32 @!p0 $0x1082;
	s9 =	sld [smem:$0x3FB2]  }
0x2f: {  	lr =	sadd.s32 s0, s3;
	s0 =	sld [smem:$0x3FA9]  }
0x30: {  	s3 =	sld [smem:$0x3FAC]  }
0x31: {  	[smem:$0x3FB5] =	sst s10  }
0x32: {  	s10 =	sld [smem:$0x3FB3];
	_ =	sdelay $0x3  }
0x33: {  	p0 =	seq.s32 s10, $0x1;
	s10 =	sld [smem:$0x3FB5];
	_ =	sdelay $0x3  }
0x34: {  	[smem:$0x3FB5] =	sst s10  }
0x35: {  	s10 =	sld [smem:$0x3FB4];
	_ =	sdelay $0x3  }
0x36: {  	p1 =	seq.s32 s10, $0x1;
	s10 =	sld [smem:$0x3FB5];
	_ =	sdelay $0x3  }
0x37: {  	[smem:$0x3FB5] =	sst s10  }
0x38: {  	s10 =	sld [smem:$0x3FB6]  }
0x39: {  	_ = 	snop;
	(pc) =	sbr.ind lr, $3  }
0x3a: {  	_ = 	snop  }
0x3b: {  	_ = 	snop  }
0x3c: {  	p2 =	seq.s32 s10, $0x1;
	s10 =	sld [smem:$0x3FB5]  }
0x3d: {  	_ =	shalt  }
0x3e: {  	_ =	shalt  }
0x3f: {  	_ =	shalt  }
0x40: {  	_ =	shalt  }
0x41: {  	_ =	shalt  }
0x42: {  	_ =	shalt  }
0x43: {  	_ =	shalt  }
0x44: {  	_ =	shalt  }
0x45: {  	_ =	shalt  }
0x46: {  	_ =	shalt  }
0x47: {  	_ =	shalt  }
0x48: {  	_ =	shalt  }
0x49: {  	_ =	shalt  }
0x4a: {  	_ =	shalt  }
0x4b: {  	_ =	shalt  }
0x4c: {  	_ =	shalt  }
0x4d: {  	_ =	shalt  }
0x4e: {  	_ =	shalt  }
0x4f: {  	_ =	shalt  }
0x50: {  	_ =	shalt  }
0x51: {  	_ =	shalt  }
0x52: {  	_ =	shalt  }
0x53: {  	_ =	shalt  }
0x54: {  	_ =	shalt  }
0x55: {  	_ =	shalt  }
0x56: {  	_ =	shalt  }
0x57: {  	_ =	shalt  }
0x58: {  	_ =	shalt  }
0x59: {  	_ =	shalt  }
0x5a: {  	_ =	shalt  }
0x5b: {  	_ =	shalt  }
0x5c: {  	_ =	shalt  }
0x5d: {  	_ =	shalt  }
0x5e: {  	_ =	shalt  }
0x5f: {  	_ =	shalt  }
0x60: {  	_ =	shalt  }
0x61: {  	_ =	shalt  }
0x62: {  	_ =	shalt  }
0x63: {  	_ =	shalt  }
0x64: {  	_ =	shalt  }
0x65: {  	_ =	shalt  }
0x66: {  	_ =	shalt  }
0x67: {  	_ =	shalt  }
0x68: {  	_ =	shalt  }
0x69: {  	_ =	shalt  }
0x6a: {  	_ =	shalt  }
0x6b: {  	_ =	shalt  }
0x6c: {  	_ =	shalt  }
0x6d: {  	_ =	shalt  }
0x6e: {  	_ =	shalt  }
0x6f: {  	_ =	shalt  }
0x70: {  	_ =	shalt  }
0x71: {  	_ =	shalt  }
0x72: {  	_ =	shalt  }
0x73: {  	_ =	shalt  }
0x74: {  	_ =	shalt  }
0x75: {  	_ =	shalt  }
0x76: {  	_ =	shalt  }
0x77: {  	_ =	shalt  }
0x78: {  	_ =	shalt  }
0x79: {  	_ =	shalt  }
0x7a: {  	_ =	shalt  }
0x7b: {  	_ =	shalt  }
0x7c: {  	_ =	shalt  }
0x7d: {  	_ =	shalt  }
0x7e: {  	_ =	shalt  }
0x7f: {  	_ =	shalt  }
0x80: {  	_ =	shalt  }
0x81: {  	_ =	shalt  }
0x82: {  	_ =	shalt  }
0x83: {  	_ =	shalt  }
0x84: {  	_ =	shalt  }
0x85: {  	_ =	shalt  }
0x86: {  	_ =	shalt  }
0x87: {  	_ =	shalt  }
.Lfunc_end0:
.L_simem_size_0:
called_computation.1_lowered:
.L_overlay_start_0:
0x88: {  	s2 =	sld [smem:$0x3FD9]  }
0x89: {  	s3 =	sld [smem:$0x3FFE];
	_ =	sdelay $0x1  }
0x8a: {  	s1 =	srdreg.scid  }
0x8b: {  	s0 =	sand.u32 $0x1, s1  }
0x8c: {  	s16 =	sshll.u32 s0, $0xA;
	s2 =	sadd.s32 s3, s2  }
0x8d: {  	s2 =	sadd.s32 s2, s16  }
0x8e: {  	[smem:$0x3FC1] =	sst s2  }
0x8f: {  	_ = 	snop  }
0x90: {  	(tm) =	ssettm $0x1  }
0x91: {  	s17 =	sld [smem:$0x3FFB];
	_ =	sdelay $0x3  }
0x92: {  	_ =	strace s17  }
0x93: {  	s2 =	sld [smem:$0x3FFC];
	_ =	sdelay $0x3  }
0x94: {  	_ =	strace s2  }
0x95: {  	s2 =	sld [smem:$0x3FFD];
	_ =	sdelay $0x3  }
0x96: {  	_ =	strace s2  }
0x97: {  	_ =	strace $0x8FFFFFFF  }
0x98: {  	s18 =	sld [smem:$0x3FDB];
	_ =	sdelay $0x1  }
0x99: {  	s19 =	simm.s32 $_scs_section_size  }
0x9a: {  	s4 =	simm.s32 $_size__tile_overlayer_lowered;
	s5 =	simm.s32 $_tile_overlayer_lowered  }
0x9b: {  	s22 =	simm.s32 $0x1BFF;
	s21 =	sshll.u32 s5, $0x1;
	s2 =	sadd.s32 s19, s18  }
0x9c: {  	s6 =	simm.s32 $0x0;
	s20 =	sshll.u32 s4, $0x1;
	s4 =	sadd.s32 s21, s2  }
0x9d: {  	[timem:s6], [sflag:s22] =	dma.local [hbm:s4], s20  }
0x9e: {  	_ =	swait.ge [sflag:s22], s20  }
0x9f: {  	s3 =	ssub.s32 $0x0, s20;
	[sflag:s22] =	ssyncset.done $0x0  }
0xa0: {  	[sflag:s22] =	ssyncadd.s32 s3;
	_ =	sdelay $0x1  }
0xa1: {  	s23 =	simm.s32 $0x1B8B  }
0xa2: {  	_ =	swait.ge [sflag:s23], $0x1  }
0xa3: {  	[sflag:s23] =	ssyncset.done $0x0  }
0xa4: {  	s25 =	simm.s32 $0x1B8E;
	s24 =	sld [smem:$0x3FFE];
	[sflag:s23] =	ssyncadd.s32 $0xFFFFFFFF  }
0xa5: {  	s26 =	simm.s32 $execute0_lowered;
	[smem:$0x3FD2] =	sst s25  }
0xa6: {  	s4 =	sshll.u32 s26, $0x1;
	_ =	strace $0x80000049;
	[dreg:$0x1] =	wrdreg $0xFFFFFFFF  }
0xa7: {  	s28 =	simm.s32 $_size_execute0_lowered;
	s2 =	sadd.s32 s2, s4;
	[dreg:$0x0] =	wrdreg $0x0  }
0xa8: {  	s4 =	sshll.u32 s28, $0x1;
	[dreg:$0x2] =	wrdreg s2  }
0xa9: {  	[dreg:$0x3] =	wrdreg s4  }
0xaa: {  	[dreg:$0x4] =	wrdreg $0xC0  }
0xab: {  	_ =	task [dreg:s6], $0x5FFFF  }
0xac: {  	[dreg:$0x1] =	wrdreg $0xFFFFFFFF  }
0xad: {  	[dreg:$0x0] =	wrdreg $0x60  }
0xae: {  	[dreg:$0x2] =	wrdreg s24  }
0xaf: {  	[dreg:$0x3] =	wrdreg $0x120000  }
0xb0: {  	[dreg:$0x4] =	wrdreg $0x9  }
0xb1: {  	_ =	task.clear_ibuf [dreg:s6], $0x5FFFF;
	_ =	strace $0x90000049  }
0xb2: {  	s29 =	simm.s32 $0x9;
	_ =	strace $0x8000004B  }
0xb3: {  	_ =	swait.ge [sflag:s29], $0x1  }
0xb4: {  	[sflag:s29] =	ssyncadd.s32 $0xFFFFFFFF  }
0xb5: {  	_ =	strace $0x9000004B  }
0xb6: {  	_ =	sfence  }
0xb7: {  	s30 =	sld [smem:$0x0];
	_ =	sdelay $0x2  }
0xb8: {  	s31 =	sshll.u32 s1, $0xD;
	s1 =	sshrl.u32 s1, $0x2  }
0xb9: {  	s3 =	sand.u32 $0x4000, s31;
	s1 =	sadd.s32 s1, s30  }
0xba: {  	s0 =	sor.u32 s3, s0;
	s1 =	sshll.u32 s1, $0x11  }
0xbb: {  	s0 =	sor.u32 s1, s0  }
0xbc: {  	s0 =	sadd.s32 $0x8F2B, s0  }
0xbd: {  	[sflag:s0] =	ssyncadd.remote.s32 $0x1  }
0xbe: {  	_ =	sfence.sel $0xFFFF  }
0xbf: {  	[dreg:$0x0] =	wrdreg $0xFFFFFFFF;
	(pc) =	sbr.abs _section_cstart, $3  }
0xc0: {  	[dreg:$0x1] =	wrdreg $0xFFFFFFFF  }
0xc1: {  	_ =	task.clear_ibuf [dreg:s6], $0x2FFFF;
	_ =	strace $0x9FFFFFFF  }
0xc2: {  	(tm) =	ssettm $0x7FFFFFFF  }
0xc3: {  	_ =	shalt  }
tec
execute0_lowered:
.L_overlay_start_1:
0x0: {  	(tag) =	ssettag $0x1  }
0x1: {  	s0 =	rddreg [dreg:$0x0]  }
0x2: {  	s2 =	rddreg [dreg:$0x1];
	s3 =	simm.s32 $0x0  }
0x3: {  	s12 =	stileid.u32;
	s4 =	srdreg.scid;
	s11 =	simm.s32 $0x5  }
0x4: {  	s13 =	simm.s32 $0x80;
	s14 =	simm.s32 $0xA000;
	s15 =	simm.s32 $0xC000  }
0x5: {  	s16 =	simm.s32 $0x100;
	s17 =	simm.s32 $0xE000;
	s18 =	simm.s32 $0x180  }
0x6: {  	s19 =	simm.s32 $0x10000;
	s20 =	simm.s32 $0x1;
	s21 =	simm.s32 $0x2  }
0x7: {  	s22 =	simm.s32 $0x3;
	s28 =	simm.s32 $0x9E80;
	s29 =	simm.s32 $0x9F00  }
0x8: {  	s30 =	simm.s32 $0x9F80;
	s31 =	simm.s32 $0x0;
	s1 =	smul.u32 $0xA000, s12  }
0x9: {  	[smem:$0x7FF] =	sst s3;
	s5 =	smul.u32 $0xA00, s12;
	s4 =	sand.u32 $0x1, s4  }
0xa: {  	s26 =	sshll.u32 s12, $0x6;
	s10 =	smul.u32 $0xFA00, s12;
	p0 =	sgt.u32 s12, $0x9  }
0xb: {  	_ =	strace $0x8000004A;
	s7 =	smul.u32 $0x13880, s4;
	s4 =	ssub.s32 $0x2, s4  }
0xc: {  	s6 =	sshrl.u32 s1, $0x3;
	s8 =	sadd.s32 s5, s0;
	s25 =	sshrl.u32 s4, $0x1  }
0xd: {  	s1 =	sadd.s32 s1, s2;
	s5 =	sor.u32 $0x1C05, s26;
	s23 =	sshrl.u32 s10, $0x3  }
0xe: {  	s26 =	simm.s32 $0x9E00;
	s24 =	sadd.s32 s6, s0;
	s0 =	sadd.s32 s7, s0  }
0xf: {  	s9 =	ssub.s32 s4, s25;
	s6 =	sadd.s32 $0xC000, s8;
	s7 =	sadd.s32 $0x2000, s8  }
0x10: {  	s25 =	sadd.s32 s10, s2;
	s10 =	sshrl.u32 s1, $0x3;
	s4 =	sadd.s32 $0xE8400, s24  }
0x11: {  	s8 =	sadd.s32 $0xC1200, s0;
	s0 =	sadd.s32 $0xFC400, s0;
	s9 =	smax.u32 s9, $0x1  }
0x12: {  	s24 =	simm.s32 $0x4;
	s25 =	sshrl.u32 @!p0 s25, $0x3;
	s23 =	sadd.s32 @!p0 s23, s0  }
.LBB2_1:
0x13: {  	[spmem:s10], [sflag:s5] =	dma.local [hbm:s4], $0x1400  }
0x14: {  	_ =	swait.ge [sflag:s11], $0x1400  }
0x15: {  	[sflag:s11] =	ssyncset.done $0x0  }
0x16: {  	[sflag:s11] =	ssyncadd.s32 $0xFFFFEC00  }
0x17: {  	[tilespmem:s3], [sflag:$0x5] =	stream.linear.gather [hbm4b:s6+s3], $0x5000, $0x38;
	[tilespmem:$0x1C000] =	vst v63  }
0x18: {  	_ =	swait.ge [sflag:s11], $0x5000  }
0x19: {  	[sflag:s11] =	ssyncset.done $0x0  }
0x1a: {  	s0 =	simm.s32 $0x5000;
	[sflag:s11] =	ssyncadd.s32 $0xFFFFB000  }
0x1b: {  	[tilespmem:s0], [sflag:$0x5] =	stream.linear.gather [hbm4b:s7+s3], $0x5000, $0x38;
	[tilespmem:$0x1C000] =	vst v63  }
0x1c: {  	_ =	swait.ge [sflag:s11], $0x5000  }
0x1d: {  	[sflag:s11] =	ssyncset.done $0x0  }
0x1e: {  	[sflag:s11] =	ssyncadd.s32 $0xFFFFB000  }
0x1f: {  	[bflag:$0x0] =	sbarrier.arrive $0xFFFF  }
0x20: {  	[tilespmem:s14], [sflag:$0x1] =	stream.indirect.gather [hbm4b:s8+s13], $0x40, s3, s13, $0xb8;
	[tilespmem:$0x1C000] =	vst v63  }
0x21: {  	_ = 	snop  }
0x22: {  	[tilespmem:s15], [sflag:$0x2] =	stream.indirect.gather [hbm4b:s8+s13], $0x40, s13, s13, $0xb8;
	[tilespmem:$0x1C000] =	vst v63  }
0x23: {  	_ = 	snop  }
0x24: {  	[tilespmem:s17], [sflag:$0x3] =	stream.indirect.gather [hbm4b:s8+s13], $0x40, s16, s13, $0xb8;
	[tilespmem:$0x1C000] =	vst v63  }
0x25: {  	_ = 	snop  }
0x26: {  	[tilespmem:s19], [sflag:$0x4] =	stream.indirect.gather [hbm4b:s8+s13], $0x40, s18, s13, $0xb8;
	[tilespmem:$0x1C000] =	vst v63  }
0x27: {  	_ =	swait.ge [sflag:s20], $0x2000  }
0x28: {  	[sflag:s20] =	ssyncset.done $0x0  }
0x29: {  	s12 =	simm.s32 $0x5000;
	[sflag:s20] =	ssyncadd.s32 $0xFFFFE000  }
0x2a: {  	[spmem:s2] =	stream.indirect.scatter.add.f32 [tilespmem:s14], [sflag:$0x5], $0x40, s12, s13, $0xb8;
	[tilespmem:$0x1C000] =	vst v63  }
0x2b: {  	_ =	swait.ge [sflag:s11], $0x2000  }
0x2c: {  	[sflag:s11] =	ssyncset.done $0x0  }
0x2d: {  	s1 =	simm.s32 $0x200;
	[sflag:s11] =	ssyncadd.s32 $0xFFFFE000  }
0x2e: {  	[tilespmem:s14], [sflag:$0x1] =	stream.indirect.gather [hbm4b:s8+s13], $0x40, s1, s13, $0xb8;
	[tilespmem:$0x1C000] =	vst v63  }
0x2f: {  	_ =	swait.ge [sflag:s21], $0x2000  }
0x30: {  	[sflag:s21] =	ssyncset.done $0x0  }
0x31: {  	s12 =	simm.s32 $0x5080;
	[sflag:s21] =	ssyncadd.s32 $0xFFFFE000  }
0x32: {  	[spmem:s2] =	stream.indirect.scatter.add.f32 [tilespmem:s15], [sflag:$0x5], $0x40, s12, s13, $0xb8;
	[tilespmem:$0x1C000] =	vst v63  }
0x33: {  	_ =	swait.ge [sflag:s11], $0x2000  }
0x34: {  	[sflag:s11] =	ssyncset.done $0x0  }
0x35: {  	s1 =	simm.s32 $0x280;
	[sflag:s11] =	ssyncadd.s32 $0xFFFFE000  }
0x36: {  	[tilespmem:s15], [sflag:$0x2] =	stream.indirect.gather [hbm4b:s8+s13], $0x40, s1, s13, $0xb8;
	[tilespmem:$0x1C000] =	vst v63  }
0x37: {  	_ =	swait.ge [sflag:s22], $0x2000  }
0x38: {  	[sflag:s22] =	ssyncset.done $0x0  }
0x39: {  	s12 =	simm.s32 $0x5100;
	[sflag:s22] =	ssyncadd.s32 $0xFFFFE000  }
0x3a: {  	[spmem:s2] =	stream.indirect.scatter.add.f32 [tilespmem:s17], [sflag:$0x5], $0x40, s12, s13, $0xb8;
	[tilespmem:$0x1C000] =	vst v63  }
0x3b: {  	_ =	swait.ge [sflag:s11], $0x2000  }
0x3c: {  	[sflag:s11] =	ssyncset.done $0x0  }
0x3d: {  	s1 =	simm.s32 $0x300;
	[sflag:s11] =	ssyncadd.s32 $0xFFFFE000  }
0x3e: {  	[tilespmem:s17], [sflag:$0x3] =	stream.indirect.gather [hbm4b:s8+s13], $0x40, s1, s13, $0xb8;
	[tilespmem:$0x1C000] =	vst v63  }
0x3f: {  	_ =	swait.ge [sflag:s24], $0x2000  }
0x40: {  	[sflag:s24] =	ssyncset.done $0x0  }
0x41: {  	s12 =	simm.s32 $0x5180;
	[sflag:s24] =	ssyncadd.s32 $0xFFFFE000  }
0x42: {  	[spmem:s2] =	stream.indirect.scatter.add.f32 [tilespmem:s19], [sflag:$0x5], $0x40, s12, s13, $0xb8;
	[tilespmem:$0x1C000] =	vst v63  }
0x43: {  	_ =	swait.ge [sflag:s11], $0x2000  }
0x44: {  	[sflag:s11] =	ssyncset.done $0x0  }
0x45: {  	s0 =	simm.s32 $0x800;
	s1 =	simm.s32 $0x380;
	[sflag:s11] =	ssyncadd.s32 $0xFFFFE000  }
.LBB2_2:
0x46: {  	[tilespmem:s19], [sflag:$0x4] =	stream.indirect.gather [hbm4b:s8+s13], $0x40, s1, s13, $0xb8;
	[tilespmem:$0x1C000] =	vst v63  }
0x47: {  	s1 =	smov.u32 s0  }
0x48: {  	p1 =	sne.s32 s0, $0x13000;
	s0 =	sadd.s32 $0x800, s0;
	_ =	swait.ge [sflag:s20], $0x2000  }
0x49: {  	s1 =	sshra.s32 s1, $0x2;
	[sflag:s20] =	ssyncset.done $0x0  }
0x4a: {  	s12 =	sadd.s32 $0x5000, s1;
	[sflag:s20] =	ssyncadd.s32 $0xFFFFE000  }
0x4b: {  	[spmem:s2] =	stream.indirect.scatter.add.f32 [tilespmem:s14], [sflag:$0x5], $0x40, s12, s13, $0xb8;
	[tilespmem:$0x1C000] =	vst v63  }
0x4c: {  	_ =	swait.ge [sflag:s11], $0x2000  }
0x4d: {  	[sflag:s11] =	ssyncset.done $0x0  }
0x4e: {  	s12 =	sadd.s32 $0x200, s1;
	[sflag:s11] =	ssyncadd.s32 $0xFFFFE000  }
0x4f: {  	[tilespmem:s14], [sflag:$0x1] =	stream.indirect.gather [hbm4b:s8+s13], $0x40, s12, s13, $0xb8;
	[tilespmem:$0x1C000] =	vst v63  }
0x50: {  	_ =	swait.ge [sflag:s21], $0x2000  }
0x51: {  	[sflag:s21] =	ssyncset.done $0x0  }
0x52: {  	s12 =	sadd.s32 $0x5080, s1;
	[sflag:s21] =	ssyncadd.s32 $0xFFFFE000  }
0x53: {  	[spmem:s2] =	stream.indirect.scatter.add.f32 [tilespmem:s15], [sflag:$0x5], $0x40, s12, s13, $0xb8;
	[tilespmem:$0x1C000] =	vst v63  }
0x54: {  	_ =	swait.ge [sflag:s11], $0x2000  }
0x55: {  	[sflag:s11] =	ssyncset.done $0x0  }
0x56: {  	s12 =	sadd.s32 $0x280, s1;
	[sflag:s11] =	ssyncadd.s32 $0xFFFFE000  }
0x57: {  	[tilespmem:s15], [sflag:$0x2] =	stream.indirect.gather [hbm4b:s8+s13], $0x40, s12, s13, $0xb8;
	[tilespmem:$0x1C000] =	vst v63  }
0x58: {  	_ =	swait.ge [sflag:s22], $0x2000  }
0x59: {  	[sflag:s22] =	ssyncset.done $0x0  }
0x5a: {  	s12 =	sadd.s32 $0x5100, s1;
	[sflag:s22] =	ssyncadd.s32 $0xFFFFE000  }
0x5b: {  	[spmem:s2] =	stream.indirect.scatter.add.f32 [tilespmem:s17], [sflag:$0x5], $0x40, s12, s13, $0xb8;
	[tilespmem:$0x1C000] =	vst v63  }
0x5c: {  	_ =	swait.ge [sflag:s11], $0x2000  }
0x5d: {  	[sflag:s11] =	ssyncset.done $0x0  }
0x5e: {  	s12 =	sadd.s32 $0x300, s1;
	[sflag:s11] =	ssyncadd.s32 $0xFFFFE000  }
0x5f: {  	[tilespmem:s17], [sflag:$0x3] =	stream.indirect.gather [hbm4b:s8+s13], $0x40, s12, s13, $0xb8;
	[tilespmem:$0x1C000] =	vst v63  }
0x60: {  	_ =	swait.ge [sflag:s24], $0x2000  }
0x61: {  	[sflag:s24] =	ssyncset.done $0x0  }
.Ltmp0:
0x62: {  	s12 =	sadd.s32 $0x5180, s1;
	[sflag:s24] =	ssyncadd.s32 $0xFFFFE000;
	(pc) =	sbr.rel @p1 .LBB2_2-.Ltmp0, $4  }
0x63: {  	[spmem:s2] =	stream.indirect.scatter.add.f32 [tilespmem:s19], [sflag:$0x5], $0x40, s12, s13, $0xb8;
	[tilespmem:$0x1C000] =	vst v63  }
0x64: {  	_ =	swait.ge [sflag:s11], $0x2000  }
0x65: {  	[sflag:s11] =	ssyncset.done $0x0  }
0x66: {  	s1 =	sadd.s32 $0x380, s1;
	[sflag:s11] =	ssyncadd.s32 $0xFFFFE000  }
0x67: {  	[tilespmem:s19], [sflag:$0x4] =	stream.indirect.gather [hbm4b:s8+s13], $0x40, s1, s13, $0xb8;
	[tilespmem:$0x1C000] =	vst v63  }
0x68: {  	_ =	swait.ge [sflag:s20], $0x2000  }
0x69: {  	[sflag:s20] =	ssyncset.done $0x0  }
0x6a: {  	[sflag:s20] =	ssyncadd.s32 $0xFFFFE000  }
0x6b: {  	[spmem:s2] =	stream.indirect.scatter.add.f32 [tilespmem:s14], [sflag:$0x5], $0x40, s26, s13, $0xb8;
	[tilespmem:$0x1C000] =	vst v63  }
0x6c: {  	_ =	swait.ge [sflag:s11], $0x2000  }
0x6d: {  	[sflag:s11] =	ssyncset.done $0x0  }
0x6e: {  	[sflag:s11] =	ssyncadd.s32 $0xFFFFE000  }
0x6f: {  	_ =	swait.ge [sflag:s21], $0x2000  }
0x70: {  	[sflag:s21] =	ssyncset.done $0x0  }
0x71: {  	[sflag:s21] =	ssyncadd.s32 $0xFFFFE000  }
0x72: {  	[spmem:s2] =	stream.indirect.scatter.add.f32 [tilespmem:s15], [sflag:$0x5], $0x40, s28, s13, $0xb8;
	[tilespmem:$0x1C000] =	vst v63  }
0x73: {  	_ =	swait.ge [sflag:s11], $0x2000  }
0x74: {  	[sflag:s11] =	ssyncset.done $0x0  }
0x75: {  	[sflag:s11] =	ssyncadd.s32 $0xFFFFE000  }
0x76: {  	_ =	swait.ge [sflag:s22], $0x2000  }
0x77: {  	[sflag:s22] =	ssyncset.done $0x0  }
0x78: {  	[sflag:s22] =	ssyncadd.s32 $0xFFFFE000  }
0x79: {  	[spmem:s2] =	stream.indirect.scatter.add.f32 [tilespmem:s17], [sflag:$0x5], $0x40, s29, s13, $0xb8;
	[tilespmem:$0x1C000] =	vst v63  }
0x7a: {  	_ =	swait.ge [sflag:s11], $0x2000  }
0x7b: {  	[sflag:s11] =	ssyncset.done $0x0  }
0x7c: {  	[sflag:s11] =	ssyncadd.s32 $0xFFFFE000  }
0x7d: {  	_ =	swait.ge [sflag:s24], $0x2000  }
0x7e: {  	[sflag:s24] =	ssyncset.done $0x0  }
0x7f: {  	[sflag:s24] =	ssyncadd.s32 $0xFFFFE000  }
0x80: {  	[spmem:s2] =	stream.indirect.scatter.add.f32 [tilespmem:s19], [sflag:$0x5], $0x40, s30, s13, $0xb8;
	[tilespmem:$0x1C000] =	vst v63  }
0x81: {  	_ =	swait.ge [sflag:s11], $0x2000  }
0x82: {  	s31 =	sadd.s32 $0x1, s31;
	[sflag:s11] =	ssyncset.done $0x0  }
0x83: {  	p1 =	sne.s32 s31, s9;
	[sflag:s11] =	ssyncadd.s32 $0xFFFFE000  }
.Ltmp1:
0x84: {  	s0 =	simm.s32 @!p0 $0x5;
	[bflag:$0x0] =	sbarrier.arrive $0xFFFF;
	(pc) =	sbr.rel @p1 .LBB2_1-.Ltmp1, $4  }
0x85: {  	[hbm:s23], [sflag:s5] =	dma.local @!p0 [spmem:s25], $0x1F40  }
0x86: {  	_ =	swait.ge @!p0 [sflag:s0], $0x1F40  }
0x87: {  	[sflag:s0] =	ssyncset.done @!p0 $0x0  }
0x88: {  	[sflag:s0] =	ssyncadd.s32 @!p0 $0xFFFFE0C0  }
0x89: {  	_ =	sfence.sel $0x180000  }
0x8a: {  	[bflag:$0x0] =	sbarrier.arrive $0xFFFF  }
0x8b: {  	_ =	strace $0x9000004A  }
0x8c: {  	s0 =	stileid.u32;
	[bflag:$0x2] =	sbarrier.arrive $0xFFFF  }
0x8d: {  	p0 =	sne.s32 s0, $0x0;
	s0 =	rddreg [dreg:$0x2]  }
0x8e: {  	s0 =	sadd.s32 @!p0 $0x100000, s0  }
0x8f: {  	[sflag:s0] =	ssyncadd.tile.s32 @!p0 $0x1;
	_ =	shalt  }
.Lfunc_end2:
_tile_overlayer_lowered:
.L_overlay_start_2:
0x90: {  	(tag) =	ssettag $0x2  }
0x91: {  	s0 =	rddreg [dreg:$0x0];
	s2 =	stileid.u32  }
0x92: {  	s1 =	rddreg [dreg:$0x1];
	p0 =	sne.s32 s2, $0x0  }
0x93: {  	s3 =	rddreg [dreg:$0x2];
	[bflag:$0x3] =	sbarrier.arrive $0xFFFF;
	s2 =	simm.s32 @!p0 $0x1C05  }
0x94: {  	[timem:s3], [sflag:s2] =	dma.local @!p0 [hbm:s0], s1  }
0x95: {  	s0 =	simm.s32 @!p0 $0x5  }
0x96: {  	_ =	swait.ge @!p0 [sflag:s0], s1  }
0x97: {  	s1 =	ssub.s32 @!p0 $0x0, s1;
	[sflag:s0] =	ssyncset.done @!p0 $0x0  }
0x98: {  	[sflag:s0] =	ssyncadd.s32 @!p0 s1  }
0x99: {  	[bflag:$0x3] =	sbarrier.arrive $0xFFFF  }
0x9a: {  	_ =	shalt  }

// kernel: kernel.14.cloned.1.call-start
scs
__scs_entry_jumppad:
0x0: {  	(pc) =	sbr.rel $0x88, $3  }
0x1: {  	(tag) =	ssettag $0x0;
	lr =	simm.s32 $0x1  }
0x2: {  	[smem:$0x3F9A] =	sst lr;
	_ =	strace $0xD0000000  }
0x3: {  	_ = 	snop  }
0x4: {  	_ = 	snop  }
0x5: {  	_ = 	snop  }
0x6: {  	_ = 	snop  }
0x7: {  	_ = 	snop  }
__scs_overlays_trampoline_lowered:
0x8: {  	[smem:$0x3FA9] =	sst s0  }
0x9: {  	[smem:$0x3FAA] =	sst s1  }
0xa: {  	[smem:$0x3FAB] =	sst s2  }
0xb: {  	[smem:$0x3FAC] =	sst s3  }
0xc: {  	[smem:$0x3FAD] =	sst s4  }
0xd: {  	[smem:$0x3FAE] =	sst s5  }
0xe: {  	[smem:$0x3FAF] =	sst s6  }
0xf: {  	[smem:$0x3FB0] =	sst s7  }
0x10: {  	[smem:$0x3FB1] =	sst s8  }
0x11: {  	[smem:$0x3FB2] =	sst s9;
	s0 =	simm.s32 @!p0 $0x0  }
0x12: {  	s1 =	sld [smem:$0x3F98];
	s0 =	simm.s32 @p0 $0x1  }
0x13: {  	[smem:$0x3FB3] =	sst s0;
	s0 =	simm.s32 @!p1 $0x0  }
0x14: {  	s2 =	sld [smem:$0x3F97];
	s0 =	simm.s32 @p1 $0x1  }
0x15: {  	[smem:$0x3FB4] =	sst s0;
	s0 =	simm.s32 @!p2 $0x0  }
0x16: {  	s3 =	sld [smem:$0x3FDB];
	s0 =	simm.s32 @p2 $0x1  }
0x17: {  	s4 =	simm.s32 $0x1BF5;
	[smem:$0x3FB6] =	sst s0  }
0x18: {  	s0 =	sld [smem:$0x3F99];
	_ =	swait.ge [sflag:s4], $0x0  }
0x19: {  	s7 =	sld [smem:$0x3F9A]  }
0x1a: {  	s8 =	sadd.s32 $0xFFFFE003, lr  }
0x1b: {  	s9 =	sadd.s32 $0xFFFFFEF7, lr;
	s5 =	simm.s32 $0xFFFFFFFF;
	p2 =	slt.u32 s8, $0xFFFFF086  }
0x1c: {  	p1 =	slt.u32 s9, $0xF7A;
	s5 =	simm.s32 @!p2 $0x0  }
0x1d: {  	s5 =	simm.s32 @p1 $0x1;
	p0 =	seq.s32 s7, s2  }
0x1e: {  	s7 =	smul.u32 @!p0 $0xF7A, s2;
	p2 =	seq.s32 @!p0 s5, $0x0  }
0x1f: {  	s9 =	smul.u32 $0xF7A, s1;
	s8 =	simm.s32 @!p0 $0x1BF5;
	p2 =	por !p2, p0  }
0x20: {  	[sflag:s8] =	ssyncset.s32 @!p0 $0xFFFFF086;
	s6 =	sadd.s32 @!p0 s3, s7;
	s7 =	simm.s32 @!p0 $0x108  }
0x21: {  	s3 =	sadd.s32 s3, s9;
	s6 =	sadd.s32 @!p0 $0x88, s6;
	s7 =	simm.s32 @p2 $0x1082  }
0x22: {  	[simem:s7], [sflag:s8] =	dma.local @!p0 [hbm:s6], $0xF7A  }
0x23: {  	s9 =	sor.u32 $0xD0000000, s2;
	s6 =	simm.s32 $0x108;
	_ =	swait.ge @!p0 [sflag:s8], $0x0  }
0x24: {  	s3 =	sadd.s32 $0x88, s3;
	s6 =	simm.s32 @!p1 $0x1082;
	[sflag:s4] =	ssyncset.s32 $0xFFFFF086  }
0x25: {  	[simem:s6], [sflag:s4] =	dma.local [hbm:s3], $0xF7A  }
0x26: {  	[smem:$0x3F9A] =	sst s1;
	(tag) =	ssettag s2;
	_ =	strace s9  }
0x27: {  	s1 =	sld [smem:$0x3FAA]  }
0x28: {  	s2 =	sld [smem:$0x3FAB]  }
0x29: {  	s4 =	sld [smem:$0x3FAD]  }
0x2a: {  	p0 =	seq.s32 s5, $0x0;
	s5 =	sld [smem:$0x3FAE]  }
0x2b: {  	s6 =	sld [smem:$0x3FAF]  }
0x2c: {  	s7 =	sld [smem:$0x3FB0]  }
0x2d: {  	s3 =	simm.s32 $0x108;
	s8 =	sld [smem:$0x3FB1]  }
0x2e: {  	s3 =	simm.s32 @!p0 $0x1082;
	s9 =	sld [smem:$0x3FB2]  }
0x2f: {  	lr =	sadd.s32 s0, s3;
	s0 =	sld [smem:$0x3FA9]  }
0x30: {  	s3 =	sld [smem:$0x3FAC]  }
0x31: {  	[smem:$0x3FB5] =	sst s10  }
0x32: {  	s10 =	sld [smem:$0x3FB3];
	_ =	sdelay $0x3  }
0x33: {  	p0 =	seq.s32 s10, $0x1;
	s10 =	sld [smem:$0x3FB5];
	_ =	sdelay $0x3  }
0x34: {  	[smem:$0x3FB5] =	sst s10  }
0x35: {  	s10 =	sld [smem:$0x3FB4];
	_ =	sdelay $0x3  }
0x36: {  	p1 =	seq.s32 s10, $0x1;
	s10 =	sld [smem:$0x3FB5];
	_ =	sdelay $0x3  }
0x37: {  	[smem:$0x3FB5] =	sst s10  }
0x38: {  	s10 =	sld [smem:$0x3FB6]  }
0x39: {  	_ = 	snop;
	(pc) =	sbr.ind lr, $3  }
0x3a: {  	_ = 	snop  }
0x3b: {  	_ = 	snop  }
0x3c: {  	p2 =	seq.s32 s10, $0x1;
	s10 =	sld [smem:$0x3FB5]  }
0x3d: {  	_ =	shalt  }
0x3e: {  	_ =	shalt  }
0x3f: {  	_ =	shalt  }
0x40: {  	_ =	shalt  }
0x41: {  	_ =	shalt  }
0x42: {  	_ =	shalt  }
0x43: {  	_ =	shalt  }
0x44: {  	_ =	shalt  }
0x45: {  	_ =	shalt  }
0x46: {  	_ =	shalt  }
0x47: {  	_ =	shalt  }
0x48: {  	_ =	shalt  }
0x49: {  	_ =	shalt  }
0x4a: {  	_ =	shalt  }
0x4b: {  	_ =	shalt  }
0x4c: {  	_ =	shalt  }
0x4d: {  	_ =	shalt  }
0x4e: {  	_ =	shalt  }
0x4f: {  	_ =	shalt  }
0x50: {  	_ =	shalt  }
0x51: {  	_ =	shalt  }
0x52: {  	_ =	shalt  }
0x53: {  	_ =	shalt  }
0x54: {  	_ =	shalt  }
0x55: {  	_ =	shalt  }
0x56: {  	_ =	shalt  }
0x57: {  	_ =	shalt  }
0x58: {  	_ =	shalt  }
0x59: {  	_ =	shalt  }
0x5a: {  	_ =	shalt  }
0x5b: {  	_ =	shalt  }
0x5c: {  	_ =	shalt  }
0x5d: {  	_ =	shalt  }
0x5e: {  	_ =	shalt  }
0x5f: {  	_ =	shalt  }
0x60: {  	_ =	shalt  }
0x61: {  	_ =	shalt  }
0x62: {  	_ =	shalt  }
0x63: {  	_ =	shalt  }
0x64: {  	_ =	shalt  }
0x65: {  	_ =	shalt  }
0x66: {  	_ =	shalt  }
0x67: {  	_ =	shalt  }
0x68: {  	_ =	shalt  }
0x69: {  	_ =	shalt  }
0x6a: {  	_ =	shalt  }
0x6b: {  	_ =	shalt  }
0x6c: {  	_ =	shalt  }
0x6d: {  	_ =	shalt  }
0x6e: {  	_ =	shalt  }
0x6f: {  	_ =	shalt  }
0x70: {  	_ =	shalt  }
0x71: {  	_ =	shalt  }
0x72: {  	_ =	shalt  }
0x73: {  	_ =	shalt  }
0x74: {  	_ =	shalt  }
0x75: {  	_ =	shalt  }
0x76: {  	_ =	shalt  }
0x77: {  	_ =	shalt  }
0x78: {  	_ =	shalt  }
0x79: {  	_ =	shalt  }
0x7a: {  	_ =	shalt  }
0x7b: {  	_ =	shalt  }
0x7c: {  	_ =	shalt  }
0x7d: {  	_ =	shalt  }
0x7e: {  	_ =	shalt  }
0x7f: {  	_ =	shalt  }
0x80: {  	_ =	shalt  }
0x81: {  	_ =	shalt  }
0x82: {  	_ =	shalt  }
0x83: {  	_ =	shalt  }
0x84: {  	_ =	shalt  }
0x85: {  	_ =	shalt  }
0x86: {  	_ =	shalt  }
0x87: {  	_ =	shalt  }
.Lfunc_end0:
.L_simem_size_0:
called_computation.2_lowered:
.L_overlay_start_0:
0x88: {  	s2 =	sld [smem:$0x3FD9]  }
0x89: {  	s3 =	sld [smem:$0x3FFE];
	_ =	sdelay $0x1  }
0x8a: {  	s1 =	srdreg.scid  }
0x8b: {  	s0 =	sand.u32 $0x1, s1  }
0x8c: {  	s16 =	sshll.u32 s0, $0xA;
	s2 =	sadd.s32 s3, s2  }
0x8d: {  	s2 =	sadd.s32 s2, s16  }
0x8e: {  	[smem:$0x3FC1] =	sst s2  }
0x8f: {  	_ = 	snop  }
0x90: {  	(tm) =	ssettm $0x1  }
0x91: {  	s17 =	sld [smem:$0x3FFB];
	_ =	sdelay $0x3  }
0x92: {  	_ =	strace s17  }
0x93: {  	s2 =	sld [smem:$0x3FFC];
	_ =	sdelay $0x3  }
0x94: {  	_ =	strace s2  }
0x95: {  	s2 =	sld [smem:$0x3FFD];
	_ =	sdelay $0x3  }
0x96: {  	_ =	strace s2  }
0x97: {  	_ =	strace $0x8FFFFFFF  }
0x98: {  	s18 =	sld [smem:$0x3FDB];
	_ =	sdelay $0x1  }
0x99: {  	s19 =	simm.s32 $_scs_section_size  }
0x9a: {  	s4 =	simm.s32 $_size__tile_overlayer_lowered;
	s5 =	simm.s32 $_tile_overlayer_lowered  }
0x9b: {  	s22 =	simm.s32 $0x1BFF;
	s21 =	sshll.u32 s5, $0x1;
	s2 =	sadd.s32 s19, s18  }
0x9c: {  	s6 =	simm.s32 $0x0;
	s20 =	sshll.u32 s4, $0x1;
	s4 =	sadd.s32 s21, s2  }
0x9d: {  	[timem:s6], [sflag:s22] =	dma.local [hbm:s4], s20  }
0x9e: {  	_ =	swait.ge [sflag:s22], s20  }
0x9f: {  	s3 =	ssub.s32 $0x0, s20;
	[sflag:s22] =	ssyncset.done $0x0  }
0xa0: {  	[sflag:s22] =	ssyncadd.s32 s3;
	_ =	sdelay $0x1  }
0xa1: {  	s23 =	simm.s32 $0x1B8B  }
0xa2: {  	_ =	swait.ge [sflag:s23], $0x1  }
0xa3: {  	[sflag:s23] =	ssyncset.done $0x0  }
0xa4: {  	s25 =	simm.s32 $0x1B8E;
	s24 =	sld [smem:$0x3FFE];
	[sflag:s23] =	ssyncadd.s32 $0xFFFFFFFF  }
0xa5: {  	s26 =	simm.s32 $execute0_lowered;
	[smem:$0x3FD2] =	sst s25  }
0xa6: {  	s4 =	sshll.u32 s26, $0x1;
	_ =	strace $0x8000004C;
	[dreg:$0x1] =	wrdreg $0xFFFFFFFF  }
0xa7: {  	s28 =	simm.s32 $_size_execute0_lowered;
	s2 =	sadd.s32 s2, s4;
	[dreg:$0x0] =	wrdreg $0x0  }
0xa8: {  	s4 =	sshll.u32 s28, $0x1;
	[dreg:$0x2] =	wrdreg s2  }
0xa9: {  	[dreg:$0x3] =	wrdreg s4  }
0xaa: {  	[dreg:$0x4] =	wrdreg $0xC0  }
0xab: {  	_ =	task [dreg:s6], $0x5FFFF  }
0xac: {  	[dreg:$0x1] =	wrdreg $0xFFFFFFFF  }
0xad: {  	[dreg:$0x0] =	wrdreg $0x60  }
0xae: {  	[dreg:$0x2] =	wrdreg s24  }
0xaf: {  	[dreg:$0x3] =	wrdreg $0x120000  }
0xb0: {  	[dreg:$0x4] =	wrdreg $0x9  }
0xb1: {  	_ =	task.clear_ibuf [dreg:s6], $0x5FFFF;
	_ =	strace $0x9000004C  }
0xb2: {  	s29 =	simm.s32 $0x9;
	_ =	strace $0x8000004E  }
0xb3: {  	_ =	swait.ge [sflag:s29], $0x1  }
0xb4: {  	[sflag:s29] =	ssyncadd.s32 $0xFFFFFFFF  }
0xb5: {  	_ =	strace $0x9000004E  }
0xb6: {  	_ =	sfence  }
0xb7: {  	s30 =	sld [smem:$0x0];
	_ =	sdelay $0x2  }
0xb8: {  	s31 =	sshll.u32 s1, $0xD;
	s1 =	sshrl.u32 s1, $0x2  }
0xb9: {  	s3 =	sand.u32 $0x4000, s31;
	s1 =	sadd.s32 s1, s30  }
0xba: {  	s0 =	sor.u32 s3, s0;
	s1 =	sshll.u32 s1, $0x11  }
0xbb: {  	s0 =	sor.u32 s1, s0  }
0xbc: {  	s0 =	sadd.s32 $0x8F2B, s0  }
0xbd: {  	[sflag:s0] =	ssyncadd.remote.s32 $0x1  }
0xbe: {  	_ =	sfence.sel $0xFFFF  }
0xbf: {  	[dreg:$0x0] =	wrdreg $0xFFFFFFFF;
	(pc) =	sbr.abs _section_cstart, $3  }
0xc0: {  	[dreg:$0x1] =	wrdreg $0xFFFFFFFF  }
0xc1: {  	_ =	task.clear_ibuf [dreg:s6], $0x2FFFF;
	_ =	strace $0x9FFFFFFF  }
0xc2: {  	(tm) =	ssettm $0x7FFFFFFF  }
0xc3: {  	_ =	shalt  }
tec
execute0_lowered:
.L_overlay_start_1:
0x0: {  	(tag) =	ssettag $0x1  }
0x1: {  	s0 =	rddreg [dreg:$0x0]  }
0x2: {  	s2 =	rddreg [dreg:$0x1];
	s3 =	simm.s32 $0x0  }
0x3: {  	s12 =	stileid.u32;
	s4 =	srdreg.scid;
	s11 =	simm.s32 $0x5  }
0x4: {  	s13 =	simm.s32 $0x80;
	s14 =	simm.s32 $0xA000;
	s15 =	simm.s32 $0xC000  }
0x5: {  	s16 =	simm.s32 $0x100;
	s17 =	simm.s32 $0xE000;
	s18 =	simm.s32 $0x180  }
0x6: {  	s19 =	simm.s32 $0x10000;
	s20 =	simm.s32 $0x1;
	s21 =	simm.s32 $0x2  }
0x7: {  	s22 =	simm.s32 $0x3;
	s28 =	simm.s32 $0x9E80;
	s29 =	simm.s32 $0x9F00  }
0x8: {  	s30 =	simm.s32 $0x9F80;
	s31 =	simm.s32 $0x0;
	s1 =	smul.u32 $0xA000, s12  }
0x9: {  	[smem:$0x7FF] =	sst s3;
	s5 =	smul.u32 $0xA00, s12;
	s4 =	sand.u32 $0x1, s4  }
0xa: {  	s26 =	sshll.u32 s12, $0x6;
	s10 =	smul.u32 $0xFA00, s12;
	p0 =	sgt.u32 s12, $0x9  }
0xb: {  	_ =	strace $0x8000004D;
	s7 =	smul.u32 $0x13880, s4;
	s4 =	ssub.s32 $0x2, s4  }
0xc: {  	s6 =	sshrl.u32 s1, $0x3;
	s8 =	sadd.s32 s5, s0;
	s25 =	sshrl.u32 s4, $0x1  }
0xd: {  	s1 =	sadd.s32 s1, s2;
	s5 =	sor.u32 $0x1C05, s26;
	s23 =	sshrl.u32 s10, $0x3  }
0xe: {  	s26 =	simm.s32 $0x9E00;
	s24 =	sadd.s32 s6, s0;
	s0 =	sadd.s32 s7, s0  }
0xf: {  	s9 =	ssub.s32 s4, s25;
	s6 =	sadd.s32 $0xC000, s8;
	s7 =	sadd.s32 $0x2000, s8  }
0x10: {  	s25 =	sadd.s32 s10, s2;
	s10 =	sshrl.u32 s1, $0x3;
	s4 =	sadd.s32 $0xE8400, s24  }
0x11: {  	s8 =	sadd.s32 $0xC1200, s0;
	s0 =	sadd.s32 $0xFC400, s0;
	s9 =	smax.u32 s9, $0x1  }
0x12: {  	s24 =	simm.s32 $0x4;
	s25 =	sshrl.u32 @!p0 s25, $0x3;
	s23 =	sadd.s32 @!p0 s23, s0  }
.LBB2_1:
0x13: {  	[spmem:s10], [sflag:s5] =	dma.local [hbm:s4], $0x1400  }
0x14: {  	_ =	swait.ge [sflag:s11], $0x1400  }
0x15: {  	[sflag:s11] =	ssyncset.done $0x0  }
0x16: {  	[sflag:s11] =	ssyncadd.s32 $0xFFFFEC00  }
0x17: {  	[tilespmem:s3], [sflag:$0x5] =	stream.linear.gather [hbm4b:s6+s3], $0x5000, $0x38;
	[tilespmem:$0x1C000] =	vst v63  }
0x18: {  	_ =	swait.ge [sflag:s11], $0x5000  }
0x19: {  	[sflag:s11] =	ssyncset.done $0x0  }
0x1a: {  	s0 =	simm.s32 $0x5000;
	[sflag:s11] =	ssyncadd.s32 $0xFFFFB000  }
0x1b: {  	[tilespmem:s0], [sflag:$0x5] =	stream.linear.gather [hbm4b:s7+s3], $0x5000, $0x38;
	[tilespmem:$0x1C000] =	vst v63  }
0x1c: {  	_ =	swait.ge [sflag:s11], $0x5000  }
0x1d: {  	[sflag:s11] =	ssyncset.done $0x0  }
0x1e: {  	[sflag:s11] =	ssyncadd.s32 $0xFFFFB000  }
0x1f: {  	[bflag:$0x0] =	sbarrier.arrive $0xFFFF  }
0x20: {  	[tilespmem:s14], [sflag:$0x1] =	stream.indirect.gather [hbm4b:s8+s13], $0x40, s3, s13, $0xb8;
	[tilespmem:$0x1C000] =	vst v63  }
0x21: {  	_ = 	snop  }
0x22: {  	[tilespmem:s15], [sflag:$0x2] =	stream.indirect.gather [hbm4b:s8+s13], $0x40, s13, s13, $0xb8;
	[tilespmem:$0x1C000] =	vst v63  }
0x23: {  	_ = 	snop  }
0x24: {  	[tilespmem:s17], [sflag:$0x3] =	stream.indirect.gather [hbm4b:s8+s13], $0x40, s16, s13, $0xb8;
	[tilespmem:$0x1C000] =	vst v63  }
0x25: {  	_ = 	snop  }
0x26: {  	[tilespmem:s19], [sflag:$0x4] =	stream.indirect.gather [hbm4b:s8+s13], $0x40, s18, s13, $0xb8;
	[tilespmem:$0x1C000] =	vst v63  }
0x27: {  	_ =	swait.ge [sflag:s20], $0x2000  }
0x28: {  	[sflag:s20] =	ssyncset.done $0x0  }
0x29: {  	s12 =	simm.s32 $0x5000;
	[sflag:s20] =	ssyncadd.s32 $0xFFFFE000  }
0x2a: {  	[spmem:s2] =	stream.indirect.scatter.add.f32 [tilespmem:s14], [sflag:$0x5], $0x40, s12, s13, $0xb8;
	[tilespmem:$0x1C000] =	vst v63  }
0x2b: {  	_ =	swait.ge [sflag:s11], $0x2000  }
0x2c: {  	[sflag:s11] =	ssyncset.done $0x0  }
0x2d: {  	s1 =	simm.s32 $0x200;
	[sflag:s11] =	ssyncadd.s32 $0xFFFFE000  }
0x2e: {  	[tilespmem:s14], [sflag:$0x1] =	stream.indirect.gather [hbm4b:s8+s13], $0x40, s1, s13, $0xb8;
	[tilespmem:$0x1C000] =	vst v63  }
0x2f: {  	_ =	swait.ge [sflag:s21], $0x2000  }
0x30: {  	[sflag:s21] =	ssyncset.done $0x0  }
0x31: {  	s12 =	simm.s32 $0x5080;
	[sflag:s21] =	ssyncadd.s32 $0xFFFFE000  }
0x32: {  	[spmem:s2] =	stream.indirect.scatter.add.f32 [tilespmem:s15], [sflag:$0x5], $0x40, s12, s13, $0xb8;
	[tilespmem:$0x1C000] =	vst v63  }
0x33: {  	_ =	swait.ge [sflag:s11], $0x2000  }
0x34: {  	[sflag:s11] =	ssyncset.done $0x0  }
0x35: {  	s1 =	simm.s32 $0x280;
	[sflag:s11] =	ssyncadd.s32 $0xFFFFE000  }
0x36: {  	[tilespmem:s15], [sflag:$0x2] =	stream.indirect.gather [hbm4b:s8+s13], $0x40, s1, s13, $0xb8;
	[tilespmem:$0x1C000] =	vst v63  }
0x37: {  	_ =	swait.ge [sflag:s22], $0x2000  }
0x38: {  	[sflag:s22] =	ssyncset.done $0x0  }
0x39: {  	s12 =	simm.s32 $0x5100;
	[sflag:s22] =	ssyncadd.s32 $0xFFFFE000  }
0x3a: {  	[spmem:s2] =	stream.indirect.scatter.add.f32 [tilespmem:s17], [sflag:$0x5], $0x40, s12, s13, $0xb8;
	[tilespmem:$0x1C000] =	vst v63  }
0x3b: {  	_ =	swait.ge [sflag:s11], $0x2000  }
0x3c: {  	[sflag:s11] =	ssyncset.done $0x0  }
0x3d: {  	s1 =	simm.s32 $0x300;
	[sflag:s11] =	ssyncadd.s32 $0xFFFFE000  }
0x3e: {  	[tilespmem:s17], [sflag:$0x3] =	stream.indirect.gather [hbm4b:s8+s13], $0x40, s1, s13, $0xb8;
	[tilespmem:$0x1C000] =	vst v63  }
0x3f: {  	_ =	swait.ge [sflag:s24], $0x2000  }
0x40: {  	[sflag:s24] =	ssyncset.done $0x0  }
0x41: {  	s12 =	simm.s32 $0x5180;
	[sflag:s24] =	ssyncadd.s32 $0xFFFFE000  }
0x42: {  	[spmem:s2] =	stream.indirect.scatter.add.f32 [tilespmem:s19], [sflag:$0x5], $0x40, s12, s13, $0xb8;
	[tilespmem:$0x1C000] =	vst v63  }
0x43: {  	_ =	swait.ge [sflag:s11], $0x2000  }
0x44: {  	[sflag:s11] =	ssyncset.done $0x0  }
0x45: {  	s0 =	simm.s32 $0x800;
	s1 =	simm.s32 $0x380;
	[sflag:s11] =	ssyncadd.s32 $0xFFFFE000  }
.LBB2_2:
0x46: {  	[tilespmem:s19], [sflag:$0x4] =	stream.indirect.gather [hbm4b:s8+s13], $0x40, s1, s13, $0xb8;
	[tilespmem:$0x1C000] =	vst v63  }
0x47: {  	s1 =	smov.u32 s0  }
0x48: {  	p1 =	sne.s32 s0, $0x13000;
	s0 =	sadd.s32 $0x800, s0;
	_ =	swait.ge [sflag:s20], $0x2000  }
0x49: {  	s1 =	sshra.s32 s1, $0x2;
	[sflag:s20] =	ssyncset.done $0x0  }
0x4a: {  	s12 =	sadd.s32 $0x5000, s1;
	[sflag:s20] =	ssyncadd.s32 $0xFFFFE000  }
0x4b: {  	[spmem:s2] =	stream.indirect.scatter.add.f32 [tilespmem:s14], [sflag:$0x5], $0x40, s12, s13, $0xb8;
	[tilespmem:$0x1C000] =	vst v63  }
0x4c: {  	_ =	swait.ge [sflag:s11], $0x2000  }
0x4d: {  	[sflag:s11] =	ssyncset.done $0x0  }
0x4e: {  	s12 =	sadd.s32 $0x200, s1;
	[sflag:s11] =	ssyncadd.s32 $0xFFFFE000  }
0x4f: {  	[tilespmem:s14], [sflag:$0x1] =	stream.indirect.gather [hbm4b:s8+s13], $0x40, s12, s13, $0xb8;
	[tilespmem:$0x1C000] =	vst v63  }
0x50: {  	_ =	swait.ge [sflag:s21], $0x2000  }
0x51: {  	[sflag:s21] =	ssyncset.done $0x0  }
0x52: {  	s12 =	sadd.s32 $0x5080, s1;
	[sflag:s21] =	ssyncadd.s32 $0xFFFFE000  }
0x53: {  	[spmem:s2] =	stream.indirect.scatter.add.f32 [tilespmem:s15], [sflag:$0x5], $0x40, s12, s13, $0xb8;
	[tilespmem:$0x1C000] =	vst v63  }
0x54: {  	_ =	swait.ge [sflag:s11], $0x2000  }
0x55: {  	[sflag:s11] =	ssyncset.done $0x0  }
0x56: {  	s12 =	sadd.s32 $0x280, s1;
	[sflag:s11] =	ssyncadd.s32 $0xFFFFE000  }
0x57: {  	[tilespmem:s15], [sflag:$0x2] =	stream.indirect.gather [hbm4b:s8+s13], $0x40, s12, s13, $0xb8;
	[tilespmem:$0x1C000] =	vst v63  }
0x58: {  	_ =	swait.ge [sflag:s22], $0x2000  }
0x59: {  	[sflag:s22] =	ssyncset.done $0x0  }
0x5a: {  	s12 =	sadd.s32 $0x5100, s1;
	[sflag:s22] =	ssyncadd.s32 $0xFFFFE000  }
0x5b: {  	[spmem:s2] =	stream.indirect.scatter.add.f32 [tilespmem:s17], [sflag:$0x5], $0x40, s12, s13, $0xb8;
	[tilespmem:$0x1C000] =	vst v63  }
0x5c: {  	_ =	swait.ge [sflag:s11], $0x2000  }
0x5d: {  	[sflag:s11] =	ssyncset.done $0x0  }
0x5e: {  	s12 =	sadd.s32 $0x300, s1;
	[sflag:s11] =	ssyncadd.s32 $0xFFFFE000  }
0x5f: {  	[tilespmem:s17], [sflag:$0x3] =	stream.indirect.gather [hbm4b:s8+s13], $0x40, s12, s13, $0xb8;
	[tilespmem:$0x1C000] =	vst v63  }
0x60: {  	_ =	swait.ge [sflag:s24], $0x2000  }
0x61: {  	[sflag:s24] =	ssyncset.done $0x0  }
.Ltmp0:
0x62: {  	s12 =	sadd.s32 $0x5180, s1;
	[sflag:s24] =	ssyncadd.s32 $0xFFFFE000;
	(pc) =	sbr.rel @p1 .LBB2_2-.Ltmp0, $4  }
0x63: {  	[spmem:s2] =	stream.indirect.scatter.add.f32 [tilespmem:s19], [sflag:$0x5], $0x40, s12, s13, $0xb8;
	[tilespmem:$0x1C000] =	vst v63  }
0x64: {  	_ =	swait.ge [sflag:s11], $0x2000  }
0x65: {  	[sflag:s11] =	ssyncset.done $0x0  }
0x66: {  	s1 =	sadd.s32 $0x380, s1;
	[sflag:s11] =	ssyncadd.s32 $0xFFFFE000  }
0x67: {  	[tilespmem:s19], [sflag:$0x4] =	stream.indirect.gather [hbm4b:s8+s13], $0x40, s1, s13, $0xb8;
	[tilespmem:$0x1C000] =	vst v63  }
0x68: {  	_ =	swait.ge [sflag:s20], $0x2000  }
0x69: {  	[sflag:s20] =	ssyncset.done $0x0  }
0x6a: {  	[sflag:s20] =	ssyncadd.s32 $0xFFFFE000  }
0x6b: {  	[spmem:s2] =	stream.indirect.scatter.add.f32 [tilespmem:s14], [sflag:$0x5], $0x40, s26, s13, $0xb8;
	[tilespmem:$0x1C000] =	vst v63  }
0x6c: {  	_ =	swait.ge [sflag:s11], $0x2000  }
0x6d: {  	[sflag:s11] =	ssyncset.done $0x0  }
0x6e: {  	[sflag:s11] =	ssyncadd.s32 $0xFFFFE000  }
0x6f: {  	_ =	swait.ge [sflag:s21], $0x2000  }
0x70: {  	[sflag:s21] =	ssyncset.done $0x0  }
0x71: {  	[sflag:s21] =	ssyncadd.s32 $0xFFFFE000  }
0x72: {  	[spmem:s2] =	stream.indirect.scatter.add.f32 [tilespmem:s15], [sflag:$0x5], $0x40, s28, s13, $0xb8;
	[tilespmem:$0x1C000] =	vst v63  }
0x73: {  	_ =	swait.ge [sflag:s11], $0x2000  }
0x74: {  	[sflag:s11] =	ssyncset.done $0x0  }
0x75: {  	[sflag:s11] =	ssyncadd.s32 $0xFFFFE000  }
0x76: {  	_ =	swait.ge [sflag:s22], $0x2000  }
0x77: {  	[sflag:s22] =	ssyncset.done $0x0  }
0x78: {  	[sflag:s22] =	ssyncadd.s32 $0xFFFFE000  }
0x79: {  	[spmem:s2] =	stream.indirect.scatter.add.f32 [tilespmem:s17], [sflag:$0x5], $0x40, s29, s13, $0xb8;
	[tilespmem:$0x1C000] =	vst v63  }
0x7a: {  	_ =	swait.ge [sflag:s11], $0x2000  }
0x7b: {  	[sflag:s11] =	ssyncset.done $0x0  }
0x7c: {  	[sflag:s11] =	ssyncadd.s32 $0xFFFFE000  }
0x7d: {  	_ =	swait.ge [sflag:s24], $0x2000  }
0x7e: {  	[sflag:s24] =	ssyncset.done $0x0  }
0x7f: {  	[sflag:s24] =	ssyncadd.s32 $0xFFFFE000  }
0x80: {  	[spmem:s2] =	stream.indirect.scatter.add.f32 [tilespmem:s19], [sflag:$0x5], $0x40, s30, s13, $0xb8;
	[tilespmem:$0x1C000] =	vst v63  }
0x81: {  	_ =	swait.ge [sflag:s11], $0x2000  }
0x82: {  	s31 =	sadd.s32 $0x1, s31;
	[sflag:s11] =	ssyncset.done $0x0  }
0x83: {  	p1 =	sne.s32 s31, s9;
	[sflag:s11] =	ssyncadd.s32 $0xFFFFE000  }
.Ltmp1:
0x84: {  	s0 =	simm.s32 @!p0 $0x5;
	[bflag:$0x0] =	sbarrier.arrive $0xFFFF;
	(pc) =	sbr.rel @p1 .LBB2_1-.Ltmp1, $4  }
0x85: {  	[hbm:s23], [sflag:s5] =	dma.local @!p0 [spmem:s25], $0x1F40  }
0x86: {  	_ =	swait.ge @!p0 [sflag:s0], $0x1F40  }
0x87: {  	[sflag:s0] =	ssyncset.done @!p0 $0x0  }
0x88: {  	[sflag:s0] =	ssyncadd.s32 @!p0 $0xFFFFE0C0  }
0x89: {  	_ =	sfence.sel $0x180000  }
0x8a: {  	[bflag:$0x0] =	sbarrier.arrive $0xFFFF  }
0x8b: {  	_ =	strace $0x9000004D  }
0x8c: {  	s0 =	stileid.u32;
	[bflag:$0x2] =	sbarrier.arrive $0xFFFF  }
0x8d: {  	p0 =	sne.s32 s0, $0x0;
	s0 =	rddreg [dreg:$0x2]  }
0x8e: {  	s0 =	sadd.s32 @!p0 $0x100000, s0  }
0x8f: {  	[sflag:s0] =	ssyncadd.tile.s32 @!p0 $0x1;
	_ =	shalt  }
.Lfunc_end2:
_tile_overlayer_lowered:
.L_overlay_start_2:
0x90: {  	(tag) =	ssettag $0x2  }
0x91: {  	s0 =	rddreg [dreg:$0x0];
	s2 =	stileid.u32  }
0x92: {  	s1 =	rddreg [dreg:$0x1];
	p0 =	sne.s32 s2, $0x0  }
0x93: {  	s3 =	rddreg [dreg:$0x2];
	[bflag:$0x3] =	sbarrier.arrive $0xFFFF;
	s2 =	simm.s32 @!p0 $0x1C05  }
0x94: {  	[timem:s3], [sflag:s2] =	dma.local @!p0 [hbm:s0], s1  }
0x95: {  	s0 =	simm.s32 @!p0 $0x5  }
0x96: {  	_ =	swait.ge @!p0 [sflag:s0], s1  }
0x97: {  	s1 =	ssub.s32 @!p0 $0x0, s1;
	[sflag:s0] =	ssyncset.done @!p0 $0x0  }
0x98: {  	[sflag:s0] =	ssyncadd.s32 @!p0 s1  }
0x99: {  	[bflag:$0x3] =	sbarrier.arrive $0xFFFF  }
0x9a: {  	_ =	shalt  }

// kernel: kernel.8.cloned.1.call-start
scs
__scs_entry_jumppad:
0x0: {  	(pc) =	sbr.rel $0x88, $3  }
0x1: {  	(tag) =	ssettag $0x0;
	lr =	simm.s32 $0x1  }
0x2: {  	[smem:$0x3F9A] =	sst lr;
	_ =	strace $0xD0000000  }
0x3: {  	_ = 	snop  }
0x4: {  	_ = 	snop  }
0x5: {  	_ = 	snop  }
0x6: {  	_ = 	snop  }
0x7: {  	_ = 	snop  }
__scs_overlays_trampoline_lowered:
0x8: {  	[smem:$0x3FA9] =	sst s0  }
0x9: {  	[smem:$0x3FAA] =	sst s1  }
0xa: {  	[smem:$0x3FAB] =	sst s2  }
0xb: {  	[smem:$0x3FAC] =	sst s3  }
0xc: {  	[smem:$0x3FAD] =	sst s4  }
0xd: {  	[smem:$0x3FAE] =	sst s5  }
0xe: {  	[smem:$0x3FAF] =	sst s6  }
0xf: {  	[smem:$0x3FB0] =	sst s7  }
0x10: {  	[smem:$0x3FB1] =	sst s8  }
0x11: {  	[smem:$0x3FB2] =	sst s9;
	s0 =	simm.s32 @!p0 $0x0  }
0x12: {  	s1 =	sld [smem:$0x3F98];
	s0 =	simm.s32 @p0 $0x1  }
0x13: {  	[smem:$0x3FB3] =	sst s0;
	s0 =	simm.s32 @!p1 $0x0  }
0x14: {  	s2 =	sld [smem:$0x3F97];
	s0 =	simm.s32 @p1 $0x1  }
0x15: {  	[smem:$0x3FB4] =	sst s0;
	s0 =	simm.s32 @!p2 $0x0  }
0x16: {  	s3 =	sld [smem:$0x3FDB];
	s0 =	simm.s32 @p2 $0x1  }
0x17: {  	s4 =	simm.s32 $0x1BF5;
	[smem:$0x3FB6] =	sst s0  }
0x18: {  	s0 =	sld [smem:$0x3F99];
	_ =	swait.ge [sflag:s4], $0x0  }
0x19: {  	s7 =	sld [smem:$0x3F9A]  }
0x1a: {  	s8 =	sadd.s32 $0xFFFFE003, lr  }
0x1b: {  	s9 =	sadd.s32 $0xFFFFFEF7, lr;
	s5 =	simm.s32 $0xFFFFFFFF;
	p2 =	slt.u32 s8, $0xFFFFF086  }
0x1c: {  	p1 =	slt.u32 s9, $0xF7A;
	s5 =	simm.s32 @!p2 $0x0  }
0x1d: {  	s5 =	simm.s32 @p1 $0x1;
	p0 =	seq.s32 s7, s2  }
0x1e: {  	s7 =	smul.u32 @!p0 $0xF7A, s2;
	p2 =	seq.s32 @!p0 s5, $0x0  }
0x1f: {  	s9 =	smul.u32 $0xF7A, s1;
	s8 =	simm.s32 @!p0 $0x1BF5;
	p2 =	por !p2, p0  }
0x20: {  	[sflag:s8] =	ssyncset.s32 @!p0 $0xFFFFF086;
	s6 =	sadd.s32 @!p0 s3, s7;
	s7 =	simm.s32 @!p0 $0x108  }
0x21: {  	s3 =	sadd.s32 s3, s9;
	s6 =	sadd.s32 @!p0 $0x88, s6;
	s7 =	simm.s32 @p2 $0x1082  }
0x22: {  	[simem:s7], [sflag:s8] =	dma.local @!p0 [hbm:s6], $0xF7A  }
0x23: {  	s9 =	sor.u32 $0xD0000000, s2;
	s6 =	simm.s32 $0x108;
	_ =	swait.ge @!p0 [sflag:s8], $0x0  }
0x24: {  	s3 =	sadd.s32 $0x88, s3;
	s6 =	simm.s32 @!p1 $0x1082;
	[sflag:s4] =	ssyncset.s32 $0xFFFFF086  }
0x25: {  	[simem:s6], [sflag:s4] =	dma.local [hbm:s3], $0xF7A  }
0x26: {  	[smem:$0x3F9A] =	sst s1;
	(tag) =	ssettag s2;
	_ =	strace s9  }
0x27: {  	s1 =	sld [smem:$0x3FAA]  }
0x28: {  	s2 =	sld [smem:$0x3FAB]  }
0x29: {  	s4 =	sld [smem:$0x3FAD]  }
0x2a: {  	p0 =	seq.s32 s5, $0x0;
	s5 =	sld [smem:$0x3FAE]  }
0x2b: {  	s6 =	sld [smem:$0x3FAF]  }
0x2c: {  	s7 =	sld [smem:$0x3FB0]  }
0x2d: {  	s3 =	simm.s32 $0x108;
	s8 =	sld [smem:$0x3FB1]  }
0x2e: {  	s3 =	simm.s32 @!p0 $0x1082;
	s9 =	sld [smem:$0x3FB2]  }
0x2f: {  	lr =	sadd.s32 s0, s3;
	s0 =	sld [smem:$0x3FA9]  }
0x30: {  	s3 =	sld [smem:$0x3FAC]  }
0x31: {  	[smem:$0x3FB5] =	sst s10  }
0x32: {  	s10 =	sld [smem:$0x3FB3];
	_ =	sdelay $0x3  }
0x33: {  	p0 =	seq.s32 s10, $0x1;
	s10 =	sld [smem:$0x3FB5];
	_ =	sdelay $0x3  }
0x34: {  	[smem:$0x3FB5] =	sst s10  }
0x35: {  	s10 =	sld [smem:$0x3FB4];
	_ =	sdelay $0x3  }
0x36: {  	p1 =	seq.s32 s10, $0x1;
	s10 =	sld [smem:$0x3FB5];
	_ =	sdelay $0x3  }
0x37: {  	[smem:$0x3FB5] =	sst s10  }
0x38: {  	s10 =	sld [smem:$0x3FB6]  }
0x39: {  	_ = 	snop;
	(pc) =	sbr.ind lr, $3  }
0x3a: {  	_ = 	snop  }
0x3b: {  	_ = 	snop  }
0x3c: {  	p2 =	seq.s32 s10, $0x1;
	s10 =	sld [smem:$0x3FB5]  }
0x3d: {  	_ =	shalt  }
0x3e: {  	_ =	shalt  }
0x3f: {  	_ =	shalt  }
0x40: {  	_ =	shalt  }
0x41: {  	_ =	shalt  }
0x42: {  	_ =	shalt  }
0x43: {  	_ =	shalt  }
0x44: {  	_ =	shalt  }
0x45: {  	_ =	shalt  }
0x46: {  	_ =	shalt  }
0x47: {  	_ =	shalt  }
0x48: {  	_ =	shalt  }
0x49: {  	_ =	shalt  }
0x4a: {  	_ =	shalt  }
0x4b: {  	_ =	shalt  }
0x4c: {  	_ =	shalt  }
0x4d: {  	_ =	shalt  }
0x4e: {  	_ =	shalt  }
0x4f: {  	_ =	shalt  }
0x50: {  	_ =	shalt  }
0x51: {  	_ =	shalt  }
0x52: {  	_ =	shalt  }
0x53: {  	_ =	shalt  }
0x54: {  	_ =	shalt  }
0x55: {  	_ =	shalt  }
0x56: {  	_ =	shalt  }
0x57: {  	_ =	shalt  }
0x58: {  	_ =	shalt  }
0x59: {  	_ =	shalt  }
0x5a: {  	_ =	shalt  }
0x5b: {  	_ =	shalt  }
0x5c: {  	_ =	shalt  }
0x5d: {  	_ =	shalt  }
0x5e: {  	_ =	shalt  }
0x5f: {  	_ =	shalt  }
0x60: {  	_ =	shalt  }
0x61: {  	_ =	shalt  }
0x62: {  	_ =	shalt  }
0x63: {  	_ =	shalt  }
0x64: {  	_ =	shalt  }
0x65: {  	_ =	shalt  }
0x66: {  	_ =	shalt  }
0x67: {  	_ =	shalt  }
0x68: {  	_ =	shalt  }
0x69: {  	_ =	shalt  }
0x6a: {  	_ =	shalt  }
0x6b: {  	_ =	shalt  }
0x6c: {  	_ =	shalt  }
0x6d: {  	_ =	shalt  }
0x6e: {  	_ =	shalt  }
0x6f: {  	_ =	shalt  }
0x70: {  	_ =	shalt  }
0x71: {  	_ =	shalt  }
0x72: {  	_ =	shalt  }
0x73: {  	_ =	shalt  }
0x74: {  	_ =	shalt  }
0x75: {  	_ =	shalt  }
0x76: {  	_ =	shalt  }
0x77: {  	_ =	shalt  }
0x78: {  	_ =	shalt  }
0x79: {  	_ =	shalt  }
0x7a: {  	_ =	shalt  }
0x7b: {  	_ =	shalt  }
0x7c: {  	_ =	shalt  }
0x7d: {  	_ =	shalt  }
0x7e: {  	_ =	shalt  }
0x7f: {  	_ =	shalt  }
0x80: {  	_ =	shalt  }
0x81: {  	_ =	shalt  }
0x82: {  	_ =	shalt  }
0x83: {  	_ =	shalt  }
0x84: {  	_ =	shalt  }
0x85: {  	_ =	shalt  }
0x86: {  	_ =	shalt  }
0x87: {  	_ =	shalt  }
.Lfunc_end0:
.L_simem_size_0:
called_computation_lowered:
.L_overlay_start_0:
0x88: {  	s2 =	sld [smem:$0x3FD9]  }
0x89: {  	s3 =	sld [smem:$0x3FFE];
	_ =	sdelay $0x1  }
0x8a: {  	s1 =	srdreg.scid  }
0x8b: {  	s0 =	sand.u32 $0x1, s1  }
0x8c: {  	s17 =	sshll.u32 s0, $0xA;
	s2 =	sadd.s32 s3, s2  }
0x8d: {  	s2 =	sadd.s32 s2, s17  }
0x8e: {  	[smem:$0x3FC1] =	sst s2  }
0x8f: {  	_ = 	snop  }
0x90: {  	s2 =	sld [smem:$0x3FD0];
	(tm) =	ssettm $0x1  }
0x91: {  	s18 =	sld [smem:$0x3FFB];
	_ =	sdelay $0x3  }
0x92: {  	_ =	strace s18  }
0x93: {  	s3 =	sld [smem:$0x3FFC];
	_ =	sdelay $0x3  }
0x94: {  	_ =	strace s3  }
0x95: {  	s3 =	sld [smem:$0x3FFD];
	_ =	sdelay $0x3  }
0x96: {  	_ =	strace s3  }
0x97: {  	_ =	strace $0x8FFFFFFF  }
0x98: {  	s19 =	sld [smem:$0x3FDB];
	_ =	sdelay $0x1  }
0x99: {  	s4 =	simm.s32 $_scs_section_size  }
0x9a: {  	s5 =	simm.s32 $_size__tile_overlayer_lowered;
	s6 =	simm.s32 $_tile_overlayer_lowered  }
0x9b: {  	s22 =	simm.s32 $0x1BFF;
	s21 =	sshll.u32 s6, $0x1;
	s3 =	sadd.s32 s4, s19  }
0x9c: {  	s7 =	simm.s32 $0x0;
	s20 =	sshll.u32 s5, $0x1;
	s5 =	sadd.s32 s21, s3  }
0x9d: {  	[timem:s7], [sflag:s22] =	dma.local [hbm:s5], s20  }
0x9e: {  	_ =	swait.ge [sflag:s22], s20  }
0x9f: {  	s4 =	ssub.s32 $0x0, s20;
	[sflag:s22] =	ssyncset.done $0x0  }
0xa0: {  	[sflag:s22] =	ssyncadd.s32 s4;
	_ =	sdelay $0x1  }
0xa1: {  	s23 =	simm.s32 $0x1B8B  }
0xa2: {  	_ =	swait.ge [sflag:s23], $0x1  }
0xa3: {  	[sflag:s23] =	ssyncset.done $0x0  }
0xa4: {  	s25 =	simm.s32 $0x1B8E;
	s24 =	sld [smem:$0x3FFE];
	[sflag:s23] =	ssyncadd.s32 $0xFFFFFFFF  }
0xa5: {  	s26 =	simm.s32 $execute0_lowered;
	[smem:$0x3FD2] =	sst s25  }
0xa6: {  	s5 =	sshll.u32 s26, $0x1;
	_ =	strace $0x80000046;
	[dreg:$0x1] =	wrdreg $0xFFFFFFFF  }
0xa7: {  	s28 =	simm.s32 $_size_execute0_lowered;
	s3 =	sadd.s32 s3, s5;
	[dreg:$0x0] =	wrdreg $0x0  }
0xa8: {  	s5 =	sshll.u32 s28, $0x1;
	[dreg:$0x2] =	wrdreg s3  }
0xa9: {  	[dreg:$0x3] =	wrdreg s5  }
0xaa: {  	[dreg:$0x4] =	wrdreg $0xC0  }
0xab: {  	_ =	task [dreg:s7], $0x5FFFF  }
0xac: {  	[dreg:$0x1] =	wrdreg $0xFFFFFFFF  }
0xad: {  	[dreg:$0x0] =	wrdreg $0x60  }
0xae: {  	[dreg:$0x2] =	wrdreg s24  }
0xaf: {  	[dreg:$0x3] =	wrdreg s2  }
0xb0: {  	[dreg:$0x4] =	wrdreg $0x30000  }
0xb1: {  	[dreg:$0x5] =	wrdreg $0x9  }
0xb2: {  	_ =	task.clear_ibuf [dreg:s7], $0x6FFFF;
	_ =	strace $0x90000046  }
0xb3: {  	s29 =	simm.s32 $0x9;
	_ =	strace $0x80000048  }
0xb4: {  	_ =	swait.ge [sflag:s29], $0x1  }
0xb5: {  	[sflag:s29] =	ssyncadd.s32 $0xFFFFFFFF  }
0xb6: {  	_ =	strace $0x90000048  }
0xb7: {  	_ =	sfence  }
0xb8: {  	s30 =	sld [smem:$0x0];
	_ =	sdelay $0x2  }
0xb9: {  	s31 =	sshll.u32 s1, $0xD;
	s1 =	sshrl.u32 s1, $0x2  }
0xba: {  	s3 =	sand.u32 $0x4000, s31;
	s1 =	sadd.s32 s1, s30  }
0xbb: {  	s0 =	sor.u32 s3, s0;
	s1 =	sshll.u32 s1, $0x11  }
0xbc: {  	s0 =	sor.u32 s1, s0  }
0xbd: {  	s0 =	sadd.s32 $0x8F2B, s0  }
0xbe: {  	[sflag:s0] =	ssyncadd.remote.s32 $0x1  }
0xbf: {  	_ =	sfence.sel $0xFFFF  }
0xc0: {  	[dreg:$0x0] =	wrdreg $0xFFFFFFFF;
	(pc) =	sbr.abs _section_cstart, $3  }
0xc1: {  	[dreg:$0x1] =	wrdreg $0xFFFFFFFF  }
0xc2: {  	_ =	task.clear_ibuf [dreg:s7], $0x2FFFF;
	_ =	strace $0x9FFFFFFF  }
0xc3: {  	(tm) =	ssettm $0x7FFFFFFF  }
tec
execute0_lowered:
.L_overlay_start_1:
0x0: {  	(tag) =	ssettag $0x1  }
0x1: {  	s5 =	rddreg [dreg:$0x0]  }
0x2: {  	s2 =	rddreg [dreg:$0x1]  }
0x3: {  	s3 =	rddreg [dreg:$0x2]  }
0x4: {  	s0 =	rddreg [dreg:$0x3];
	s1 =	stileid.u32  }
0x5: {  	s4 =	simm.s32 $0x0;
	s7 =	srdreg.scid;
	s6 =	smul.u32 $0xA00, s1  }
0x6: {  	[smem:$0x7FF] =	sst s4;
	s8 =	smul.u32 $0x2800, s1  }
0x7: {  	s7 =	sand.u32 $0x1, s7;
	s12 =	sshll.u32 s1, $0x6;
	s31 =	smul.u32 $0x3E80, s1  }
0x8: {  	p0 =	sgt.u32 s1, $0x9;
	_ =	strace $0x80000047;
	s9 =	smul.u32 $0x4E20, s7  }
0x9: {  	s11 =	ssub.s32 $0x2, s7;
	s13 =	smul.u32 $0x500, s7;
	s10 =	sadd.s32 s6, s5  }
0xa: {  	s29 =	sshrl.u32 s8, $0x3;
	s30 =	sshrl.u32 s11, $0x1;
	s8 =	sadd.s32 s8, s3  }
0xb: {  	s15 =	sshrl.u32 s31, $0x3;
	s16 =	sadd.s32 s31, s3;
	s6 =	sadd.s32 s29, s5  }
0xc: {  	s9 =	sadd.s32 s9, s5;
	s11 =	ssub.s32 s11, s30;
	s10 =	sadd.s32 $0x2000, s10  }
0xd: {  	s8 =	sshrl.u32 s8, $0x3;
	s5 =	sadd.s32 $0x16000, s6;
	s6 =	sor.u32 $0x1C01, s12  }
0xe: {  	s14 =	sadd.s32 $0x1B000, s9;
	s7 =	smax.u32 s11, $0x1;
	s9 =	simm.s32 $0x1  }
0xf: {  	s10 =	sadd.s32 s13, s10;
	s11 =	simm.s32 $0x2800;
	s12 =	simm.s32 $0x80  }
0x10: {  	s13 =	sadd.s32 @!p0 s15, s14;
	s14 =	sshrl.u32 @!p0 s16, $0x3;
	s15 =	simm.s32 $0x0  }
.LBB2_1:
0x11: {  	[spmem:s8], [sflag:s6] =	dma.local [hbm:s5], $0x500  }
0x12: {  	_ =	swait.ge [sflag:s9], $0x500  }
0x13: {  	[sflag:s9] =	ssyncset.done $0x0  }
0x14: {  	[sflag:s9] =	ssyncadd.s32 $0xFFFFFB00  }
0x15: {  	[tilespmem:s4], [sflag:$0x1] =	stream.linear.gather [hbm4b:s10+s4], $0x2800, $0x38;
	[tilespmem:$0x5800] =	vst v63  }
0x16: {  	_ =	swait.ge [sflag:s9], $0x2800  }
0x17: {  	[sflag:s9] =	ssyncset.done $0x0  }
0x18: {  	[sflag:s9] =	ssyncadd.s32 $0xFFFFD800  }
0x19: {  	[tilespmem:s11], [sflag:$0x1] =	stream.linear.gather [hbm4b:s2+s4], $0x800, $0x38;
	[tilespmem:$0x5800] =	vst v63  }
0x1a: {  	_ =	swait.ge [sflag:s9], $0x800  }
0x1b: {  	[sflag:s9] =	ssyncset.done $0x0  }
0x1c: {  	[sflag:s9] =	ssyncadd.s32 $0xFFFFF800  }
0x1d: {  	s16 =	simm.s32 $0x0;
	[bflag:$0x0] =	sbarrier.arrive $0xFFFF  }
0x1e: {  	[spmem:s3] =	stream.indirect.scatter.add.f32 [tilespmem:s11], [sflag:$0x1], $0x10, s16, s12, $0xb8;
	[tilespmem:$0x5800] =	vst v63  }
0x1f: {  	_ =	swait.ge [sflag:s9], $0x800  }
0x20: {  	s16 =	simm.s32 $0x200;
	[sflag:s9] =	ssyncset.done $0x0  }
.LBB2_2:
0x21: {  	s17 =	sshra.s32 s16, $0x2;
	[sflag:s9] =	ssyncadd.s32 $0xFFFFF800;
	p1 =	sne.s32 s16, $0x9E00  }
0x22: {  	[spmem:s3] =	stream.indirect.scatter.add.f32 [tilespmem:s11], [sflag:$0x1], $0x10, s17, s12, $0xb8;
	[tilespmem:$0x5800] =	vst v63  }
.Ltmp0:
0x23: {  	_ = 	snop;
	(pc) =	sbr.rel @p1 .LBB2_2-.Ltmp0, $4  }
0x24: {  	_ = 	snop  }
0x25: {  	s16 =	sadd.s32 $0x200, s16  }
0x26: {  	_ =	swait.ge [sflag:s9], $0x800  }
0x27: {  	[sflag:s9] =	ssyncset.done $0x0  }
0x28: {  	s15 =	sadd.s32 $0x1, s15  }
0x29: {  	[sflag:s9] =	ssyncadd.s32 $0xFFFFF800;
	p1 =	sne.s32 s15, s7  }
.Ltmp1:
0x2a: {  	s16 =	simm.s32 @!p0 $0x1;
	[bflag:$0x0] =	sbarrier.arrive $0xFFFF;
	(pc) =	sbr.rel @p1 .LBB2_1-.Ltmp1, $4  }
0x2b: {  	[hbm:s13], [sflag:s6] =	dma.local @!p0 [spmem:s14], $0x7D0  }
0x2c: {  	_ =	swait.ge @!p0 [sflag:s16], $0x7D0  }
0x2d: {  	[sflag:s16] =	ssyncset.done @!p0 $0x0  }
0x2e: {  	[sflag:s16] =	ssyncadd.s32 @!p0 $0xFFFFF830  }
0x2f: {  	_ =	sfence.sel $0x180000  }
0x30: {  	[bflag:$0x0] =	sbarrier.arrive $0xFFFF  }
0x31: {  	p0 =	sne.s32 s1, $0x0;
	_ =	strace $0x90000047  }
0x32: {  	s0 =	sadd.s32 @!p0 $0x100000, s0;
	[bflag:$0x2] =	sbarrier.arrive $0xFFFF  }
0x33: {  	[sflag:s0] =	ssyncadd.tile.s32 @!p0 $0x1;
	_ =	shalt  }
.Lfunc_end2:
_tile_overlayer_lowered:
.L_overlay_start_2:
0x34: {  	(tag) =	ssettag $0x2  }
0x35: {  	s0 =	rddreg [dreg:$0x0];
	s2 =	stileid.u32  }
0x36: {  	s1 =	rddreg [dreg:$0x1];
	p0 =	sne.s32 s2, $0x0  }
0x37: {  	s3 =	rddreg [dreg:$0x2];
	[bflag:$0x3] =	sbarrier.arrive $0xFFFF;
	s2 =	simm.s32 @!p0 $0x1C01  }
0x38: {  	[timem:s3], [sflag:s2] =	dma.local @!p0 [hbm:s0], s1  }
0x39: {  	s0 =	simm.s32 @!p0 $0x1  }
0x3a: {  	_ =	swait.ge @!p0 [sflag:s0], s1  }
0x3b: {  	s1 =	ssub.s32 @!p0 $0x0, s1;
	[sflag:s0] =	ssyncset.done @!p0 $0x0  }
0x3c: {  	[sflag:s0] =	ssyncadd.s32 @!p0 s1  }
0x3d: {  	[bflag:$0x3] =	sbarrier.arrive $0xFFFF  }
0x3e: {  	_ =	shalt  }

</sc_bundles>
